<compile_context>
chip_gen: v7x
topology: tpu7x:2x2x1
jax: 0.10.2.dev20260603
libtpu: 0.0.44.dev20260713+nightly
codegen_flags: <defaults>
</compile_context>

<pallas_src>
import functools

import jax
import jax.numpy as jnp
from jax import lax
from jax.experimental import pallas as pl
from jax.experimental.pallas import tpu as pltpu
from jax.experimental.pallas import tpu_sc as plsc

N_LANES = 16
N_WORKERS = 32
CHUNK = 128
STRIDE = 17


def _row_product(p_ref, q_ref, r, rank):
    terms = []
    for c in range(rank // N_LANES):
        p = p_ref[r, pl.ds(c * N_LANES, N_LANES)]
        q = q_ref[r, pl.ds(c * N_LANES, N_LANES)]
        terms.append(1.0 + jnp.exp(-(p + q)))
    while len(terms) > 1:
        terms = [a * b for a, b in zip(terms[::2], terms[1::2])]
    return terms[0]


GROUP_WORDS = N_LANES * STRIDE


def _compute_chunk(p_ref, q_ref, out_ref, stage, out_base, rank):
    lane = lax.iota(jnp.int32, N_LANES)
    zero = jnp.zeros((N_LANES,), jnp.int32)
    col_idx = lane * STRIDE

    @plsc.parallel_loop(0, CHUNK // N_LANES)
    def group_body(g):
        gbase = g * GROUP_WORDS

        @plsc.parallel_loop(0, N_LANES, unroll=4)
        def row_body(r):
            m = _row_product(p_ref, q_ref, g * N_LANES + r, rank)
            stage[0, pl.ds(gbase + r * STRIDE, N_LANES)] = m

        gcol = col_idx + gbase
        acc = plsc.load_gather(stage, [zero, gcol])
        for l in range(1, N_LANES):
            acc = acc * plsc.load_gather(stage, [zero, gcol + l])
        out_ref[pl.ds(out_base + g * N_LANES, N_LANES)] = 1.0 / acc


N_BUF = 3


def _sc_kernel(rows_per_w, i_hbm, j_hbm, p_hbm, q_hbm, out_hbm,
               iv, jv, pb0, pb1, pb2, qb0, qb1, qb2, outv, stage,
               isem, sem0, sem1, sem2):
    nchunks = rows_per_w // CHUNK
    wid = lax.axis_index("s") * 2 + lax.axis_index("c")
    base = wid * rows_per_w

    idx_copies = []
    for c in range(nchunks):
        idx_copies.append(
            pltpu.async_copy(i_hbm.at[pl.ds(base + c * CHUNK, CHUNK)], iv.at[c], isem))
        idx_copies.append(
            pltpu.async_copy(j_hbm.at[pl.ds(base + c * CHUNK, CHUNK)], jv.at[c], isem))
    for d in idx_copies:
        d.wait()

    pbufs, qbufs, sems = (pb0, pb1, pb2), (qb0, qb1, qb2), (sem0, sem1, sem2)

    def issue(c):
        s = c % N_BUF
        return (pltpu.async_copy(p_hbm.at[iv.at[c]], pbufs[s], sems[s]),
                pltpu.async_copy(q_hbm.at[jv.at[c]], qbufs[s], sems[s]))

    pending = {c: issue(c) for c in range(min(N_BUF, nchunks))}
    for c in range(nchunks):
        for d in pending.pop(c):
            d.wait()
        s = c % N_BUF
        _compute_chunk(pbufs[s], qbufs[s], outv, stage, c * CHUNK,
                       pbufs[s].shape[1])
        if c + N_BUF < nchunks:
            pending[c + N_BUF] = issue(c + N_BUF)

    pltpu.sync_copy(outv, out_hbm.at[pl.ds(base, rows_per_w)])


def kernel(i, j, P, Q):
    batch = i.shape[0]
    rows_per_w = batch // N_WORKERS
    nchunks = rows_per_w // CHUNK
    rank = P.shape[1]

    mesh = plsc.VectorSubcoreMesh(core_axis_name="c", subcore_axis_name="s")
    run = pl.kernel(
        functools.partial(_sc_kernel, rows_per_w),
        out_type=jax.ShapeDtypeStruct((batch,), jnp.float32),
        mesh=mesh,
        compiler_params=pltpu.CompilerParams(needs_layout_passes=False),
        scratch_types=[
            pltpu.VMEM((nchunks, CHUNK), jnp.int32),
            pltpu.VMEM((nchunks, CHUNK), jnp.int32),
            pltpu.VMEM((CHUNK, rank), jnp.float32),
            pltpu.VMEM((CHUNK, rank), jnp.float32),
            pltpu.VMEM((CHUNK, rank), jnp.float32),
            pltpu.VMEM((CHUNK, rank), jnp.float32),
            pltpu.VMEM((CHUNK, rank), jnp.float32),
            pltpu.VMEM((CHUNK, rank), jnp.float32),
            pltpu.VMEM((rows_per_w,), jnp.float32),
            pltpu.VMEM((1, (CHUNK // N_LANES) * N_LANES * STRIDE), jnp.float32),
            pltpu.SemaphoreType.DMA,
            pltpu.SemaphoreType.DMA,
            pltpu.SemaphoreType.DMA,
            pltpu.SemaphoreType.DMA,
        ],
    )
    out = run(i.astype(jnp.int32), j.astype(jnp.int32), P, Q)
    return out.reshape(-1, 1)

# --- scband reference (transcript-rebuilt; emitter-appended) ---
"""Pipeline reference for scband-mirt-torch-8323646620617 (READ-ONLY COPY).

The authoritative reference and input builder live on the scoring server;
editing this copy changes nothing except your own understanding.
"""

import jax, jax.numpy as jnp
import numpy as np

N_P = 1000000
N_Q = 100000
RANK = 128
BATCH = 16384

def setup_inputs(seed: int = 0) -> dict:
    key = jax.random.key(seed)
    k1, k2, k3, k4 = jax.random.split(key, 4)
    i = jax.random.randint(k1, (BATCH,), 0, N_P, dtype=jnp.int64 if jax.config.jax_enable_x64 else jnp.int32)
    j = jax.random.randint(k2, (BATCH,), 0, N_Q, dtype=jnp.int64 if jax.config.jax_enable_x64 else jnp.int32)
    P = jax.random.normal(k3, (N_P, RANK), dtype=jnp.float32)
    Q = jax.random.normal(k4, (N_Q, RANK), dtype=jnp.float32)
    return {"i": i, "j": j, "P": P, "Q": Q}

def reference(i, j, P, Q):
    p = jnp.take(P, i, axis=0)  # [B, rank] embedding lookup
    q = jnp.take(Q, j, axis=0)  # [B, rank] embedding lookup
    out = jnp.prod(jax.nn.sigmoid(p + q), axis=1).reshape(-1, 1)
    return out

if __name__ == "__main__":
    import jax
    _d = setup_inputs()
    print(jax.jit(kernel)(*tuple(_d.values())))

</pallas_src>

<mosaic_0001>
#map = affine_map<(d0, d1) -> (0)>
#map1 = affine_map<(d0, d1) -> (0, 0)>
module attributes {stable_mosaic.version = 14 : i64} {
  func.func @_sc_kernel(%arg0: i32, %arg1: i32, %arg2: memref<16384xi32, #tpu.memory_space<hbm>>, %arg3: memref<16384xi32, #tpu.memory_space<hbm>>, %arg4: memref<1000000x128xf32, #tpu.memory_space<hbm>>, %arg5: memref<100000x128xf32, #tpu.memory_space<hbm>>, %arg6: memref<16384xf32, #tpu.memory_space<hbm>>, %arg7: memref<4x128xi32, #tpu.memory_space<vmem>>, %arg8: memref<4x128xi32, #tpu.memory_space<vmem>>, %arg9: memref<128x128xf32, #tpu.memory_space<vmem>>, %arg10: memref<128x128xf32, #tpu.memory_space<vmem>>, %arg11: memref<128x128xf32, #tpu.memory_space<vmem>>, %arg12: memref<128x128xf32, #tpu.memory_space<vmem>>, %arg13: memref<128x128xf32, #tpu.memory_space<vmem>>, %arg14: memref<128x128xf32, #tpu.memory_space<vmem>>, %arg15: memref<512xf32, #tpu.memory_space<vmem>>, %arg16: memref<1x2176xf32, #tpu.memory_space<vmem>>, %arg17: memref<!tpu.dma_semaphore, #tpu.memory_space<semaphore_mem>>, %arg18: memref<!tpu.dma_semaphore, #tpu.memory_space<semaphore_mem>>, %arg19: memref<!tpu.dma_semaphore, #tpu.memory_space<semaphore_mem>>, %arg20: memref<!tpu.dma_semaphore, #tpu.memory_space<semaphore_mem>>) attributes {dimension_semantics = [#tpu.dimension_semantics<core_parallel>, #tpu.dimension_semantics<subcore_parallel>], iteration_bounds = array<i64: 2, 16>, scalar_prefetch = 0 : i64, scratch_operands = 14 : i64, tpu.core_type = #tpu.core_type<sc_vector_subcore>, window_params = [{transform_indices = #map}, {transform_indices = #map}, {transform_indices = #map1}, {transform_indices = #map1}, {transform_indices = #map}]} {
    %mul3A = arith.constant 2 : i32
    %mul3A_0 = arith.muli %arg1, %mul3A : i32
    %add3A = arith.addi %mul3A_0, %arg0 : i32
    %mul3A_1 = arith.constant 512 : i32
    %mul3A_2 = arith.muli %add3A, %mul3A_1 : i32
    %add3A_3 = arith.constant 0 : i32
    %add3A_4 = arith.addi %mul3A_2, %add3A_3 : i32
    %dma_start3A = arith.constant 0 : i32
    %dma_start3A_5 = arith.constant 0 : i32
    %dma_start3A_6 = tpu.memref_slice %arg7[%dma_start3A, %dma_start3A_5] : memref<4x128xi32, #tpu.memory_space<vmem>> -> memref<1x128xi32, #tpu.memory_space<vmem>>
    %dma_start3A_7 = tpu.memref_squeeze %dma_start3A_6 : memref<1x128xi32, #tpu.memory_space<vmem>> -> memref<128xi32, #tpu.memory_space<vmem>>
    %dma_start3A_8 = tpu.memref_slice %arg2[%add3A_4] : memref<16384xi32, #tpu.memory_space<hbm>> -> memref<128xi32, #tpu.memory_space<hbm>>
    %dma_start3A_9 = arith.constant 0 : i32
    %dma_start3A_10 = tpu.memref_slice %arg7[%dma_start3A, %dma_start3A_9] : memref<4x128xi32, #tpu.memory_space<vmem>> -> memref<1x128xi32, #tpu.memory_space<vmem>>
    %dma_start3A_11 = tpu.memref_squeeze %dma_start3A_10 : memref<1x128xi32, #tpu.memory_space<vmem>> -> memref<128xi32, #tpu.memory_space<vmem>>
    %dma_start3A_12 = tpu.memref_slice %arg2[%add3A_4] : memref<16384xi32, #tpu.memory_space<hbm>> -> memref<128xi32, #tpu.memory_space<hbm>>
    tpu.enqueue_dma source(%dma_start3A_12 : memref<128xi32, #tpu.memory_space<hbm>>) target(%dma_start3A_11 : memref<128xi32, #tpu.memory_space<vmem>>) target_semaphore(%arg17 : memref<!tpu.dma_semaphore, #tpu.memory_space<semaphore_mem>>)
    %add3A_13 = arith.constant 0 : i32
    %add3A_14 = arith.addi %mul3A_2, %add3A_13 : i32
    %dma_start3A_15 = arith.constant 0 : i32
    %dma_start3A_16 = arith.constant 0 : i32
    %dma_start3A_17 = tpu.memref_slice %arg8[%dma_start3A_15, %dma_start3A_16] : memref<4x128xi32, #tpu.memory_space<vmem>> -> memref<1x128xi32, #tpu.memory_space<vmem>>
    %dma_start3A_18 = tpu.memref_squeeze %dma_start3A_17 : memref<1x128xi32, #tpu.memory_space<vmem>> -> memref<128xi32, #tpu.memory_space<vmem>>
    %dma_start3A_19 = tpu.memref_slice %arg3[%add3A_14] : memref<16384xi32, #tpu.memory_space<hbm>> -> memref<128xi32, #tpu.memory_space<hbm>>
    %dma_start3A_20 = arith.constant 0 : i32
    %dma_start3A_21 = tpu.memref_slice %arg8[%dma_start3A_15, %dma_start3A_20] : memref<4x128xi32, #tpu.memory_space<vmem>> -> memref<1x128xi32, #tpu.memory_space<vmem>>
    %dma_start3A_22 = tpu.memref_squeeze %dma_start3A_21 : memref<1x128xi32, #tpu.memory_space<vmem>> -> memref<128xi32, #tpu.memory_space<vmem>>
    %dma_start3A_23 = tpu.memref_slice %arg3[%add3A_14] : memref<16384xi32, #tpu.memory_space<hbm>> -> memref<128xi32, #tpu.memory_space<hbm>>
    tpu.enqueue_dma source(%dma_start3A_23 : memref<128xi32, #tpu.memory_space<hbm>>) target(%dma_start3A_22 : memref<128xi32, #tpu.memory_space<vmem>>) target_semaphore(%arg17 : memref<!tpu.dma_semaphore, #tpu.memory_space<semaphore_mem>>)
    %add3A_24 = arith.constant 128 : i32
    %add3A_25 = arith.addi %mul3A_2, %add3A_24 : i32
    %dma_start3A_26 = arith.constant 1 : i32
    %dma_start3A_27 = arith.constant 0 : i32
    %dma_start3A_28 = tpu.memref_slice %arg7[%dma_start3A_26, %dma_start3A_27] : memref<4x128xi32, #tpu.memory_space<vmem>> -> memref<1x128xi32, #tpu.memory_space<vmem>>
    %dma_start3A_29 = tpu.memref_squeeze %dma_start3A_28 : memref<1x128xi32, #tpu.memory_space<vmem>> -> memref<128xi32, #tpu.memory_space<vmem>>
    %dma_start3A_30 = tpu.memref_slice %arg2[%add3A_25] : memref<16384xi32, #tpu.memory_space<hbm>> -> memref<128xi32, #tpu.memory_space<hbm>>
    %dma_start3A_31 = arith.constant 0 : i32
    %dma_start3A_32 = tpu.memref_slice %arg7[%dma_start3A_26, %dma_start3A_31] : memref<4x128xi32, #tpu.memory_space<vmem>> -> memref<1x128xi32, #tpu.memory_space<vmem>>
    %dma_start3A_33 = tpu.memref_squeeze %dma_start3A_32 : memref<1x128xi32, #tpu.memory_space<vmem>> -> memref<128xi32, #tpu.memory_space<vmem>>
    %dma_start3A_34 = tpu.memref_slice %arg2[%add3A_25] : memref<16384xi32, #tpu.memory_space<hbm>> -> memref<128xi32, #tpu.memory_space<hbm>>
    tpu.enqueue_dma source(%dma_start3A_34 : memref<128xi32, #tpu.memory_space<hbm>>) target(%dma_start3A_33 : memref<128xi32, #tpu.memory_space<vmem>>) target_semaphore(%arg17 : memref<!tpu.dma_semaphore, #tpu.memory_space<semaphore_mem>>)
    %add3A_35 = arith.constant 128 : i32
    %add3A_36 = arith.addi %mul3A_2, %add3A_35 : i32
    %dma_start3A_37 = arith.constant 1 : i32
    %dma_start3A_38 = arith.constant 0 : i32
    %dma_start3A_39 = tpu.memref_slice %arg8[%dma_start3A_37, %dma_start3A_38] : memref<4x128xi32, #tpu.memory_space<vmem>> -> memref<1x128xi32, #tpu.memory_space<vmem>>
    %dma_start3A_40 = tpu.memref_squeeze %dma_start3A_39 : memref<1x128xi32, #tpu.memory_space<vmem>> -> memref<128xi32, #tpu.memory_space<vmem>>
    %dma_start3A_41 = tpu.memref_slice %arg3[%add3A_36] : memref<16384xi32, #tpu.memory_space<hbm>> -> memref<128xi32, #tpu.memory_space<hbm>>
    %dma_start3A_42 = arith.constant 0 : i32
    %dma_start3A_43 = tpu.memref_slice %arg8[%dma_start3A_37, %dma_start3A_42] : memref<4x128xi32, #tpu.memory_space<vmem>> -> memref<1x128xi32, #tpu.memory_space<vmem>>
    %dma_start3A_44 = tpu.memref_squeeze %dma_start3A_43 : memref<1x128xi32, #tpu.memory_space<vmem>> -> memref<128xi32, #tpu.memory_space<vmem>>
    %dma_start3A_45 = tpu.memref_slice %arg3[%add3A_36] : memref<16384xi32, #tpu.memory_space<hbm>> -> memref<128xi32, #tpu.memory_space<hbm>>
    tpu.enqueue_dma source(%dma_start3A_45 : memref<128xi32, #tpu.memory_space<hbm>>) target(%dma_start3A_44 : memref<128xi32, #tpu.memory_space<vmem>>) target_semaphore(%arg17 : memref<!tpu.dma_semaphore, #tpu.memory_space<semaphore_mem>>)
    %add3A_46 = arith.constant 256 : i32
    %add3A_47 = arith.addi %mul3A_2, %add3A_46 : i32
    %dma_start3A_48 = arith.constant 2 : i32
    %dma_start3A_49 = arith.constant 0 : i32
    %dma_start3A_50 = tpu.memref_slice %arg7[%dma_start3A_48, %dma_start3A_49] : memref<4x128xi32, #tpu.memory_space<vmem>> -> memref<1x128xi32, #tpu.memory_space<vmem>>
    %dma_start3A_51 = tpu.memref_squeeze %dma_start3A_50 : memref<1x128xi32, #tpu.memory_space<vmem>> -> memref<128xi32, #tpu.memory_space<vmem>>
    %dma_start3A_52 = tpu.memref_slice %arg2[%add3A_47] : memref<16384xi32, #tpu.memory_space<hbm>> -> memref<128xi32, #tpu.memory_space<hbm>>
    %dma_start3A_53 = arith.constant 0 : i32
    %dma_start3A_54 = tpu.memref_slice %arg7[%dma_start3A_48, %dma_start3A_53] : memref<4x128xi32, #tpu.memory_space<vmem>> -> memref<1x128xi32, #tpu.memory_space<vmem>>
    %dma_start3A_55 = tpu.memref_squeeze %dma_start3A_54 : memref<1x128xi32, #tpu.memory_space<vmem>> -> memref<128xi32, #tpu.memory_space<vmem>>
    %dma_start3A_56 = tpu.memref_slice %arg2[%add3A_47] : memref<16384xi32, #tpu.memory_space<hbm>> -> memref<128xi32, #tpu.memory_space<hbm>>
    tpu.enqueue_dma source(%dma_start3A_56 : memref<128xi32, #tpu.memory_space<hbm>>) target(%dma_start3A_55 : memref<128xi32, #tpu.memory_space<vmem>>) target_semaphore(%arg17 : memref<!tpu.dma_semaphore, #tpu.memory_space<semaphore_mem>>)
    %add3A_57 = arith.constant 256 : i32
    %add3A_58 = arith.addi %mul3A_2, %add3A_57 : i32
    %dma_start3A_59 = arith.constant 2 : i32
    %dma_start3A_60 = arith.constant 0 : i32
    %dma_start3A_61 = tpu.memref_slice %arg8[%dma_start3A_59, %dma_start3A_60] : memref<4x128xi32, #tpu.memory_space<vmem>> -> memref<1x128xi32, #tpu.memory_space<vmem>>
    %dma_start3A_62 = tpu.memref_squeeze %dma_start3A_61 : memref<1x128xi32, #tpu.memory_space<vmem>> -> memref<128xi32, #tpu.memory_space<vmem>>
    %dma_start3A_63 = tpu.memref_slice %arg3[%add3A_58] : memref<16384xi32, #tpu.memory_space<hbm>> -> memref<128xi32, #tpu.memory_space<hbm>>
    %dma_start3A_64 = arith.constant 0 : i32
    %dma_start3A_65 = tpu.memref_slice %arg8[%dma_start3A_59, %dma_start3A_64] : memref<4x128xi32, #tpu.memory_space<vmem>> -> memref<1x128xi32, #tpu.memory_space<vmem>>
    %dma_start3A_66 = tpu.memref_squeeze %dma_start3A_65 : memref<1x128xi32, #tpu.memory_space<vmem>> -> memref<128xi32, #tpu.memory_space<vmem>>
    %dma_start3A_67 = tpu.memref_slice %arg3[%add3A_58] : memref<16384xi32, #tpu.memory_space<hbm>> -> memref<128xi32, #tpu.memory_space<hbm>>
    tpu.enqueue_dma source(%dma_start3A_67 : memref<128xi32, #tpu.memory_space<hbm>>) target(%dma_start3A_66 : memref<128xi32, #tpu.memory_space<vmem>>) target_semaphore(%arg17 : memref<!tpu.dma_semaphore, #tpu.memory_space<semaphore_mem>>)
    %add3A_68 = arith.constant 384 : i32
    %add3A_69 = arith.addi %mul3A_2, %add3A_68 : i32
    %dma_start3A_70 = arith.constant 3 : i32
    %dma_start3A_71 = arith.constant 0 : i32
    %dma_start3A_72 = tpu.memref_slice %arg7[%dma_start3A_70, %dma_start3A_71] : memref<4x128xi32, #tpu.memory_space<vmem>> -> memref<1x128xi32, #tpu.memory_space<vmem>>
    %dma_start3A_73 = tpu.memref_squeeze %dma_start3A_72 : memref<1x128xi32, #tpu.memory_space<vmem>> -> memref<128xi32, #tpu.memory_space<vmem>>
    %dma_start3A_74 = tpu.memref_slice %arg2[%add3A_69] : memref<16384xi32, #tpu.memory_space<hbm>> -> memref<128xi32, #tpu.memory_space<hbm>>
    %dma_start3A_75 = arith.constant 0 : i32
    %dma_start3A_76 = tpu.memref_slice %arg7[%dma_start3A_70, %dma_start3A_75] : memref<4x128xi32, #tpu.memory_space<vmem>> -> memref<1x128xi32, #tpu.memory_space<vmem>>
    %dma_start3A_77 = tpu.memref_squeeze %dma_start3A_76 : memref<1x128xi32, #tpu.memory_space<vmem>> -> memref<128xi32, #tpu.memory_space<vmem>>
    %dma_start3A_78 = tpu.memref_slice %arg2[%add3A_69] : memref<16384xi32, #tpu.memory_space<hbm>> -> memref<128xi32, #tpu.memory_space<hbm>>
    tpu.enqueue_dma source(%dma_start3A_78 : memref<128xi32, #tpu.memory_space<hbm>>) target(%dma_start3A_77 : memref<128xi32, #tpu.memory_space<vmem>>) target_semaphore(%arg17 : memref<!tpu.dma_semaphore, #tpu.memory_space<semaphore_mem>>)
    %add3A_79 = arith.constant 384 : i32
    %add3A_80 = arith.addi %mul3A_2, %add3A_79 : i32
    %dma_start3A_81 = arith.constant 3 : i32
    %dma_start3A_82 = arith.constant 0 : i32
    %dma_start3A_83 = tpu.memref_slice %arg8[%dma_start3A_81, %dma_start3A_82] : memref<4x128xi32, #tpu.memory_space<vmem>> -> memref<1x128xi32, #tpu.memory_space<vmem>>
    %dma_start3A_84 = tpu.memref_squeeze %dma_start3A_83 : memref<1x128xi32, #tpu.memory_space<vmem>> -> memref<128xi32, #tpu.memory_space<vmem>>
    %dma_start3A_85 = tpu.memref_slice %arg3[%add3A_80] : memref<16384xi32, #tpu.memory_space<hbm>> -> memref<128xi32, #tpu.memory_space<hbm>>
    %dma_start3A_86 = arith.constant 0 : i32
    %dma_start3A_87 = tpu.memref_slice %arg8[%dma_start3A_81, %dma_start3A_86] : memref<4x128xi32, #tpu.memory_space<vmem>> -> memref<1x128xi32, #tpu.memory_space<vmem>>
    %dma_start3A_88 = tpu.memref_squeeze %dma_start3A_87 : memref<1x128xi32, #tpu.memory_space<vmem>> -> memref<128xi32, #tpu.memory_space<vmem>>
    %dma_start3A_89 = tpu.memref_slice %arg3[%add3A_80] : memref<16384xi32, #tpu.memory_space<hbm>> -> memref<128xi32, #tpu.memory_space<hbm>>
    tpu.enqueue_dma source(%dma_start3A_89 : memref<128xi32, #tpu.memory_space<hbm>>) target(%dma_start3A_88 : memref<128xi32, #tpu.memory_space<vmem>>) target_semaphore(%arg17 : memref<!tpu.dma_semaphore, #tpu.memory_space<semaphore_mem>>)
    %dma_wait3A = arith.constant 0 : i32
    %dma_wait3A_90 = arith.constant 0 : i32
    %dma_wait3A_91 = tpu.memref_slice %arg7[%dma_wait3A, %dma_wait3A_90] : memref<4x128xi32, #tpu.memory_space<vmem>> -> memref<1x128xi32, #tpu.memory_space<vmem>>
    %dma_wait3A_92 = tpu.memref_squeeze %dma_wait3A_91 : memref<1x128xi32, #tpu.memory_space<vmem>> -> memref<128xi32, #tpu.memory_space<vmem>>
    %dma_wait3A_93 = tpu.memref_slice %arg2[%add3A_4] : memref<16384xi32, #tpu.memory_space<hbm>> -> memref<128xi32, #tpu.memory_space<hbm>>
    %dma_wait3A_94 = arith.constant 0 : i32
    %dma_wait3A_95 = tpu.memref_slice %arg7[%dma_wait3A, %dma_wait3A_94] : memref<4x128xi32, #tpu.memory_space<vmem>> -> memref<1x128xi32, #tpu.memory_space<vmem>>
    %dma_wait3A_96 = tpu.memref_squeeze %dma_wait3A_95 : memref<1x128xi32, #tpu.memory_space<vmem>> -> memref<128xi32, #tpu.memory_space<vmem>>
    %dma_wait3A_97 = tpu.memref_slice %arg2[%add3A_4] : memref<16384xi32, #tpu.memory_space<hbm>> -> memref<128xi32, #tpu.memory_space<hbm>>
    tpu.wait_dma2 semaphore(%arg17 : memref<!tpu.dma_semaphore, #tpu.memory_space<semaphore_mem>>) src(%dma_wait3A_97 : memref<128xi32, #tpu.memory_space<hbm>>) dst(%dma_wait3A_96 : memref<128xi32, #tpu.memory_space<vmem>>)
    %dma_wait3A_98 = arith.constant 0 : i32
    %dma_wait3A_99 = arith.constant 0 : i32
    %dma_wait3A_100 = tpu.memref_slice %arg8[%dma_wait3A_98, %dma_wait3A_99] : memref<4x128xi32, #tpu.memory_space<vmem>> -> memref<1x128xi32, #tpu.memory_space<vmem>>
    %dma_wait3A_101 = tpu.memref_squeeze %dma_wait3A_100 : memref<1x128xi32, #tpu.memory_space<vmem>> -> memref<128xi32, #tpu.memory_space<vmem>>
    %dma_wait3A_102 = tpu.memref_slice %arg3[%add3A_14] : memref<16384xi32, #tpu.memory_space<hbm>> -> memref<128xi32, #tpu.memory_space<hbm>>
    %dma_wait3A_103 = arith.constant 0 : i32
    %dma_wait3A_104 = tpu.memref_slice %arg8[%dma_wait3A_98, %dma_wait3A_103] : memref<4x128xi32, #tpu.memory_space<vmem>> -> memref<1x128xi32, #tpu.memory_space<vmem>>
    %dma_wait3A_105 = tpu.memref_squeeze %dma_wait3A_104 : memref<1x128xi32, #tpu.memory_space<vmem>> -> memref<128xi32, #tpu.memory_space<vmem>>
    %dma_wait3A_106 = tpu.memref_slice %arg3[%add3A_14] : memref<16384xi32, #tpu.memory_space<hbm>> -> memref<128xi32, #tpu.memory_space<hbm>>
    tpu.wait_dma2 semaphore(%arg17 : memref<!tpu.dma_semaphore, #tpu.memory_space<semaphore_mem>>) src(%dma_wait3A_106 : memref<128xi32, #tpu.memory_space<hbm>>) dst(%dma_wait3A_105 : memref<128xi32, #tpu.memory_space<vmem>>)
    %dma_wait3A_107 = arith.constant 1 : i32
    %dma_wait3A_108 = arith.constant 0 : i32
    %dma_wait3A_109 = tpu.memref_slice %arg7[%dma_wait3A_107, %dma_wait3A_108] : memref<4x128xi32, #tpu.memory_space<vmem>> -> memref<1x128xi32, #tpu.memory_space<vmem>>
    %dma_wait3A_110 = tpu.memref_squeeze %dma_wait3A_109 : memref<1x128xi32, #tpu.memory_space<vmem>> -> memref<128xi32, #tpu.memory_space<vmem>>
    %dma_wait3A_111 = tpu.memref_slice %arg2[%add3A_25] : memref<16384xi32, #tpu.memory_space<hbm>> -> memref<128xi32, #tpu.memory_space<hbm>>
    %dma_wait3A_112 = arith.constant 0 : i32
    %dma_wait3A_113 = tpu.memref_slice %arg7[%dma_wait3A_107, %dma_wait3A_112] : memref<4x128xi32, #tpu.memory_space<vmem>> -> memref<1x128xi32, #tpu.memory_space<vmem>>
    %dma_wait3A_114 = tpu.memref_squeeze %dma_wait3A_113 : memref<1x128xi32, #tpu.memory_space<vmem>> -> memref<128xi32, #tpu.memory_space<vmem>>
    %dma_wait3A_115 = tpu.memref_slice %arg2[%add3A_25] : memref<16384xi32, #tpu.memory_space<hbm>> -> memref<128xi32, #tpu.memory_space<hbm>>
    tpu.wait_dma2 semaphore(%arg17 : memref<!tpu.dma_semaphore, #tpu.memory_space<semaphore_mem>>) src(%dma_wait3A_115 : memref<128xi32, #tpu.memory_space<hbm>>) dst(%dma_wait3A_114 : memref<128xi32, #tpu.memory_space<vmem>>)
    %dma_wait3A_116 = arith.constant 1 : i32
    %dma_wait3A_117 = arith.constant 0 : i32
    %dma_wait3A_118 = tpu.memref_slice %arg8[%dma_wait3A_116, %dma_wait3A_117] : memref<4x128xi32, #tpu.memory_space<vmem>> -> memref<1x128xi32, #tpu.memory_space<vmem>>
    %dma_wait3A_119 = tpu.memref_squeeze %dma_wait3A_118 : memref<1x128xi32, #tpu.memory_space<vmem>> -> memref<128xi32, #tpu.memory_space<vmem>>
    %dma_wait3A_120 = tpu.memref_slice %arg3[%add3A_36] : memref<16384xi32, #tpu.memory_space<hbm>> -> memref<128xi32, #tpu.memory_space<hbm>>
    %dma_wait3A_121 = arith.constant 0 : i32
    %dma_wait3A_122 = tpu.memref_slice %arg8[%dma_wait3A_116, %dma_wait3A_121] : memref<4x128xi32, #tpu.memory_space<vmem>> -> memref<1x128xi32, #tpu.memory_space<vmem>>
    %dma_wait3A_123 = tpu.memref_squeeze %dma_wait3A_122 : memref<1x128xi32, #tpu.memory_space<vmem>> -> memref<128xi32, #tpu.memory_space<vmem>>
    %dma_wait3A_124 = tpu.memref_slice %arg3[%add3A_36] : memref<16384xi32, #tpu.memory_space<hbm>> -> memref<128xi32, #tpu.memory_space<hbm>>
    tpu.wait_dma2 semaphore(%arg17 : memref<!tpu.dma_semaphore, #tpu.memory_space<semaphore_mem>>) src(%dma_wait3A_124 : memref<128xi32, #tpu.memory_space<hbm>>) dst(%dma_wait3A_123 : memref<128xi32, #tpu.memory_space<vmem>>)
    %dma_wait3A_125 = arith.constant 2 : i32
    %dma_wait3A_126 = arith.constant 0 : i32
    %dma_wait3A_127 = tpu.memref_slice %arg7[%dma_wait3A_125, %dma_wait3A_126] : memref<4x128xi32, #tpu.memory_space<vmem>> -> memref<1x128xi32, #tpu.memory_space<vmem>>
    %dma_wait3A_128 = tpu.memref_squeeze %dma_wait3A_127 : memref<1x128xi32, #tpu.memory_space<vmem>> -> memref<128xi32, #tpu.memory_space<vmem>>
    %dma_wait3A_129 = tpu.memref_slice %arg2[%add3A_47] : memref<16384xi32, #tpu.memory_space<hbm>> -> memref<128xi32, #tpu.memory_space<hbm>>
    %dma_wait3A_130 = arith.constant 0 : i32
    %dma_wait3A_131 = tpu.memref_slice %arg7[%dma_wait3A_125, %dma_wait3A_130] : memref<4x128xi32, #tpu.memory_space<vmem>> -> memref<1x128xi32, #tpu.memory_space<vmem>>
    %dma_wait3A_132 = tpu.memref_squeeze %dma_wait3A_131 : memref<1x128xi32, #tpu.memory_space<vmem>> -> memref<128xi32, #tpu.memory_space<vmem>>
    %dma_wait3A_133 = tpu.memref_slice %arg2[%add3A_47] : memref<16384xi32, #tpu.memory_space<hbm>> -> memref<128xi32, #tpu.memory_space<hbm>>
    tpu.wait_dma2 semaphore(%arg17 : memref<!tpu.dma_semaphore, #tpu.memory_space<semaphore_mem>>) src(%dma_wait3A_133 : memref<128xi32, #tpu.memory_space<hbm>>) dst(%dma_wait3A_132 : memref<128xi32, #tpu.memory_space<vmem>>)
    %dma_wait3A_134 = arith.constant 2 : i32
    %dma_wait3A_135 = arith.constant 0 : i32
    %dma_wait3A_136 = tpu.memref_slice %arg8[%dma_wait3A_134, %dma_wait3A_135] : memref<4x128xi32, #tpu.memory_space<vmem>> -> memref<1x128xi32, #tpu.memory_space<vmem>>
    %dma_wait3A_137 = tpu.memref_squeeze %dma_wait3A_136 : memref<1x128xi32, #tpu.memory_space<vmem>> -> memref<128xi32, #tpu.memory_space<vmem>>
    %dma_wait3A_138 = tpu.memref_slice %arg3[%add3A_58] : memref<16384xi32, #tpu.memory_space<hbm>> -> memref<128xi32, #tpu.memory_space<hbm>>
    %dma_wait3A_139 = arith.constant 0 : i32
    %dma_wait3A_140 = tpu.memref_slice %arg8[%dma_wait3A_134, %dma_wait3A_139] : memref<4x128xi32, #tpu.memory_space<vmem>> -> memref<1x128xi32, #tpu.memory_space<vmem>>
    %dma_wait3A_141 = tpu.memref_squeeze %dma_wait3A_140 : memref<1x128xi32, #tpu.memory_space<vmem>> -> memref<128xi32, #tpu.memory_space<vmem>>
    %dma_wait3A_142 = tpu.memref_slice %arg3[%add3A_58] : memref<16384xi32, #tpu.memory_space<hbm>> -> memref<128xi32, #tpu.memory_space<hbm>>
    tpu.wait_dma2 semaphore(%arg17 : memref<!tpu.dma_semaphore, #tpu.memory_space<semaphore_mem>>) src(%dma_wait3A_142 : memref<128xi32, #tpu.memory_space<hbm>>) dst(%dma_wait3A_141 : memref<128xi32, #tpu.memory_space<vmem>>)
    %dma_wait3A_143 = arith.constant 3 : i32
    %dma_wait3A_144 = arith.constant 0 : i32
    %dma_wait3A_145 = tpu.memref_slice %arg7[%dma_wait3A_143, %dma_wait3A_144] : memref<4x128xi32, #tpu.memory_space<vmem>> -> memref<1x128xi32, #tpu.memory_space<vmem>>
    %dma_wait3A_146 = tpu.memref_squeeze %dma_wait3A_145 : memref<1x128xi32, #tpu.memory_space<vmem>> -> memref<128xi32, #tpu.memory_space<vmem>>
    %dma_wait3A_147 = tpu.memref_slice %arg2[%add3A_69] : memref<16384xi32, #tpu.memory_space<hbm>> -> memref<128xi32, #tpu.memory_space<hbm>>
    %dma_wait3A_148 = arith.constant 0 : i32
    %dma_wait3A_149 = tpu.memref_slice %arg7[%dma_wait3A_143, %dma_wait3A_148] : memref<4x128xi32, #tpu.memory_space<vmem>> -> memref<1x128xi32, #tpu.memory_space<vmem>>
    %dma_wait3A_150 = tpu.memref_squeeze %dma_wait3A_149 : memref<1x128xi32, #tpu.memory_space<vmem>> -> memref<128xi32, #tpu.memory_space<vmem>>
    %dma_wait3A_151 = tpu.memref_slice %arg2[%add3A_69] : memref<16384xi32, #tpu.memory_space<hbm>> -> memref<128xi32, #tpu.memory_space<hbm>>
    tpu.wait_dma2 semaphore(%arg17 : memref<!tpu.dma_semaphore, #tpu.memory_space<semaphore_mem>>) src(%dma_wait3A_151 : memref<128xi32, #tpu.memory_space<hbm>>) dst(%dma_wait3A_150 : memref<128xi32, #tpu.memory_space<vmem>>)
    %dma_wait3A_152 = arith.constant 3 : i32
    %dma_wait3A_153 = arith.constant 0 : i32
    %dma_wait3A_154 = tpu.memref_slice %arg8[%dma_wait3A_152, %dma_wait3A_153] : memref<4x128xi32, #tpu.memory_space<vmem>> -> memref<1x128xi32, #tpu.memory_space<vmem>>
    %dma_wait3A_155 = tpu.memref_squeeze %dma_wait3A_154 : memref<1x128xi32, #tpu.memory_space<vmem>> -> memref<128xi32, #tpu.memory_space<vmem>>
    %dma_wait3A_156 = tpu.memref_slice %arg3[%add3A_80] : memref<16384xi32, #tpu.memory_space<hbm>> -> memref<128xi32, #tpu.memory_space<hbm>>
    %dma_wait3A_157 = arith.constant 0 : i32
    %dma_wait3A_158 = tpu.memref_slice %arg8[%dma_wait3A_152, %dma_wait3A_157] : memref<4x128xi32, #tpu.memory_space<vmem>> -> memref<1x128xi32, #tpu.memory_space<vmem>>
    %dma_wait3A_159 = tpu.memref_squeeze %dma_wait3A_158 : memref<1x128xi32, #tpu.memory_space<vmem>> -> memref<128xi32, #tpu.memory_space<vmem>>
    %dma_wait3A_160 = tpu.memref_slice %arg3[%add3A_80] : memref<16384xi32, #tpu.memory_space<hbm>> -> memref<128xi32, #tpu.memory_space<hbm>>
    tpu.wait_dma2 semaphore(%arg17 : memref<!tpu.dma_semaphore, #tpu.memory_space<semaphore_mem>>) src(%dma_wait3A_160 : memref<128xi32, #tpu.memory_space<hbm>>) dst(%dma_wait3A_159 : memref<128xi32, #tpu.memory_space<vmem>>)
    %dma_start3A_161 = arith.constant 0 : i32
    %dma_start3A_162 = arith.constant 0 : i32
    %dma_start3A_163 = tpu.memref_slice %arg7[%dma_start3A_161, %dma_start3A_162] : memref<4x128xi32, #tpu.memory_space<vmem>> -> memref<1x128xi32, #tpu.memory_space<vmem>>
    %dma_start3A_164 = tpu.memref_squeeze %dma_start3A_163 : memref<1x128xi32, #tpu.memory_space<vmem>> -> memref<128xi32, #tpu.memory_space<vmem>>
    %dma_start3A_165 = arith.constant 0 : i32
    %dma_start3A_166 = arith.constant 0 : i32
    %dma_start3A_167 = tpu.memref_slice %arg4[%dma_start3A_165, %dma_start3A_166] : memref<1000000x128xf32, #tpu.memory_space<hbm>> -> memref<1000000x128xf32, #tpu.memory_space<hbm>>
    tpu.enqueue_indirect_dma source(%dma_start3A_167 : memref<1000000x128xf32, #tpu.memory_space<hbm>>) target(%arg9 : memref<128x128xf32, #tpu.memory_space<vmem>>) offsets(%dma_start3A_164 : memref<128xi32, #tpu.memory_space<vmem>>) semaphore(%arg18 : memref<!tpu.dma_semaphore, #tpu.memory_space<semaphore_mem>>)
    %dma_start3A_168 = arith.constant 0 : i32
    %dma_start3A_169 = arith.constant 0 : i32
    %dma_start3A_170 = tpu.memref_slice %arg8[%dma_start3A_168, %dma_start3A_169] : memref<4x128xi32, #tpu.memory_space<vmem>> -> memref<1x128xi32, #tpu.memory_space<vmem>>
    %dma_start3A_171 = tpu.memref_squeeze %dma_start3A_170 : memref<1x128xi32, #tpu.memory_space<vmem>> -> memref<128xi32, #tpu.memory_space<vmem>>
    %dma_start3A_172 = arith.constant 0 : i32
    %dma_start3A_173 = arith.constant 0 : i32
    %dma_start3A_174 = tpu.memref_slice %arg5[%dma_start3A_172, %dma_start3A_173] : memref<100000x128xf32, #tpu.memory_space<hbm>> -> memref<100000x128xf32, #tpu.memory_space<hbm>>
    tpu.enqueue_indirect_dma source(%dma_start3A_174 : memref<100000x128xf32, #tpu.memory_space<hbm>>) target(%arg12 : memref<128x128xf32, #tpu.memory_space<vmem>>) offsets(%dma_start3A_171 : memref<128xi32, #tpu.memory_space<vmem>>) semaphore(%arg18 : memref<!tpu.dma_semaphore, #tpu.memory_space<semaphore_mem>>)
    %dma_start3A_175 = arith.constant 1 : i32
    %dma_start3A_176 = arith.constant 0 : i32
    %dma_start3A_177 = tpu.memref_slice %arg7[%dma_start3A_175, %dma_start3A_176] : memref<4x128xi32, #tpu.memory_space<vmem>> -> memref<1x128xi32, #tpu.memory_space<vmem>>
    %dma_start3A_178 = tpu.memref_squeeze %dma_start3A_177 : memref<1x128xi32, #tpu.memory_space<vmem>> -> memref<128xi32, #tpu.memory_space<vmem>>
    %dma_start3A_179 = arith.constant 0 : i32
    %dma_start3A_180 = arith.constant 0 : i32
    %dma_start3A_181 = tpu.memref_slice %arg4[%dma_start3A_179, %dma_start3A_180] : memref<1000000x128xf32, #tpu.memory_space<hbm>> -> memref<1000000x128xf32, #tpu.memory_space<hbm>>
    tpu.enqueue_indirect_dma source(%dma_start3A_181 : memref<1000000x128xf32, #tpu.memory_space<hbm>>) target(%arg10 : memref<128x128xf32, #tpu.memory_space<vmem>>) offsets(%dma_start3A_178 : memref<128xi32, #tpu.memory_space<vmem>>) semaphore(%arg19 : memref<!tpu.dma_semaphore, #tpu.memory_space<semaphore_mem>>)
    %dma_start3A_182 = arith.constant 1 : i32
    %dma_start3A_183 = arith.constant 0 : i32
    %dma_start3A_184 = tpu.memref_slice %arg8[%dma_start3A_182, %dma_start3A_183] : memref<4x128xi32, #tpu.memory_space<vmem>> -> memref<1x128xi32, #tpu.memory_space<vmem>>
    %dma_start3A_185 = tpu.memref_squeeze %dma_start3A_184 : memref<1x128xi32, #tpu.memory_space<vmem>> -> memref<128xi32, #tpu.memory_space<vmem>>
    %dma_start3A_186 = arith.constant 0 : i32
    %dma_start3A_187 = arith.constant 0 : i32
    %dma_start3A_188 = tpu.memref_slice %arg5[%dma_start3A_186, %dma_start3A_187] : memref<100000x128xf32, #tpu.memory_space<hbm>> -> memref<100000x128xf32, #tpu.memory_space<hbm>>
    tpu.enqueue_indirect_dma source(%dma_start3A_188 : memref<100000x128xf32, #tpu.memory_space<hbm>>) target(%arg13 : memref<128x128xf32, #tpu.memory_space<vmem>>) offsets(%dma_start3A_185 : memref<128xi32, #tpu.memory_space<vmem>>) semaphore(%arg19 : memref<!tpu.dma_semaphore, #tpu.memory_space<semaphore_mem>>)
    %dma_start3A_189 = arith.constant 2 : i32
    %dma_start3A_190 = arith.constant 0 : i32
    %dma_start3A_191 = tpu.memref_slice %arg7[%dma_start3A_189, %dma_start3A_190] : memref<4x128xi32, #tpu.memory_space<vmem>> -> memref<1x128xi32, #tpu.memory_space<vmem>>
    %dma_start3A_192 = tpu.memref_squeeze %dma_start3A_191 : memref<1x128xi32, #tpu.memory_space<vmem>> -> memref<128xi32, #tpu.memory_space<vmem>>
    %dma_start3A_193 = arith.constant 0 : i32
    %dma_start3A_194 = arith.constant 0 : i32
    %dma_start3A_195 = tpu.memref_slice %arg4[%dma_start3A_193, %dma_start3A_194] : memref<1000000x128xf32, #tpu.memory_space<hbm>> -> memref<1000000x128xf32, #tpu.memory_space<hbm>>
    tpu.enqueue_indirect_dma source(%dma_start3A_195 : memref<1000000x128xf32, #tpu.memory_space<hbm>>) target(%arg11 : memref<128x128xf32, #tpu.memory_space<vmem>>) offsets(%dma_start3A_192 : memref<128xi32, #tpu.memory_space<vmem>>) semaphore(%arg20 : memref<!tpu.dma_semaphore, #tpu.memory_space<semaphore_mem>>)
    %dma_start3A_196 = arith.constant 2 : i32
    %dma_start3A_197 = arith.constant 0 : i32
    %dma_start3A_198 = tpu.memref_slice %arg8[%dma_start3A_196, %dma_start3A_197] : memref<4x128xi32, #tpu.memory_space<vmem>> -> memref<1x128xi32, #tpu.memory_space<vmem>>
    %dma_start3A_199 = tpu.memref_squeeze %dma_start3A_198 : memref<1x128xi32, #tpu.memory_space<vmem>> -> memref<128xi32, #tpu.memory_space<vmem>>
    %dma_start3A_200 = arith.constant 0 : i32
    %dma_start3A_201 = arith.constant 0 : i32
    %dma_start3A_202 = tpu.memref_slice %arg5[%dma_start3A_200, %dma_start3A_201] : memref<100000x128xf32, #tpu.memory_space<hbm>> -> memref<100000x128xf32, #tpu.memory_space<hbm>>
    tpu.enqueue_indirect_dma source(%dma_start3A_202 : memref<100000x128xf32, #tpu.memory_space<hbm>>) target(%arg14 : memref<128x128xf32, #tpu.memory_space<vmem>>) offsets(%dma_start3A_199 : memref<128xi32, #tpu.memory_space<vmem>>) semaphore(%arg20 : memref<!tpu.dma_semaphore, #tpu.memory_space<semaphore_mem>>)
    %dma_wait3A_203 = arith.constant 0 : i32
    %dma_wait3A_204 = arith.constant 0 : i32
    %dma_wait3A_205 = tpu.memref_slice %arg7[%dma_wait3A_203, %dma_wait3A_204] : memref<4x128xi32, #tpu.memory_space<vmem>> -> memref<1x128xi32, #tpu.memory_space<vmem>>
    %dma_wait3A_206 = tpu.memref_squeeze %dma_wait3A_205 : memref<1x128xi32, #tpu.memory_space<vmem>> -> memref<128xi32, #tpu.memory_space<vmem>>
    %dma_wait3A_207 = arith.constant 0 : i32
    %dma_wait3A_208 = arith.constant 0 : i32
    %dma_wait3A_209 = tpu.memref_slice %arg4[%dma_wait3A_207, %dma_wait3A_208] : memref<1000000x128xf32, #tpu.memory_space<hbm>> -> memref<1000000x128xf32, #tpu.memory_space<hbm>>
    tpu.wait_indirect_dma semaphore(%arg18 : memref<!tpu.dma_semaphore, #tpu.memory_space<semaphore_mem>>) src(%dma_wait3A_209 : memref<1000000x128xf32, #tpu.memory_space<hbm>>) dst(%arg9 : memref<128x128xf32, #tpu.memory_space<vmem>>)
    %dma_wait3A_210 = arith.constant 0 : i32
    %dma_wait3A_211 = arith.constant 0 : i32
    %dma_wait3A_212 = tpu.memref_slice %arg8[%dma_wait3A_210, %dma_wait3A_211] : memref<4x128xi32, #tpu.memory_space<vmem>> -> memref<1x128xi32, #tpu.memory_space<vmem>>
    %dma_wait3A_213 = tpu.memref_squeeze %dma_wait3A_212 : memref<1x128xi32, #tpu.memory_space<vmem>> -> memref<128xi32, #tpu.memory_space<vmem>>
    %dma_wait3A_214 = arith.constant 0 : i32
    %dma_wait3A_215 = arith.constant 0 : i32
    %dma_wait3A_216 = tpu.memref_slice %arg5[%dma_wait3A_214, %dma_wait3A_215] : memref<100000x128xf32, #tpu.memory_space<hbm>> -> memref<100000x128xf32, #tpu.memory_space<hbm>>
    tpu.wait_indirect_dma semaphore(%arg18 : memref<!tpu.dma_semaphore, #tpu.memory_space<semaphore_mem>>) src(%dma_wait3A_216 : memref<100000x128xf32, #tpu.memory_space<hbm>>) dst(%arg12 : memref<128x128xf32, #tpu.memory_space<vmem>>)
    %iota3A = tpu.iota {dimensions = array<i32: 0>} : vector<16xi32>
    %broadcast_in_dim3A = arith.constant 0 : i32
    %broadcast_in_dim3A_217 = vector.broadcast %broadcast_in_dim3A : i32 to vector<16xi32>
    %mul3A_218 = arith.constant 17 : i32
    %mul3A_219 = vector.broadcast %mul3A_218 : i32 to vector<16xi32>
    %mul3A_220 = arith.muli %iota3A, %mul3A_219 : vector<16xi32>
    %parallel_loop3A = arith.constant 0 : i32
    %parallel_loop3A_221 = arith.constant 8 : i32
    %parallel_loop3A_222 = arith.constant 1 : i32
    scf.for %parallel_loop3A_306 = %parallel_loop3A to %parallel_loop3A_221 step %parallel_loop3A_222  : i32 {
      %parallel_loop3A_307 = arith.constant 272 : i32
      %parallel_loop3A_308 = arith.muli %parallel_loop3A_306, %parallel_loop3A_307 : i32
      %parallel_loop3A_309 = arith.constant 0 : i32
      %parallel_loop3A_310 = arith.constant 16 : i32
      %parallel_loop3A_311 = arith.constant 1 : i32
      scf.for %parallel_loop3A_399 = %parallel_loop3A_309 to %parallel_loop3A_310 step %parallel_loop3A_311  : i32 {
        %parallel_loop3A_400 = arith.constant 16 : i32
        %parallel_loop3A_401 = arith.muli %parallel_loop3A_306, %parallel_loop3A_400 : i32
        %parallel_loop3A_402 = arith.addi %parallel_loop3A_401, %parallel_loop3A_399 : i32
        %parallel_loop3A_403 = arith.index_cast %parallel_loop3A_402 : i32 to index
        %parallel_loop3A_404 = arith.constant 0 : index
        %parallel_loop3A_405 = tpu.vector_load %arg9[%parallel_loop3A_403, %parallel_loop3A_404] {strides = array<i32>} : memref<128x128xf32, #tpu.memory_space<vmem>>, vector<16xf32>,
        %parallel_loop3A_406 = arith.index_cast %parallel_loop3A_402 : i32 to index
        %parallel_loop3A_407 = arith.constant 0 : index
        %parallel_loop3A_408 = tpu.vector_load %arg12[%parallel_loop3A_406, %parallel_loop3A_407] {strides = array<i32>} : memref<128x128xf32, #tpu.memory_space<vmem>>, vector<16xf32>,
        %parallel_loop3A_409 = arith.addf %parallel_loop3A_405, %parallel_loop3A_408 : vector<16xf32>
        %parallel_loop3A_410 = arith.constant 0.000000e+00 : f32
        %parallel_loop3A_411 = vector.broadcast %parallel_loop3A_410 : f32 to vector<16xf32>
        %parallel_loop3A_412 = arith.subf %parallel_loop3A_411, %parallel_loop3A_409 : vector<16xf32>
        %parallel_loop3A_413 = math.exp %parallel_loop3A_412 : vector<16xf32>
        %parallel_loop3A_414 = arith.constant 1.000000e+00 : f32
        %parallel_loop3A_415 = vector.broadcast %parallel_loop3A_414 : f32 to vector<16xf32>
        %parallel_loop3A_416 = arith.addf %parallel_loop3A_415, %parallel_loop3A_413 : vector<16xf32>
        %parallel_loop3A_417 = arith.index_cast %parallel_loop3A_402 : i32 to index
        %parallel_loop3A_418 = arith.constant 16 : index
        %parallel_loop3A_419 = tpu.vector_load %arg9[%parallel_loop3A_417, %parallel_loop3A_418] {strides = array<i32>} : memref<128x128xf32, #tpu.memory_space<vmem>>, vector<16xf32>,
        %parallel_loop3A_420 = arith.index_cast %parallel_loop3A_402 : i32 to index
        %parallel_loop3A_421 = arith.constant 16 : index
        %parallel_loop3A_422 = tpu.vector_load %arg12[%parallel_loop3A_420, %parallel_loop3A_421] {strides = array<i32>} : memref<128x128xf32, #tpu.memory_space<vmem>>, vector<16xf32>,
        %parallel_loop3A_423 = arith.addf %parallel_loop3A_419, %parallel_loop3A_422 : vector<16xf32>
        %parallel_loop3A_424 = arith.constant 0.000000e+00 : f32
        %parallel_loop3A_425 = vector.broadcast %parallel_loop3A_424 : f32 to vector<16xf32>
        %parallel_loop3A_426 = arith.subf %parallel_loop3A_425, %parallel_loop3A_423 : vector<16xf32>
        %parallel_loop3A_427 = math.exp %parallel_loop3A_426 : vector<16xf32>
        %parallel_loop3A_428 = arith.constant 1.000000e+00 : f32
        %parallel_loop3A_429 = vector.broadcast %parallel_loop3A_428 : f32 to vector<16xf32>
        %parallel_loop3A_430 = arith.addf %parallel_loop3A_429, %parallel_loop3A_427 : vector<16xf32>
        %parallel_loop3A_431 = arith.index_cast %parallel_loop3A_402 : i32 to index
        %parallel_loop3A_432 = arith.constant 32 : index
        %parallel_loop3A_433 = tpu.vector_load %arg9[%parallel_loop3A_431, %parallel_loop3A_432] {strides = array<i32>} : memref<128x128xf32, #tpu.memory_space<vmem>>, vector<16xf32>,
        %parallel_loop3A_434 = arith.index_cast %parallel_loop3A_402 : i32 to index
        %parallel_loop3A_435 = arith.constant 32 : index
        %parallel_loop3A_436 = tpu.vector_load %arg12[%parallel_loop3A_434, %parallel_loop3A_435] {strides = array<i32>} : memref<128x128xf32, #tpu.memory_space<vmem>>, vector<16xf32>,
        %parallel_loop3A_437 = arith.addf %parallel_loop3A_433, %parallel_loop3A_436 : vector<16xf32>
        %parallel_loop3A_438 = arith.constant 0.000000e+00 : f32
        %parallel_loop3A_439 = vector.broadcast %parallel_loop3A_438 : f32 to vector<16xf32>
        %parallel_loop3A_440 = arith.subf %parallel_loop3A_439, %parallel_loop3A_437 : vector<16xf32>
        %parallel_loop3A_441 = math.exp %parallel_loop3A_440 : vector<16xf32>
        %parallel_loop3A_442 = arith.constant 1.000000e+00 : f32
        %parallel_loop3A_443 = vector.broadcast %parallel_loop3A_442 : f32 to vector<16xf32>
        %parallel_loop3A_444 = arith.addf %parallel_loop3A_443, %parallel_loop3A_441 : vector<16xf32>
        %parallel_loop3A_445 = arith.index_cast %parallel_loop3A_402 : i32 to index
        %parallel_loop3A_446 = arith.constant 48 : index
        %parallel_loop3A_447 = tpu.vector_load %arg9[%parallel_loop3A_445, %parallel_loop3A_446] {strides = array<i32>} : memref<128x128xf32, #tpu.memory_space<vmem>>, vector<16xf32>,
        %parallel_loop3A_448 = arith.index_cast %parallel_loop3A_402 : i32 to index
        %parallel_loop3A_449 = arith.constant 48 : index
        %parallel_loop3A_450 = tpu.vector_load %arg12[%parallel_loop3A_448, %parallel_loop3A_449] {strides = array<i32>} : memref<128x128xf32, #tpu.memory_space<vmem>>, vector<16xf32>,
        %parallel_loop3A_451 = arith.addf %parallel_loop3A_447, %parallel_loop3A_450 : vector<16xf32>
        %parallel_loop3A_452 = arith.constant 0.000000e+00 : f32
        %parallel_loop3A_453 = vector.broadcast %parallel_loop3A_452 : f32 to vector<16xf32>
        %parallel_loop3A_454 = arith.subf %parallel_loop3A_453, %parallel_loop3A_451 : vector<16xf32>
        %parallel_loop3A_455 = math.exp %parallel_loop3A_454 : vector<16xf32>
        %parallel_loop3A_456 = arith.constant 1.000000e+00 : f32
        %parallel_loop3A_457 = vector.broadcast %parallel_loop3A_456 : f32 to vector<16xf32>
        %parallel_loop3A_458 = arith.addf %parallel_loop3A_457, %parallel_loop3A_455 : vector<16xf32>
        %parallel_loop3A_459 = arith.index_cast %parallel_loop3A_402 : i32 to index
        %parallel_loop3A_460 = arith.constant 64 : index
        %parallel_loop3A_461 = tpu.vector_load %arg9[%parallel_loop3A_459, %parallel_loop3A_460] {strides = array<i32>} : memref<128x128xf32, #tpu.memory_space<vmem>>, vector<16xf32>,
        %parallel_loop3A_462 = arith.index_cast %parallel_loop3A_402 : i32 to index
        %parallel_loop3A_463 = arith.constant 64 : index
        %parallel_loop3A_464 = tpu.vector_load %arg12[%parallel_loop3A_462, %parallel_loop3A_463] {strides = array<i32>} : memref<128x128xf32, #tpu.memory_space<vmem>>, vector<16xf32>,
        %parallel_loop3A_465 = arith.addf %parallel_loop3A_461, %parallel_loop3A_464 : vector<16xf32>
        %parallel_loop3A_466 = arith.constant 0.000000e+00 : f32
        %parallel_loop3A_467 = vector.broadcast %parallel_loop3A_466 : f32 to vector<16xf32>
        %parallel_loop3A_468 = arith.subf %parallel_loop3A_467, %parallel_loop3A_465 : vector<16xf32>
        %parallel_loop3A_469 = math.exp %parallel_loop3A_468 : vector<16xf32>
        %parallel_loop3A_470 = arith.constant 1.000000e+00 : f32
        %parallel_loop3A_471 = vector.broadcast %parallel_loop3A_470 : f32 to vector<16xf32>
        %parallel_loop3A_472 = arith.addf %parallel_loop3A_471, %parallel_loop3A_469 : vector<16xf32>
        %parallel_loop3A_473 = arith.index_cast %parallel_loop3A_402 : i32 to index
        %parallel_loop3A_474 = arith.constant 80 : index
        %parallel_loop3A_475 = tpu.vector_load %arg9[%parallel_loop3A_473, %parallel_loop3A_474] {strides = array<i32>} : memref<128x128xf32, #tpu.memory_space<vmem>>, vector<16xf32>,
        %parallel_loop3A_476 = arith.index_cast %parallel_loop3A_402 : i32 to index
        %parallel_loop3A_477 = arith.constant 80 : index
        %parallel_loop3A_478 = tpu.vector_load %arg12[%parallel_loop3A_476, %parallel_loop3A_477] {strides = array<i32>} : memref<128x128xf32, #tpu.memory_space<vmem>>, vector<16xf32>,
        %parallel_loop3A_479 = arith.addf %parallel_loop3A_475, %parallel_loop3A_478 : vector<16xf32>
        %parallel_loop3A_480 = arith.constant 0.000000e+00 : f32
        %parallel_loop3A_481 = vector.broadcast %parallel_loop3A_480 : f32 to vector<16xf32>
        %parallel_loop3A_482 = arith.subf %parallel_loop3A_481, %parallel_loop3A_479 : vector<16xf32>
        %parallel_loop3A_483 = math.exp %parallel_loop3A_482 : vector<16xf32>
        %parallel_loop3A_484 = arith.constant 1.000000e+00 : f32
        %parallel_loop3A_485 = vector.broadcast %parallel_loop3A_484 : f32 to vector<16xf32>
        %parallel_loop3A_486 = arith.addf %parallel_loop3A_485, %parallel_loop3A_483 : vector<16xf32>
        %parallel_loop3A_487 = arith.index_cast %parallel_loop3A_402 : i32 to index
        %parallel_loop3A_488 = arith.constant 96 : index
        %parallel_loop3A_489 = tpu.vector_load %arg9[%parallel_loop3A_487, %parallel_loop3A_488] {strides = array<i32>} : memref<128x128xf32, #tpu.memory_space<vmem>>, vector<16xf32>,
        %parallel_loop3A_490 = arith.index_cast %parallel_loop3A_402 : i32 to index
        %parallel_loop3A_491 = arith.constant 96 : index
        %parallel_loop3A_492 = tpu.vector_load %arg12[%parallel_loop3A_490, %parallel_loop3A_491] {strides = array<i32>} : memref<128x128xf32, #tpu.memory_space<vmem>>, vector<16xf32>,
        %parallel_loop3A_493 = arith.addf %parallel_loop3A_489, %parallel_loop3A_492 : vector<16xf32>
        %parallel_loop3A_494 = arith.constant 0.000000e+00 : f32
        %parallel_loop3A_495 = vector.broadcast %parallel_loop3A_494 : f32 to vector<16xf32>
        %parallel_loop3A_496 = arith.subf %parallel_loop3A_495, %parallel_loop3A_493 : vector<16xf32>
        %parallel_loop3A_497 = math.exp %parallel_loop3A_496 : vector<16xf32>
        %parallel_loop3A_498 = arith.constant 1.000000e+00 : f32
        %parallel_loop3A_499 = vector.broadcast %parallel_loop3A_498 : f32 to vector<16xf32>
        %parallel_loop3A_500 = arith.addf %parallel_loop3A_499, %parallel_loop3A_497 : vector<16xf32>
        %parallel_loop3A_501 = arith.index_cast %parallel_loop3A_402 : i32 to index
        %parallel_loop3A_502 = arith.constant 112 : index
        %parallel_loop3A_503 = tpu.vector_load %arg9[%parallel_loop3A_501, %parallel_loop3A_502] {strides = array<i32>} : memref<128x128xf32, #tpu.memory_space<vmem>>, vector<16xf32>,
        %parallel_loop3A_504 = arith.index_cast %parallel_loop3A_402 : i32 to index
        %parallel_loop3A_505 = arith.constant 112 : index
        %parallel_loop3A_506 = tpu.vector_load %arg12[%parallel_loop3A_504, %parallel_loop3A_505] {strides = array<i32>} : memref<128x128xf32, #tpu.memory_space<vmem>>, vector<16xf32>,
        %parallel_loop3A_507 = arith.addf %parallel_loop3A_503, %parallel_loop3A_506 : vector<16xf32>
        %parallel_loop3A_508 = arith.constant 0.000000e+00 : f32
        %parallel_loop3A_509 = vector.broadcast %parallel_loop3A_508 : f32 to vector<16xf32>
        %parallel_loop3A_510 = arith.subf %parallel_loop3A_509, %parallel_loop3A_507 : vector<16xf32>
        %parallel_loop3A_511 = math.exp %parallel_loop3A_510 : vector<16xf32>
        %parallel_loop3A_512 = arith.constant 1.000000e+00 : f32
        %parallel_loop3A_513 = vector.broadcast %parallel_loop3A_512 : f32 to vector<16xf32>
        %parallel_loop3A_514 = arith.addf %parallel_loop3A_513, %parallel_loop3A_511 : vector<16xf32>
        %parallel_loop3A_515 = arith.mulf %parallel_loop3A_416, %parallel_loop3A_430 : vector<16xf32>
        %parallel_loop3A_516 = arith.mulf %parallel_loop3A_444, %parallel_loop3A_458 : vector<16xf32>
        %parallel_loop3A_517 = arith.mulf %parallel_loop3A_472, %parallel_loop3A_486 : vector<16xf32>
        %parallel_loop3A_518 = arith.mulf %parallel_loop3A_500, %parallel_loop3A_514 : vector<16xf32>
        %parallel_loop3A_519 = arith.mulf %parallel_loop3A_515, %parallel_loop3A_516 : vector<16xf32>
        %parallel_loop3A_520 = arith.mulf %parallel_loop3A_517, %parallel_loop3A_518 : vector<16xf32>
        %parallel_loop3A_521 = arith.mulf %parallel_loop3A_519, %parallel_loop3A_520 : vector<16xf32>
        %parallel_loop3A_522 = arith.constant 17 : i32
        %parallel_loop3A_523 = arith.muli %parallel_loop3A_399, %parallel_loop3A_522 : i32
        %parallel_loop3A_524 = arith.addi %parallel_loop3A_308, %parallel_loop3A_523 : i32
        %parallel_loop3A_525 = arith.constant 0 : i32
        %parallel_loop3A_526 = arith.index_cast %parallel_loop3A_525 : i32 to index
        %parallel_loop3A_527 = arith.index_cast %parallel_loop3A_524 : i32 to index
        %parallel_loop3A_528 = tpu.vector_load %arg16[%parallel_loop3A_526, %parallel_loop3A_527] {strides = array<i32>} : memref<1x2176xf32, #tpu.memory_space<vmem>>, vector<16xf32>,
        tpu.vector_store %arg16[%parallel_loop3A_526, %parallel_loop3A_527], %parallel_loop3A_521 {strides = array<i32>} : memref<1x2176xf32, #tpu.memory_space<vmem>>, vector<16xf32>,
      } {sc.loop_unroll_factor = 4 : i64, sc.parallel_access}
      %parallel_loop3A_312 = vector.broadcast %parallel_loop3A_308 : i32 to vector<16xi32>
      %parallel_loop3A_313 = arith.addi %mul3A_220, %parallel_loop3A_312 : vector<16xi32>
      %parallel_loop3A_314 = tpu.vector_load_idx %arg16[%broadcast_in_dim3A_217, %parallel_loop3A_313] : memref<1x2176xf32, #tpu.memory_space<vmem>>[vector<16xi32>, vector<16xi32>], vector<16xf32>,
      %parallel_loop3A_315 = arith.constant 1 : i32
      %parallel_loop3A_316 = vector.broadcast %parallel_loop3A_315 : i32 to vector<16xi32>
      %parallel_loop3A_317 = arith.addi %parallel_loop3A_313, %parallel_loop3A_316 : vector<16xi32>
      %parallel_loop3A_318 = tpu.vector_load_idx %arg16[%broadcast_in_dim3A_217, %parallel_loop3A_317] : memref<1x2176xf32, #tpu.memory_space<vmem>>[vector<16xi32>, vector<16xi32>], vector<16xf32>,
      %parallel_loop3A_319 = arith.mulf %parallel_loop3A_314, %parallel_loop3A_318 : vector<16xf32>
      %parallel_loop3A_320 = arith.constant 2 : i32
      %parallel_loop3A_321 = vector.broadcast %parallel_loop3A_320 : i32 to vector<16xi32>
      %parallel_loop3A_322 = arith.addi %parallel_loop3A_313, %parallel_loop3A_321 : vector<16xi32>
      %parallel_loop3A_323 = tpu.vector_load_idx %arg16[%broadcast_in_dim3A_217, %parallel_loop3A_322] : memref<1x2176xf32, #tpu.memory_space<vmem>>[vector<16xi32>, vector<16xi32>], vector<16xf32>,
      %parallel_loop3A_324 = arith.mulf %parallel_loop3A_319, %parallel_loop3A_323 : vector<16xf32>
      %parallel_loop3A_325 = arith.constant 3 : i32
      %parallel_loop3A_326 = vector.broadcast %parallel_loop3A_325 : i32 to vector<16xi32>
      %parallel_loop3A_327 = arith.addi %parallel_loop3A_313, %parallel_loop3A_326 : vector<16xi32>
      %parallel_loop3A_328 = tpu.vector_load_idx %arg16[%broadcast_in_dim3A_217, %parallel_loop3A_327] : memref<1x2176xf32, #tpu.memory_space<vmem>>[vector<16xi32>, vector<16xi32>], vector<16xf32>,
      %parallel_loop3A_329 = arith.mulf %parallel_loop3A_324, %parallel_loop3A_328 : vector<16xf32>
      %parallel_loop3A_330 = arith.constant 4 : i32
      %parallel_loop3A_331 = vector.broadcast %parallel_loop3A_330 : i32 to vector<16xi32>
      %parallel_loop3A_332 = arith.addi %parallel_loop3A_313, %parallel_loop3A_331 : vector<16xi32>
      %parallel_loop3A_333 = tpu.vector_load_idx %arg16[%broadcast_in_dim3A_217, %parallel_loop3A_332] : memref<1x2176xf32, #tpu.memory_space<vmem>>[vector<16xi32>, vector<16xi32>], vector<16xf32>,
      %parallel_loop3A_334 = arith.mulf %parallel_loop3A_329, %parallel_loop3A_333 : vector<16xf32>
      %parallel_loop3A_335 = arith.constant 5 : i32
      %parallel_loop3A_336 = vector.broadcast %parallel_loop3A_335 : i32 to vector<16xi32>
      %parallel_loop3A_337 = arith.addi %parallel_loop3A_313, %parallel_loop3A_336 : vector<16xi32>
      %parallel_loop3A_338 = tpu.vector_load_idx %arg16[%broadcast_in_dim3A_217, %parallel_loop3A_337] : memref<1x2176xf32, #tpu.memory_space<vmem>>[vector<16xi32>, vector<16xi32>], vector<16xf32>,
      %parallel_loop3A_339 = arith.mulf %parallel_loop3A_334, %parallel_loop3A_338 : vector<16xf32>
      %parallel_loop3A_340 = arith.constant 6 : i32
      %parallel_loop3A_341 = vector.broadcast %parallel_loop3A_340 : i32 to vector<16xi32>
      %parallel_loop3A_342 = arith.addi %parallel_loop3A_313, %parallel_loop3A_341 : vector<16xi32>
      %parallel_loop3A_343 = tpu.vector_load_idx %arg16[%broadcast_in_dim3A_217, %parallel_loop3A_342] : memref<1x2176xf32, #tpu.memory_space<vmem>>[vector<16xi32>, vector<16xi32>], vector<16xf32>,
      %parallel_loop3A_344 = arith.mulf %parallel_loop3A_339, %parallel_loop3A_343 : vector<16xf32>
      %parallel_loop3A_345 = arith.constant 7 : i32
      %parallel_loop3A_346 = vector.broadcast %parallel_loop3A_345 : i32 to vector<16xi32>
      %parallel_loop3A_347 = arith.addi %parallel_loop3A_313, %parallel_loop3A_346 : vector<16xi32>
      %parallel_loop3A_348 = tpu.vector_load_idx %arg16[%broadcast_in_dim3A_217, %parallel_loop3A_347] : memref<1x2176xf32, #tpu.memory_space<vmem>>[vector<16xi32>, vector<16xi32>], vector<16xf32>,
      %parallel_loop3A_349 = arith.mulf %parallel_loop3A_344, %parallel_loop3A_348 : vector<16xf32>
      %parallel_loop3A_350 = arith.constant 8 : i32
      %parallel_loop3A_351 = vector.broadcast %parallel_loop3A_350 : i32 to vector<16xi32>
      %parallel_loop3A_352 = arith.addi %parallel_loop3A_313, %parallel_loop3A_351 : vector<16xi32>
      %parallel_loop3A_353 = tpu.vector_load_idx %arg16[%broadcast_in_dim3A_217, %parallel_loop3A_352] : memref<1x2176xf32, #tpu.memory_space<vmem>>[vector<16xi32>, vector<16xi32>], vector<16xf32>,
      %parallel_loop3A_354 = arith.mulf %parallel_loop3A_349, %parallel_loop3A_353 : vector<16xf32>
      %parallel_loop3A_355 = arith.constant 9 : i32
      %parallel_loop3A_356 = vector.broadcast %parallel_loop3A_355 : i32 to vector<16xi32>
      %parallel_loop3A_357 = arith.addi %parallel_loop3A_313, %parallel_loop3A_356 : vector<16xi32>
      %parallel_loop3A_358 = tpu.vector_load_idx %arg16[%broadcast_in_dim3A_217, %parallel_loop3A_357] : memref<1x2176xf32, #tpu.memory_space<vmem>>[vector<16xi32>, vector<16xi32>], vector<16xf32>,
      %parallel_loop3A_359 = arith.mulf %parallel_loop3A_354, %parallel_loop3A_358 : vector<16xf32>
      %parallel_loop3A_360 = arith.constant 10 : i32
      %parallel_loop3A_361 = vector.broadcast %parallel_loop3A_360 : i32 to vector<16xi32>
      %parallel_loop3A_362 = arith.addi %parallel_loop3A_313, %parallel_loop3A_361 : vector<16xi32>
      %parallel_loop3A_363 = tpu.vector_load_idx %arg16[%broadcast_in_dim3A_217, %parallel_loop3A_362] : memref<1x2176xf32, #tpu.memory_space<vmem>>[vector<16xi32>, vector<16xi32>], vector<16xf32>,
      %parallel_loop3A_364 = arith.mulf %parallel_loop3A_359, %parallel_loop3A_363 : vector<16xf32>
      %parallel_loop3A_365 = arith.constant 11 : i32
      %parallel_loop3A_366 = vector.broadcast %parallel_loop3A_365 : i32 to vector<16xi32>
      %parallel_loop3A_367 = arith.addi %parallel_loop3A_313, %parallel_loop3A_366 : vector<16xi32>
      %parallel_loop3A_368 = tpu.vector_load_idx %arg16[%broadcast_in_dim3A_217, %parallel_loop3A_367] : memref<1x2176xf32, #tpu.memory_space<vmem>>[vector<16xi32>, vector<16xi32>], vector<16xf32>,
      %parallel_loop3A_369 = arith.mulf %parallel_loop3A_364, %parallel_loop3A_368 : vector<16xf32>
      %parallel_loop3A_370 = arith.constant 12 : i32
      %parallel_loop3A_371 = vector.broadcast %parallel_loop3A_370 : i32 to vector<16xi32>
      %parallel_loop3A_372 = arith.addi %parallel_loop3A_313, %parallel_loop3A_371 : vector<16xi32>
      %parallel_loop3A_373 = tpu.vector_load_idx %arg16[%broadcast_in_dim3A_217, %parallel_loop3A_372] : memref<1x2176xf32, #tpu.memory_space<vmem>>[vector<16xi32>, vector<16xi32>], vector<16xf32>,
      %parallel_loop3A_374 = arith.mulf %parallel_loop3A_369, %parallel_loop3A_373 : vector<16xf32>
      %parallel_loop3A_375 = arith.constant 13 : i32
      %parallel_loop3A_376 = vector.broadcast %parallel_loop3A_375 : i32 to vector<16xi32>
      %parallel_loop3A_377 = arith.addi %parallel_loop3A_313, %parallel_loop3A_376 : vector<16xi32>
      %parallel_loop3A_378 = tpu.vector_load_idx %arg16[%broadcast_in_dim3A_217, %parallel_loop3A_377] : memref<1x2176xf32, #tpu.memory_space<vmem>>[vector<16xi32>, vector<16xi32>], vector<16xf32>,
      %parallel_loop3A_379 = arith.mulf %parallel_loop3A_374, %parallel_loop3A_378 : vector<16xf32>
      %parallel_loop3A_380 = arith.constant 14 : i32
      %parallel_loop3A_381 = vector.broadcast %parallel_loop3A_380 : i32 to vector<16xi32>
      %parallel_loop3A_382 = arith.addi %parallel_loop3A_313, %parallel_loop3A_381 : vector<16xi32>
      %parallel_loop3A_383 = tpu.vector_load_idx %arg16[%broadcast_in_dim3A_217, %parallel_loop3A_382] : memref<1x2176xf32, #tpu.memory_space<vmem>>[vector<16xi32>, vector<16xi32>], vector<16xf32>,
      %parallel_loop3A_384 = arith.mulf %parallel_loop3A_379, %parallel_loop3A_383 : vector<16xf32>
      %parallel_loop3A_385 = arith.constant 15 : i32
      %parallel_loop3A_386 = vector.broadcast %parallel_loop3A_385 : i32 to vector<16xi32>
      %parallel_loop3A_387 = arith.addi %parallel_loop3A_313, %parallel_loop3A_386 : vector<16xi32>
      %parallel_loop3A_388 = tpu.vector_load_idx %arg16[%broadcast_in_dim3A_217, %parallel_loop3A_387] : memref<1x2176xf32, #tpu.memory_space<vmem>>[vector<16xi32>, vector<16xi32>], vector<16xf32>,
      %parallel_loop3A_389 = arith.mulf %parallel_loop3A_384, %parallel_loop3A_388 : vector<16xf32>
      %parallel_loop3A_390 = arith.constant 1.000000e+00 : f32
      %parallel_loop3A_391 = vector.broadcast %parallel_loop3A_390 : f32 to vector<16xf32>
      %parallel_loop3A_392 = arith.divf %parallel_loop3A_391, %parallel_loop3A_389 : vector<16xf32>
      %parallel_loop3A_393 = arith.constant 16 : i32
      %parallel_loop3A_394 = arith.muli %parallel_loop3A_306, %parallel_loop3A_393 : i32
      %parallel_loop3A_395 = arith.constant 0 : i32
      %parallel_loop3A_396 = arith.addi %parallel_loop3A_395, %parallel_loop3A_394 : i32
      %parallel_loop3A_397 = arith.index_cast %parallel_loop3A_396 : i32 to index
      %parallel_loop3A_398 = tpu.vector_load %arg15[%parallel_loop3A_397] {strides = array<i32>} : memref<512xf32, #tpu.memory_space<vmem>>, vector<16xf32>,
      tpu.vector_store %arg15[%parallel_loop3A_397], %parallel_loop3A_392 {strides = array<i32>} : memref<512xf32, #tpu.memory_space<vmem>>, vector<16xf32>,
    } {sc.loop_unroll_factor = 1 : i64, sc.parallel_access}
    %dma_start3A_223 = arith.constant 3 : i32
    %dma_start3A_224 = arith.constant 0 : i32
    %dma_start3A_225 = tpu.memref_slice %arg7[%dma_start3A_223, %dma_start3A_224] : memref<4x128xi32, #tpu.memory_space<vmem>> -> memref<1x128xi32, #tpu.memory_space<vmem>>
    %dma_start3A_226 = tpu.memref_squeeze %dma_start3A_225 : memref<1x128xi32, #tpu.memory_space<vmem>> -> memref<128xi32, #tpu.memory_space<vmem>>
    %dma_start3A_227 = arith.constant 0 : i32
    %dma_start3A_228 = arith.constant 0 : i32
    %dma_start3A_229 = tpu.memref_slice %arg4[%dma_start3A_227, %dma_start3A_228] : memref<1000000x128xf32, #tpu.memory_space<hbm>> -> memref<1000000x128xf32, #tpu.memory_space<hbm>>
    tpu.enqueue_indirect_dma source(%dma_start3A_229 : memref<1000000x128xf32, #tpu.memory_space<hbm>>) target(%arg9 : memref<128x128xf32, #tpu.memory_space<vmem>>) offsets(%dma_start3A_226 : memref<128xi32, #tpu.memory_space<vmem>>) semaphore(%arg18 : memref<!tpu.dma_semaphore, #tpu.memory_space<semaphore_mem>>)
    %dma_start3A_230 = arith.constant 3 : i32
    %dma_start3A_231 = arith.constant 0 : i32
    %dma_start3A_232 = tpu.memref_slice %arg8[%dma_start3A_230, %dma_start3A_231] : memref<4x128xi32, #tpu.memory_space<vmem>> -> memref<1x128xi32, #tpu.memory_space<vmem>>
    %dma_start3A_233 = tpu.memref_squeeze %dma_start3A_232 : memref<1x128xi32, #tpu.memory_space<vmem>> -> memref<128xi32, #tpu.memory_space<vmem>>
    %dma_start3A_234 = arith.constant 0 : i32
    %dma_start3A_235 = arith.constant 0 : i32
    %dma_start3A_236 = tpu.memref_slice %arg5[%dma_start3A_234, %dma_start3A_235] : memref<100000x128xf32, #tpu.memory_space<hbm>> -> memref<100000x128xf32, #tpu.memory_space<hbm>>
    tpu.enqueue_indirect_dma source(%dma_start3A_236 : memref<100000x128xf32, #tpu.memory_space<hbm>>) target(%arg12 : memref<128x128xf32, #tpu.memory_space<vmem>>) offsets(%dma_start3A_233 : memref<128xi32, #tpu.memory_space<vmem>>) semaphore(%arg18 : memref<!tpu.dma_semaphore, #tpu.memory_space<semaphore_mem>>)
    %dma_wait3A_237 = arith.constant 1 : i32
    %dma_wait3A_238 = arith.constant 0 : i32
    %dma_wait3A_239 = tpu.memref_slice %arg7[%dma_wait3A_237, %dma_wait3A_238] : memref<4x128xi32, #tpu.memory_space<vmem>> -> memref<1x128xi32, #tpu.memory_space<vmem>>
    %dma_wait3A_240 = tpu.memref_squeeze %dma_wait3A_239 : memref<1x128xi32, #tpu.memory_space<vmem>> -> memref<128xi32, #tpu.memory_space<vmem>>
    %dma_wait3A_241 = arith.constant 0 : i32
    %dma_wait3A_242 = arith.constant 0 : i32
    %dma_wait3A_243 = tpu.memref_slice %arg4[%dma_wait3A_241, %dma_wait3A_242] : memref<1000000x128xf32, #tpu.memory_space<hbm>> -> memref<1000000x128xf32, #tpu.memory_space<hbm>>
    tpu.wait_indirect_dma semaphore(%arg19 : memref<!tpu.dma_semaphore, #tpu.memory_space<semaphore_mem>>) src(%dma_wait3A_243 : memref<1000000x128xf32, #tpu.memory_space<hbm>>) dst(%arg10 : memref<128x128xf32, #tpu.memory_space<vmem>>)
    %dma_wait3A_244 = arith.constant 1 : i32
    %dma_wait3A_245 = arith.constant 0 : i32
    %dma_wait3A_246 = tpu.memref_slice %arg8[%dma_wait3A_244, %dma_wait3A_245] : memref<4x128xi32, #tpu.memory_space<vmem>> -> memref<1x128xi32, #tpu.memory_space<vmem>>
    %dma_wait3A_247 = tpu.memref_squeeze %dma_wait3A_246 : memref<1x128xi32, #tpu.memory_space<vmem>> -> memref<128xi32, #tpu.memory_space<vmem>>
    %dma_wait3A_248 = arith.constant 0 : i32
    %dma_wait3A_249 = arith.constant 0 : i32
    %dma_wait3A_250 = tpu.memref_slice %arg5[%dma_wait3A_248, %dma_wait3A_249] : memref<100000x128xf32, #tpu.memory_space<hbm>> -> memref<100000x128xf32, #tpu.memory_space<hbm>>
    tpu.wait_indirect_dma semaphore(%arg19 : memref<!tpu.dma_semaphore, #tpu.memory_space<semaphore_mem>>) src(%dma_wait3A_250 : memref<100000x128xf32, #tpu.memory_space<hbm>>) dst(%arg13 : memref<128x128xf32, #tpu.memory_space<vmem>>)
    %iota3A_251 = tpu.iota {dimensions = array<i32: 0>} : vector<16xi32>
    %broadcast_in_dim3A_252 = arith.constant 0 : i32
    %broadcast_in_dim3A_253 = vector.broadcast %broadcast_in_dim3A_252 : i32 to vector<16xi32>
    %mul3A_254 = arith.constant 17 : i32
    %mul3A_255 = vector.broadcast %mul3A_254 : i32 to vector<16xi32>
    %mul3A_256 = arith.muli %iota3A_251, %mul3A_255 : vector<16xi32>
    %parallel_loop3A_257 = arith.constant 0 : i32
    %parallel_loop3A_258 = arith.constant 8 : i32
    %parallel_loop3A_259 = arith.constant 1 : i32
    scf.for %parallel_loop3A_306 = %parallel_loop3A_257 to %parallel_loop3A_258 step %parallel_loop3A_259  : i32 {
      %parallel_loop3A_307 = arith.constant 272 : i32
      %parallel_loop3A_308 = arith.muli %parallel_loop3A_306, %parallel_loop3A_307 : i32
      %parallel_loop3A_309 = arith.constant 0 : i32
      %parallel_loop3A_310 = arith.constant 16 : i32
      %parallel_loop3A_311 = arith.constant 1 : i32
      scf.for %parallel_loop3A_399 = %parallel_loop3A_309 to %parallel_loop3A_310 step %parallel_loop3A_311  : i32 {
        %parallel_loop3A_400 = arith.constant 16 : i32
        %parallel_loop3A_401 = arith.muli %parallel_loop3A_306, %parallel_loop3A_400 : i32
        %parallel_loop3A_402 = arith.addi %parallel_loop3A_401, %parallel_loop3A_399 : i32
        %parallel_loop3A_403 = arith.index_cast %parallel_loop3A_402 : i32 to index
        %parallel_loop3A_404 = arith.constant 0 : index
        %parallel_loop3A_405 = tpu.vector_load %arg10[%parallel_loop3A_403, %parallel_loop3A_404] {strides = array<i32>} : memref<128x128xf32, #tpu.memory_space<vmem>>, vector<16xf32>,
        %parallel_loop3A_406 = arith.index_cast %parallel_loop3A_402 : i32 to index
        %parallel_loop3A_407 = arith.constant 0 : index
        %parallel_loop3A_408 = tpu.vector_load %arg13[%parallel_loop3A_406, %parallel_loop3A_407] {strides = array<i32>} : memref<128x128xf32, #tpu.memory_space<vmem>>, vector<16xf32>,
        %parallel_loop3A_409 = arith.addf %parallel_loop3A_405, %parallel_loop3A_408 : vector<16xf32>
        %parallel_loop3A_410 = arith.constant 0.000000e+00 : f32
        %parallel_loop3A_411 = vector.broadcast %parallel_loop3A_410 : f32 to vector<16xf32>
        %parallel_loop3A_412 = arith.subf %parallel_loop3A_411, %parallel_loop3A_409 : vector<16xf32>
        %parallel_loop3A_413 = math.exp %parallel_loop3A_412 : vector<16xf32>
        %parallel_loop3A_414 = arith.constant 1.000000e+00 : f32
        %parallel_loop3A_415 = vector.broadcast %parallel_loop3A_414 : f32 to vector<16xf32>
        %parallel_loop3A_416 = arith.addf %parallel_loop3A_415, %parallel_loop3A_413 : vector<16xf32>
        %parallel_loop3A_417 = arith.index_cast %parallel_loop3A_402 : i32 to index
        %parallel_loop3A_418 = arith.constant 16 : index
        %parallel_loop3A_419 = tpu.vector_load %arg10[%parallel_loop3A_417, %parallel_loop3A_418] {strides = array<i32>} : memref<128x128xf32, #tpu.memory_space<vmem>>, vector<16xf32>,
        %parallel_loop3A_420 = arith.index_cast %parallel_loop3A_402 : i32 to index
        %parallel_loop3A_421 = arith.constant 16 : index
        %parallel_loop3A_422 = tpu.vector_load %arg13[%parallel_loop3A_420, %parallel_loop3A_421] {strides = array<i32>} : memref<128x128xf32, #tpu.memory_space<vmem>>, vector<16xf32>,
        %parallel_loop3A_423 = arith.addf %parallel_loop3A_419, %parallel_loop3A_422 : vector<16xf32>
        %parallel_loop3A_424 = arith.constant 0.000000e+00 : f32
        %parallel_loop3A_425 = vector.broadcast %parallel_loop3A_424 : f32 to vector<16xf32>
        %parallel_loop3A_426 = arith.subf %parallel_loop3A_425, %parallel_loop3A_423 : vector<16xf32>
        %parallel_loop3A_427 = math.exp %parallel_loop3A_426 : vector<16xf32>
        %parallel_loop3A_428 = arith.constant 1.000000e+00 : f32
        %parallel_loop3A_429 = vector.broadcast %parallel_loop3A_428 : f32 to vector<16xf32>
        %parallel_loop3A_430 = arith.addf %parallel_loop3A_429, %parallel_loop3A_427 : vector<16xf32>
        %parallel_loop3A_431 = arith.index_cast %parallel_loop3A_402 : i32 to index
        %parallel_loop3A_432 = arith.constant 32 : index
        %parallel_loop3A_433 = tpu.vector_load %arg10[%parallel_loop3A_431, %parallel_loop3A_432] {strides = array<i32>} : memref<128x128xf32, #tpu.memory_space<vmem>>, vector<16xf32>,
        %parallel_loop3A_434 = arith.index_cast %parallel_loop3A_402 : i32 to index
        %parallel_loop3A_435 = arith.constant 32 : index
        %parallel_loop3A_436 = tpu.vector_load %arg13[%parallel_loop3A_434, %parallel_loop3A_435] {strides = array<i32>} : memref<128x128xf32, #tpu.memory_space<vmem>>, vector<16xf32>,
        %parallel_loop3A_437 = arith.addf %parallel_loop3A_433, %parallel_loop3A_436 : vector<16xf32>
        %parallel_loop3A_438 = arith.constant 0.000000e+00 : f32
        %parallel_loop3A_439 = vector.broadcast %parallel_loop3A_438 : f32 to vector<16xf32>
        %parallel_loop3A_440 = arith.subf %parallel_loop3A_439, %parallel_loop3A_437 : vector<16xf32>
        %parallel_loop3A_441 = math.exp %parallel_loop3A_440 : vector<16xf32>
        %parallel_loop3A_442 = arith.constant 1.000000e+00 : f32
        %parallel_loop3A_443 = vector.broadcast %parallel_loop3A_442 : f32 to vector<16xf32>
        %parallel_loop3A_444 = arith.addf %parallel_loop3A_443, %parallel_loop3A_441 : vector<16xf32>
        %parallel_loop3A_445 = arith.index_cast %parallel_loop3A_402 : i32 to index
        %parallel_loop3A_446 = arith.constant 48 : index
        %parallel_loop3A_447 = tpu.vector_load %arg10[%parallel_loop3A_445, %parallel_loop3A_446] {strides = array<i32>} : memref<128x128xf32, #tpu.memory_space<vmem>>, vector<16xf32>,
        %parallel_loop3A_448 = arith.index_cast %parallel_loop3A_402 : i32 to index
        %parallel_loop3A_449 = arith.constant 48 : index
        %parallel_loop3A_450 = tpu.vector_load %arg13[%parallel_loop3A_448, %parallel_loop3A_449] {strides = array<i32>} : memref<128x128xf32, #tpu.memory_space<vmem>>, vector<16xf32>,
        %parallel_loop3A_451 = arith.addf %parallel_loop3A_447, %parallel_loop3A_450 : vector<16xf32>
        %parallel_loop3A_452 = arith.constant 0.000000e+00 : f32
        %parallel_loop3A_453 = vector.broadcast %parallel_loop3A_452 : f32 to vector<16xf32>
        %parallel_loop3A_454 = arith.subf %parallel_loop3A_453, %parallel_loop3A_451 : vector<16xf32>
        %parallel_loop3A_455 = math.exp %parallel_loop3A_454 : vector<16xf32>
        %parallel_loop3A_456 = arith.constant 1.000000e+00 : f32
        %parallel_loop3A_457 = vector.broadcast %parallel_loop3A_456 : f32 to vector<16xf32>
        %parallel_loop3A_458 = arith.addf %parallel_loop3A_457, %parallel_loop3A_455 : vector<16xf32>
        %parallel_loop3A_459 = arith.index_cast %parallel_loop3A_402 : i32 to index
        %parallel_loop3A_460 = arith.constant 64 : index
        %parallel_loop3A_461 = tpu.vector_load %arg10[%parallel_loop3A_459, %parallel_loop3A_460] {strides = array<i32>} : memref<128x128xf32, #tpu.memory_space<vmem>>, vector<16xf32>,
        %parallel_loop3A_462 = arith.index_cast %parallel_loop3A_402 : i32 to index
        %parallel_loop3A_463 = arith.constant 64 : index
        %parallel_loop3A_464 = tpu.vector_load %arg13[%parallel_loop3A_462, %parallel_loop3A_463] {strides = array<i32>} : memref<128x128xf32, #tpu.memory_space<vmem>>, vector<16xf32>,
        %parallel_loop3A_465 = arith.addf %parallel_loop3A_461, %parallel_loop3A_464 : vector<16xf32>
        %parallel_loop3A_466 = arith.constant 0.000000e+00 : f32
        %parallel_loop3A_467 = vector.broadcast %parallel_loop3A_466 : f32 to vector<16xf32>
        %parallel_loop3A_468 = arith.subf %parallel_loop3A_467, %parallel_loop3A_465 : vector<16xf32>
        %parallel_loop3A_469 = math.exp %parallel_loop3A_468 : vector<16xf32>
        %parallel_loop3A_470 = arith.constant 1.000000e+00 : f32
        %parallel_loop3A_471 = vector.broadcast %parallel_loop3A_470 : f32 to vector<16xf32>
        %parallel_loop3A_472 = arith.addf %parallel_loop3A_471, %parallel_loop3A_469 : vector<16xf32>
        %parallel_loop3A_473 = arith.index_cast %parallel_loop3A_402 : i32 to index
        %parallel_loop3A_474 = arith.constant 80 : index
        %parallel_loop3A_475 = tpu.vector_load %arg10[%parallel_loop3A_473, %parallel_loop3A_474] {strides = array<i32>} : memref<128x128xf32, #tpu.memory_space<vmem>>, vector<16xf32>,
        %parallel_loop3A_476 = arith.index_cast %parallel_loop3A_402 : i32 to index
        %parallel_loop3A_477 = arith.constant 80 : index
        %parallel_loop3A_478 = tpu.vector_load %arg13[%parallel_loop3A_476, %parallel_loop3A_477] {strides = array<i32>} : memref<128x128xf32, #tpu.memory_space<vmem>>, vector<16xf32>,
        %parallel_loop3A_479 = arith.addf %parallel_loop3A_475, %parallel_loop3A_478 : vector<16xf32>
        %parallel_loop3A_480 = arith.constant 0.000000e+00 : f32
        %parallel_loop3A_481 = vector.broadcast %parallel_loop3A_480 : f32 to vector<16xf32>
        %parallel_loop3A_482 = arith.subf %parallel_loop3A_481, %parallel_loop3A_479 : vector<16xf32>
        %parallel_loop3A_483 = math.exp %parallel_loop3A_482 : vector<16xf32>
        %parallel_loop3A_484 = arith.constant 1.000000e+00 : f32
        %parallel_loop3A_485 = vector.broadcast %parallel_loop3A_484 : f32 to vector<16xf32>
        %parallel_loop3A_486 = arith.addf %parallel_loop3A_485, %parallel_loop3A_483 : vector<16xf32>
        %parallel_loop3A_487 = arith.index_cast %parallel_loop3A_402 : i32 to index
        %parallel_loop3A_488 = arith.constant 96 : index
        %parallel_loop3A_489 = tpu.vector_load %arg10[%parallel_loop3A_487, %parallel_loop3A_488] {strides = array<i32>} : memref<128x128xf32, #tpu.memory_space<vmem>>, vector<16xf32>,
        %parallel_loop3A_490 = arith.index_cast %parallel_loop3A_402 : i32 to index
        %parallel_loop3A_491 = arith.constant 96 : index
        %parallel_loop3A_492 = tpu.vector_load %arg13[%parallel_loop3A_490, %parallel_loop3A_491] {strides = array<i32>} : memref<128x128xf32, #tpu.memory_space<vmem>>, vector<16xf32>,
        %parallel_loop3A_493 = arith.addf %parallel_loop3A_489, %parallel_loop3A_492 : vector<16xf32>
        %parallel_loop3A_494 = arith.constant 0.000000e+00 : f32
        %parallel_loop3A_495 = vector.broadcast %parallel_loop3A_494 : f32 to vector<16xf32>
        %parallel_loop3A_496 = arith.subf %parallel_loop3A_495, %parallel_loop3A_493 : vector<16xf32>
        %parallel_loop3A_497 = math.exp %parallel_loop3A_496 : vector<16xf32>
        %parallel_loop3A_498 = arith.constant 1.000000e+00 : f32
        %parallel_loop3A_499 = vector.broadcast %parallel_loop3A_498 : f32 to vector<16xf32>
        %parallel_loop3A_500 = arith.addf %parallel_loop3A_499, %parallel_loop3A_497 : vector<16xf32>
        %parallel_loop3A_501 = arith.index_cast %parallel_loop3A_402 : i32 to index
        %parallel_loop3A_502 = arith.constant 112 : index
        %parallel_loop3A_503 = tpu.vector_load %arg10[%parallel_loop3A_501, %parallel_loop3A_502] {strides = array<i32>} : memref<128x128xf32, #tpu.memory_space<vmem>>, vector<16xf32>,
        %parallel_loop3A_504 = arith.index_cast %parallel_loop3A_402 : i32 to index
        %parallel_loop3A_505 = arith.constant 112 : index
        %parallel_loop3A_506 = tpu.vector_load %arg13[%parallel_loop3A_504, %parallel_loop3A_505] {strides = array<i32>} : memref<128x128xf32, #tpu.memory_space<vmem>>, vector<16xf32>,
        %parallel_loop3A_507 = arith.addf %parallel_loop3A_503, %parallel_loop3A_506 : vector<16xf32>
        %parallel_loop3A_508 = arith.constant 0.000000e+00 : f32
        %parallel_loop3A_509 = vector.broadcast %parallel_loop3A_508 : f32 to vector<16xf32>
        %parallel_loop3A_510 = arith.subf %parallel_loop3A_509, %parallel_loop3A_507 : vector<16xf32>
        %parallel_loop3A_511 = math.exp %parallel_loop3A_510 : vector<16xf32>
        %parallel_loop3A_512 = arith.constant 1.000000e+00 : f32
        %parallel_loop3A_513 = vector.broadcast %parallel_loop3A_512 : f32 to vector<16xf32>
        %parallel_loop3A_514 = arith.addf %parallel_loop3A_513, %parallel_loop3A_511 : vector<16xf32>
        %parallel_loop3A_515 = arith.mulf %parallel_loop3A_416, %parallel_loop3A_430 : vector<16xf32>
        %parallel_loop3A_516 = arith.mulf %parallel_loop3A_444, %parallel_loop3A_458 : vector<16xf32>
        %parallel_loop3A_517 = arith.mulf %parallel_loop3A_472, %parallel_loop3A_486 : vector<16xf32>
        %parallel_loop3A_518 = arith.mulf %parallel_loop3A_500, %parallel_loop3A_514 : vector<16xf32>
        %parallel_loop3A_519 = arith.mulf %parallel_loop3A_515, %parallel_loop3A_516 : vector<16xf32>
        %parallel_loop3A_520 = arith.mulf %parallel_loop3A_517, %parallel_loop3A_518 : vector<16xf32>
        %parallel_loop3A_521 = arith.mulf %parallel_loop3A_519, %parallel_loop3A_520 : vector<16xf32>
        %parallel_loop3A_522 = arith.constant 17 : i32
        %parallel_loop3A_523 = arith.muli %parallel_loop3A_399, %parallel_loop3A_522 : i32
        %parallel_loop3A_524 = arith.addi %parallel_loop3A_308, %parallel_loop3A_523 : i32
        %parallel_loop3A_525 = arith.constant 0 : i32
        %parallel_loop3A_526 = arith.index_cast %parallel_loop3A_525 : i32 to index
        %parallel_loop3A_527 = arith.index_cast %parallel_loop3A_524 : i32 to index
        %parallel_loop3A_528 = tpu.vector_load %arg16[%parallel_loop3A_526, %parallel_loop3A_527] {strides = array<i32>} : memref<1x2176xf32, #tpu.memory_space<vmem>>, vector<16xf32>,
        tpu.vector_store %arg16[%parallel_loop3A_526, %parallel_loop3A_527], %parallel_loop3A_521 {strides = array<i32>} : memref<1x2176xf32, #tpu.memory_space<vmem>>, vector<16xf32>,
      } {sc.loop_unroll_factor = 4 : i64, sc.parallel_access}
      %parallel_loop3A_312 = vector.broadcast %parallel_loop3A_308 : i32 to vector<16xi32>
      %parallel_loop3A_313 = arith.addi %mul3A_256, %parallel_loop3A_312 : vector<16xi32>
      %parallel_loop3A_314 = tpu.vector_load_idx %arg16[%broadcast_in_dim3A_253, %parallel_loop3A_313] : memref<1x2176xf32, #tpu.memory_space<vmem>>[vector<16xi32>, vector<16xi32>], vector<16xf32>,
      %parallel_loop3A_315 = arith.constant 1 : i32
      %parallel_loop3A_316 = vector.broadcast %parallel_loop3A_315 : i32 to vector<16xi32>
      %parallel_loop3A_317 = arith.addi %parallel_loop3A_313, %parallel_loop3A_316 : vector<16xi32>
      %parallel_loop3A_318 = tpu.vector_load_idx %arg16[%broadcast_in_dim3A_253, %parallel_loop3A_317] : memref<1x2176xf32, #tpu.memory_space<vmem>>[vector<16xi32>, vector<16xi32>], vector<16xf32>,
      %parallel_loop3A_319 = arith.mulf %parallel_loop3A_314, %parallel_loop3A_318 : vector<16xf32>
      %parallel_loop3A_320 = arith.constant 2 : i32
      %parallel_loop3A_321 = vector.broadcast %parallel_loop3A_320 : i32 to vector<16xi32>
      %parallel_loop3A_322 = arith.addi %parallel_loop3A_313, %parallel_loop3A_321 : vector<16xi32>
      %parallel_loop3A_323 = tpu.vector_load_idx %arg16[%broadcast_in_dim3A_253, %parallel_loop3A_322] : memref<1x2176xf32, #tpu.memory_space<vmem>>[vector<16xi32>, vector<16xi32>], vector<16xf32>,
      %parallel_loop3A_324 = arith.mulf %parallel_loop3A_319, %parallel_loop3A_323 : vector<16xf32>
      %parallel_loop3A_325 = arith.constant 3 : i32
      %parallel_loop3A_326 = vector.broadcast %parallel_loop3A_325 : i32 to vector<16xi32>
      %parallel_loop3A_327 = arith.addi %parallel_loop3A_313, %parallel_loop3A_326 : vector<16xi32>
      %parallel_loop3A_328 = tpu.vector_load_idx %arg16[%broadcast_in_dim3A_253, %parallel_loop3A_327] : memref<1x2176xf32, #tpu.memory_space<vmem>>[vector<16xi32>, vector<16xi32>], vector<16xf32>,
      %parallel_loop3A_329 = arith.mulf %parallel_loop3A_324, %parallel_loop3A_328 : vector<16xf32>
      %parallel_loop3A_330 = arith.constant 4 : i32
      %parallel_loop3A_331 = vector.broadcast %parallel_loop3A_330 : i32 to vector<16xi32>
      %parallel_loop3A_332 = arith.addi %parallel_loop3A_313, %parallel_loop3A_331 : vector<16xi32>
      %parallel_loop3A_333 = tpu.vector_load_idx %arg16[%broadcast_in_dim3A_253, %parallel_loop3A_332] : memref<1x2176xf32, #tpu.memory_space<vmem>>[vector<16xi32>, vector<16xi32>], vector<16xf32>,
      %parallel_loop3A_334 = arith.mulf %parallel_loop3A_329, %parallel_loop3A_333 : vector<16xf32>
      %parallel_loop3A_335 = arith.constant 5 : i32
      %parallel_loop3A_336 = vector.broadcast %parallel_loop3A_335 : i32 to vector<16xi32>
      %parallel_loop3A_337 = arith.addi %parallel_loop3A_313, %parallel_loop3A_336 : vector<16xi32>
      %parallel_loop3A_338 = tpu.vector_load_idx %arg16[%broadcast_in_dim3A_253, %parallel_loop3A_337] : memref<1x2176xf32, #tpu.memory_space<vmem>>[vector<16xi32>, vector<16xi32>], vector<16xf32>,
      %parallel_loop3A_339 = arith.mulf %parallel_loop3A_334, %parallel_loop3A_338 : vector<16xf32>
      %parallel_loop3A_340 = arith.constant 6 : i32
      %parallel_loop3A_341 = vector.broadcast %parallel_loop3A_340 : i32 to vector<16xi32>
      %parallel_loop3A_342 = arith.addi %parallel_loop3A_313, %parallel_loop3A_341 : vector<16xi32>
      %parallel_loop3A_343 = tpu.vector_load_idx %arg16[%broadcast_in_dim3A_253, %parallel_loop3A_342] : memref<1x2176xf32, #tpu.memory_space<vmem>>[vector<16xi32>, vector<16xi32>], vector<16xf32>,
      %parallel_loop3A_344 = arith.mulf %parallel_loop3A_339, %parallel_loop3A_343 : vector<16xf32>
      %parallel_loop3A_345 = arith.constant 7 : i32
      %parallel_loop3A_346 = vector.broadcast %parallel_loop3A_345 : i32 to vector<16xi32>
      %parallel_loop3A_347 = arith.addi %parallel_loop3A_313, %parallel_loop3A_346 : vector<16xi32>
      %parallel_loop3A_348 = tpu.vector_load_idx %arg16[%broadcast_in_dim3A_253, %parallel_loop3A_347] : memref<1x2176xf32, #tpu.memory_space<vmem>>[vector<16xi32>, vector<16xi32>], vector<16xf32>,
      %parallel_loop3A_349 = arith.mulf %parallel_loop3A_344, %parallel_loop3A_348 : vector<16xf32>
      %parallel_loop3A_350 = arith.constant 8 : i32
      %parallel_loop3A_351 = vector.broadcast %parallel_loop3A_350 : i32 to vector<16xi32>
      %parallel_loop3A_352 = arith.addi %parallel_loop3A_313, %parallel_loop3A_351 : vector<16xi32>
      %parallel_loop3A_353 = tpu.vector_load_idx %arg16[%broadcast_in_dim3A_253, %parallel_loop3A_352] : memref<1x2176xf32, #tpu.memory_space<vmem>>[vector<16xi32>, vector<16xi32>], vector<16xf32>,
      %parallel_loop3A_354 = arith.mulf %parallel_loop3A_349, %parallel_loop3A_353 : vector<16xf32>
      %parallel_loop3A_355 = arith.constant 9 : i32
      %parallel_loop3A_356 = vector.broadcast %parallel_loop3A_355 : i32 to vector<16xi32>
      %parallel_loop3A_357 = arith.addi %parallel_loop3A_313, %parallel_loop3A_356 : vector<16xi32>
      %parallel_loop3A_358 = tpu.vector_load_idx %arg16[%broadcast_in_dim3A_253, %parallel_loop3A_357] : memref<1x2176xf32, #tpu.memory_space<vmem>>[vector<16xi32>, vector<16xi32>], vector<16xf32>,
      %parallel_loop3A_359 = arith.mulf %parallel_loop3A_354, %parallel_loop3A_358 : vector<16xf32>
      %parallel_loop3A_360 = arith.constant 10 : i32
      %parallel_loop3A_361 = vector.broadcast %parallel_loop3A_360 : i32 to vector<16xi32>
      %parallel_loop3A_362 = arith.addi %parallel_loop3A_313, %parallel_loop3A_361 : vector<16xi32>
      %parallel_loop3A_363 = tpu.vector_load_idx %arg16[%broadcast_in_dim3A_253, %parallel_loop3A_362] : memref<1x2176xf32, #tpu.memory_space<vmem>>[vector<16xi32>, vector<16xi32>], vector<16xf32>,
      %parallel_loop3A_364 = arith.mulf %parallel_loop3A_359, %parallel_loop3A_363 : vector<16xf32>
      %parallel_loop3A_365 = arith.constant 11 : i32
      %parallel_loop3A_366 = vector.broadcast %parallel_loop3A_365 : i32 to vector<16xi32>
      %parallel_loop3A_367 = arith.addi %parallel_loop3A_313, %parallel_loop3A_366 : vector<16xi32>
      %parallel_loop3A_368 = tpu.vector_load_idx %arg16[%broadcast_in_dim3A_253, %parallel_loop3A_367] : memref<1x2176xf32, #tpu.memory_space<vmem>>[vector<16xi32>, vector<16xi32>], vector<16xf32>,
      %parallel_loop3A_369 = arith.mulf %parallel_loop3A_364, %parallel_loop3A_368 : vector<16xf32>
      %parallel_loop3A_370 = arith.constant 12 : i32
      %parallel_loop3A_371 = vector.broadcast %parallel_loop3A_370 : i32 to vector<16xi32>
      %parallel_loop3A_372 = arith.addi %parallel_loop3A_313, %parallel_loop3A_371 : vector<16xi32>
      %parallel_loop3A_373 = tpu.vector_load_idx %arg16[%broadcast_in_dim3A_253, %parallel_loop3A_372] : memref<1x2176xf32, #tpu.memory_space<vmem>>[vector<16xi32>, vector<16xi32>], vector<16xf32>,
      %parallel_loop3A_374 = arith.mulf %parallel_loop3A_369, %parallel_loop3A_373 : vector<16xf32>
      %parallel_loop3A_375 = arith.constant 13 : i32
      %parallel_loop3A_376 = vector.broadcast %parallel_loop3A_375 : i32 to vector<16xi32>
      %parallel_loop3A_377 = arith.addi %parallel_loop3A_313, %parallel_loop3A_376 : vector<16xi32>
      %parallel_loop3A_378 = tpu.vector_load_idx %arg16[%broadcast_in_dim3A_253, %parallel_loop3A_377] : memref<1x2176xf32, #tpu.memory_space<vmem>>[vector<16xi32>, vector<16xi32>], vector<16xf32>,
      %parallel_loop3A_379 = arith.mulf %parallel_loop3A_374, %parallel_loop3A_378 : vector<16xf32>
      %parallel_loop3A_380 = arith.constant 14 : i32
      %parallel_loop3A_381 = vector.broadcast %parallel_loop3A_380 : i32 to vector<16xi32>
      %parallel_loop3A_382 = arith.addi %parallel_loop3A_313, %parallel_loop3A_381 : vector<16xi32>
      %parallel_loop3A_383 = tpu.vector_load_idx %arg16[%broadcast_in_dim3A_253, %parallel_loop3A_382] : memref<1x2176xf32, #tpu.memory_space<vmem>>[vector<16xi32>, vector<16xi32>], vector<16xf32>,
      %parallel_loop3A_384 = arith.mulf %parallel_loop3A_379, %parallel_loop3A_383 : vector<16xf32>
      %parallel_loop3A_385 = arith.constant 15 : i32
      %parallel_loop3A_386 = vector.broadcast %parallel_loop3A_385 : i32 to vector<16xi32>
      %parallel_loop3A_387 = arith.addi %parallel_loop3A_313, %parallel_loop3A_386 : vector<16xi32>
      %parallel_loop3A_388 = tpu.vector_load_idx %arg16[%broadcast_in_dim3A_253, %parallel_loop3A_387] : memref<1x2176xf32, #tpu.memory_space<vmem>>[vector<16xi32>, vector<16xi32>], vector<16xf32>,
      %parallel_loop3A_389 = arith.mulf %parallel_loop3A_384, %parallel_loop3A_388 : vector<16xf32>
      %parallel_loop3A_390 = arith.constant 1.000000e+00 : f32
      %parallel_loop3A_391 = vector.broadcast %parallel_loop3A_390 : f32 to vector<16xf32>
      %parallel_loop3A_392 = arith.divf %parallel_loop3A_391, %parallel_loop3A_389 : vector<16xf32>
      %parallel_loop3A_393 = arith.constant 16 : i32
      %parallel_loop3A_394 = arith.muli %parallel_loop3A_306, %parallel_loop3A_393 : i32
      %parallel_loop3A_395 = arith.constant 128 : i32
      %parallel_loop3A_396 = arith.addi %parallel_loop3A_395, %parallel_loop3A_394 : i32
      %parallel_loop3A_397 = arith.index_cast %parallel_loop3A_396 : i32 to index
      %parallel_loop3A_398 = tpu.vector_load %arg15[%parallel_loop3A_397] {strides = array<i32>} : memref<512xf32, #tpu.memory_space<vmem>>, vector<16xf32>,
      tpu.vector_store %arg15[%parallel_loop3A_397], %parallel_loop3A_392 {strides = array<i32>} : memref<512xf32, #tpu.memory_space<vmem>>, vector<16xf32>,
    } {sc.loop_unroll_factor = 1 : i64, sc.parallel_access}
    %dma_wait3A_260 = arith.constant 2 : i32
    %dma_wait3A_261 = arith.constant 0 : i32
    %dma_wait3A_262 = tpu.memref_slice %arg7[%dma_wait3A_260, %dma_wait3A_261] : memref<4x128xi32, #tpu.memory_space<vmem>> -> memref<1x128xi32, #tpu.memory_space<vmem>>
    %dma_wait3A_263 = tpu.memref_squeeze %dma_wait3A_262 : memref<1x128xi32, #tpu.memory_space<vmem>> -> memref<128xi32, #tpu.memory_space<vmem>>
    %dma_wait3A_264 = arith.constant 0 : i32
    %dma_wait3A_265 = arith.constant 0 : i32
    %dma_wait3A_266 = tpu.memref_slice %arg4[%dma_wait3A_264, %dma_wait3A_265] : memref<1000000x128xf32, #tpu.memory_space<hbm>> -> memref<1000000x128xf32, #tpu.memory_space<hbm>>
    tpu.wait_indirect_dma semaphore(%arg20 : memref<!tpu.dma_semaphore, #tpu.memory_space<semaphore_mem>>) src(%dma_wait3A_266 : memref<1000000x128xf32, #tpu.memory_space<hbm>>) dst(%arg11 : memref<128x128xf32, #tpu.memory_space<vmem>>)
    %dma_wait3A_267 = arith.constant 2 : i32
    %dma_wait3A_268 = arith.constant 0 : i32
    %dma_wait3A_269 = tpu.memref_slice %arg8[%dma_wait3A_267, %dma_wait3A_268] : memref<4x128xi32, #tpu.memory_space<vmem>> -> memref<1x128xi32, #tpu.memory_space<vmem>>
    %dma_wait3A_270 = tpu.memref_squeeze %dma_wait3A_269 : memref<1x128xi32, #tpu.memory_space<vmem>> -> memref<128xi32, #tpu.memory_space<vmem>>
    %dma_wait3A_271 = arith.constant 0 : i32
    %dma_wait3A_272 = arith.constant 0 : i32
    %dma_wait3A_273 = tpu.memref_slice %arg5[%dma_wait3A_271, %dma_wait3A_272] : memref<100000x128xf32, #tpu.memory_space<hbm>> -> memref<100000x128xf32, #tpu.memory_space<hbm>>
    tpu.wait_indirect_dma semaphore(%arg20 : memref<!tpu.dma_semaphore, #tpu.memory_space<semaphore_mem>>) src(%dma_wait3A_273 : memref<100000x128xf32, #tpu.memory_space<hbm>>) dst(%arg14 : memref<128x128xf32, #tpu.memory_space<vmem>>)
    %iota3A_274 = tpu.iota {dimensions = array<i32: 0>} : vector<16xi32>
    %broadcast_in_dim3A_275 = arith.constant 0 : i32
    %broadcast_in_dim3A_276 = vector.broadcast %broadcast_in_dim3A_275 : i32 to vector<16xi32>
    %mul3A_277 = arith.constant 17 : i32
    %mul3A_278 = vector.broadcast %mul3A_277 : i32 to vector<16xi32>
    %mul3A_279 = arith.muli %iota3A_274, %mul3A_278 : vector<16xi32>
    %parallel_loop3A_280 = arith.constant 0 : i32
    %parallel_loop3A_281 = arith.constant 8 : i32
    %parallel_loop3A_282 = arith.constant 1 : i32
    scf.for %parallel_loop3A_306 = %parallel_loop3A_280 to %parallel_loop3A_281 step %parallel_loop3A_282  : i32 {
      %parallel_loop3A_307 = arith.constant 272 : i32
      %parallel_loop3A_308 = arith.muli %parallel_loop3A_306, %parallel_loop3A_307 : i32
      %parallel_loop3A_309 = arith.constant 0 : i32
      %parallel_loop3A_310 = arith.constant 16 : i32
      %parallel_loop3A_311 = arith.constant 1 : i32
      scf.for %parallel_loop3A_399 = %parallel_loop3A_309 to %parallel_loop3A_310 step %parallel_loop3A_311  : i32 {
        %parallel_loop3A_400 = arith.constant 16 : i32
        %parallel_loop3A_401 = arith.muli %parallel_loop3A_306, %parallel_loop3A_400 : i32
        %parallel_loop3A_402 = arith.addi %parallel_loop3A_401, %parallel_loop3A_399 : i32
        %parallel_loop3A_403 = arith.index_cast %parallel_loop3A_402 : i32 to index
        %parallel_loop3A_404 = arith.constant 0 : index
        %parallel_loop3A_405 = tpu.vector_load %arg11[%parallel_loop3A_403, %parallel_loop3A_404] {strides = array<i32>} : memref<128x128xf32, #tpu.memory_space<vmem>>, vector<16xf32>,
        %parallel_loop3A_406 = arith.index_cast %parallel_loop3A_402 : i32 to index
        %parallel_loop3A_407 = arith.constant 0 : index
        %parallel_loop3A_408 = tpu.vector_load %arg14[%parallel_loop3A_406, %parallel_loop3A_407] {strides = array<i32>} : memref<128x128xf32, #tpu.memory_space<vmem>>, vector<16xf32>,
        %parallel_loop3A_409 = arith.addf %parallel_loop3A_405, %parallel_loop3A_408 : vector<16xf32>
        %parallel_loop3A_410 = arith.constant 0.000000e+00 : f32
        %parallel_loop3A_411 = vector.broadcast %parallel_loop3A_410 : f32 to vector<16xf32>
        %parallel_loop3A_412 = arith.subf %parallel_loop3A_411, %parallel_loop3A_409 : vector<16xf32>
        %parallel_loop3A_413 = math.exp %parallel_loop3A_412 : vector<16xf32>
        %parallel_loop3A_414 = arith.constant 1.000000e+00 : f32
        %parallel_loop3A_415 = vector.broadcast %parallel_loop3A_414 : f32 to vector<16xf32>
        %parallel_loop3A_416 = arith.addf %parallel_loop3A_415, %parallel_loop3A_413 : vector<16xf32>
        %parallel_loop3A_417 = arith.index_cast %parallel_loop3A_402 : i32 to index
        %parallel_loop3A_418 = arith.constant 16 : index
        %parallel_loop3A_419 = tpu.vector_load %arg11[%parallel_loop3A_417, %parallel_loop3A_418] {strides = array<i32>} : memref<128x128xf32, #tpu.memory_space<vmem>>, vector<16xf32>,
        %parallel_loop3A_420 = arith.index_cast %parallel_loop3A_402 : i32 to index
        %parallel_loop3A_421 = arith.constant 16 : index
        %parallel_loop3A_422 = tpu.vector_load %arg14[%parallel_loop3A_420, %parallel_loop3A_421] {strides = array<i32>} : memref<128x128xf32, #tpu.memory_space<vmem>>, vector<16xf32>,
        %parallel_loop3A_423 = arith.addf %parallel_loop3A_419, %parallel_loop3A_422 : vector<16xf32>
        %parallel_loop3A_424 = arith.constant 0.000000e+00 : f32
        %parallel_loop3A_425 = vector.broadcast %parallel_loop3A_424 : f32 to vector<16xf32>
        %parallel_loop3A_426 = arith.subf %parallel_loop3A_425, %parallel_loop3A_423 : vector<16xf32>
        %parallel_loop3A_427 = math.exp %parallel_loop3A_426 : vector<16xf32>
        %parallel_loop3A_428 = arith.constant 1.000000e+00 : f32
        %parallel_loop3A_429 = vector.broadcast %parallel_loop3A_428 : f32 to vector<16xf32>
        %parallel_loop3A_430 = arith.addf %parallel_loop3A_429, %parallel_loop3A_427 : vector<16xf32>
        %parallel_loop3A_431 = arith.index_cast %parallel_loop3A_402 : i32 to index
        %parallel_loop3A_432 = arith.constant 32 : index
        %parallel_loop3A_433 = tpu.vector_load %arg11[%parallel_loop3A_431, %parallel_loop3A_432] {strides = array<i32>} : memref<128x128xf32, #tpu.memory_space<vmem>>, vector<16xf32>,
        %parallel_loop3A_434 = arith.index_cast %parallel_loop3A_402 : i32 to index
        %parallel_loop3A_435 = arith.constant 32 : index
        %parallel_loop3A_436 = tpu.vector_load %arg14[%parallel_loop3A_434, %parallel_loop3A_435] {strides = array<i32>} : memref<128x128xf32, #tpu.memory_space<vmem>>, vector<16xf32>,
        %parallel_loop3A_437 = arith.addf %parallel_loop3A_433, %parallel_loop3A_436 : vector<16xf32>
        %parallel_loop3A_438 = arith.constant 0.000000e+00 : f32
        %parallel_loop3A_439 = vector.broadcast %parallel_loop3A_438 : f32 to vector<16xf32>
        %parallel_loop3A_440 = arith.subf %parallel_loop3A_439, %parallel_loop3A_437 : vector<16xf32>
        %parallel_loop3A_441 = math.exp %parallel_loop3A_440 : vector<16xf32>
        %parallel_loop3A_442 = arith.constant 1.000000e+00 : f32
        %parallel_loop3A_443 = vector.broadcast %parallel_loop3A_442 : f32 to vector<16xf32>
        %parallel_loop3A_444 = arith.addf %parallel_loop3A_443, %parallel_loop3A_441 : vector<16xf32>
        %parallel_loop3A_445 = arith.index_cast %parallel_loop3A_402 : i32 to index
        %parallel_loop3A_446 = arith.constant 48 : index
        %parallel_loop3A_447 = tpu.vector_load %arg11[%parallel_loop3A_445, %parallel_loop3A_446] {strides = array<i32>} : memref<128x128xf32, #tpu.memory_space<vmem>>, vector<16xf32>,
        %parallel_loop3A_448 = arith.index_cast %parallel_loop3A_402 : i32 to index
        %parallel_loop3A_449 = arith.constant 48 : index
        %parallel_loop3A_450 = tpu.vector_load %arg14[%parallel_loop3A_448, %parallel_loop3A_449] {strides = array<i32>} : memref<128x128xf32, #tpu.memory_space<vmem>>, vector<16xf32>,
        %parallel_loop3A_451 = arith.addf %parallel_loop3A_447, %parallel_loop3A_450 : vector<16xf32>
        %parallel_loop3A_452 = arith.constant 0.000000e+00 : f32
        %parallel_loop3A_453 = vector.broadcast %parallel_loop3A_452 : f32 to vector<16xf32>
        %parallel_loop3A_454 = arith.subf %parallel_loop3A_453, %parallel_loop3A_451 : vector<16xf32>
        %parallel_loop3A_455 = math.exp %parallel_loop3A_454 : vector<16xf32>
        %parallel_loop3A_456 = arith.constant 1.000000e+00 : f32
        %parallel_loop3A_457 = vector.broadcast %parallel_loop3A_456 : f32 to vector<16xf32>
        %parallel_loop3A_458 = arith.addf %parallel_loop3A_457, %parallel_loop3A_455 : vector<16xf32>
        %parallel_loop3A_459 = arith.index_cast %parallel_loop3A_402 : i32 to index
        %parallel_loop3A_460 = arith.constant 64 : index
        %parallel_loop3A_461 = tpu.vector_load %arg11[%parallel_loop3A_459, %parallel_loop3A_460] {strides = array<i32>} : memref<128x128xf32, #tpu.memory_space<vmem>>, vector<16xf32>,
        %parallel_loop3A_462 = arith.index_cast %parallel_loop3A_402 : i32 to index
        %parallel_loop3A_463 = arith.constant 64 : index
        %parallel_loop3A_464 = tpu.vector_load %arg14[%parallel_loop3A_462, %parallel_loop3A_463] {strides = array<i32>} : memref<128x128xf32, #tpu.memory_space<vmem>>, vector<16xf32>,
        %parallel_loop3A_465 = arith.addf %parallel_loop3A_461, %parallel_loop3A_464 : vector<16xf32>
        %parallel_loop3A_466 = arith.constant 0.000000e+00 : f32
        %parallel_loop3A_467 = vector.broadcast %parallel_loop3A_466 : f32 to vector<16xf32>
        %parallel_loop3A_468 = arith.subf %parallel_loop3A_467, %parallel_loop3A_465 : vector<16xf32>
        %parallel_loop3A_469 = math.exp %parallel_loop3A_468 : vector<16xf32>
        %parallel_loop3A_470 = arith.constant 1.000000e+00 : f32
        %parallel_loop3A_471 = vector.broadcast %parallel_loop3A_470 : f32 to vector<16xf32>
        %parallel_loop3A_472 = arith.addf %parallel_loop3A_471, %parallel_loop3A_469 : vector<16xf32>
        %parallel_loop3A_473 = arith.index_cast %parallel_loop3A_402 : i32 to index
        %parallel_loop3A_474 = arith.constant 80 : index
        %parallel_loop3A_475 = tpu.vector_load %arg11[%parallel_loop3A_473, %parallel_loop3A_474] {strides = array<i32>} : memref<128x128xf32, #tpu.memory_space<vmem>>, vector<16xf32>,
        %parallel_loop3A_476 = arith.index_cast %parallel_loop3A_402 : i32 to index
        %parallel_loop3A_477 = arith.constant 80 : index
        %parallel_loop3A_478 = tpu.vector_load %arg14[%parallel_loop3A_476, %parallel_loop3A_477] {strides = array<i32>} : memref<128x128xf32, #tpu.memory_space<vmem>>, vector<16xf32>,
        %parallel_loop3A_479 = arith.addf %parallel_loop3A_475, %parallel_loop3A_478 : vector<16xf32>
        %parallel_loop3A_480 = arith.constant 0.000000e+00 : f32
        %parallel_loop3A_481 = vector.broadcast %parallel_loop3A_480 : f32 to vector<16xf32>
        %parallel_loop3A_482 = arith.subf %parallel_loop3A_481, %parallel_loop3A_479 : vector<16xf32>
        %parallel_loop3A_483 = math.exp %parallel_loop3A_482 : vector<16xf32>
        %parallel_loop3A_484 = arith.constant 1.000000e+00 : f32
        %parallel_loop3A_485 = vector.broadcast %parallel_loop3A_484 : f32 to vector<16xf32>
        %parallel_loop3A_486 = arith.addf %parallel_loop3A_485, %parallel_loop3A_483 : vector<16xf32>
        %parallel_loop3A_487 = arith.index_cast %parallel_loop3A_402 : i32 to index
        %parallel_loop3A_488 = arith.constant 96 : index
        %parallel_loop3A_489 = tpu.vector_load %arg11[%parallel_loop3A_487, %parallel_loop3A_488] {strides = array<i32>} : memref<128x128xf32, #tpu.memory_space<vmem>>, vector<16xf32>,
        %parallel_loop3A_490 = arith.index_cast %parallel_loop3A_402 : i32 to index
        %parallel_loop3A_491 = arith.constant 96 : index
        %parallel_loop3A_492 = tpu.vector_load %arg14[%parallel_loop3A_490, %parallel_loop3A_491] {strides = array<i32>} : memref<128x128xf32, #tpu.memory_space<vmem>>, vector<16xf32>,
        %parallel_loop3A_493 = arith.addf %parallel_loop3A_489, %parallel_loop3A_492 : vector<16xf32>
        %parallel_loop3A_494 = arith.constant 0.000000e+00 : f32
        %parallel_loop3A_495 = vector.broadcast %parallel_loop3A_494 : f32 to vector<16xf32>
        %parallel_loop3A_496 = arith.subf %parallel_loop3A_495, %parallel_loop3A_493 : vector<16xf32>
        %parallel_loop3A_497 = math.exp %parallel_loop3A_496 : vector<16xf32>
        %parallel_loop3A_498 = arith.constant 1.000000e+00 : f32
        %parallel_loop3A_499 = vector.broadcast %parallel_loop3A_498 : f32 to vector<16xf32>
        %parallel_loop3A_500 = arith.addf %parallel_loop3A_499, %parallel_loop3A_497 : vector<16xf32>
        %parallel_loop3A_501 = arith.index_cast %parallel_loop3A_402 : i32 to index
        %parallel_loop3A_502 = arith.constant 112 : index
        %parallel_loop3A_503 = tpu.vector_load %arg11[%parallel_loop3A_501, %parallel_loop3A_502] {strides = array<i32>} : memref<128x128xf32, #tpu.memory_space<vmem>>, vector<16xf32>,
        %parallel_loop3A_504 = arith.index_cast %parallel_loop3A_402 : i32 to index
        %parallel_loop3A_505 = arith.constant 112 : index
        %parallel_loop3A_506 = tpu.vector_load %arg14[%parallel_loop3A_504, %parallel_loop3A_505] {strides = array<i32>} : memref<128x128xf32, #tpu.memory_space<vmem>>, vector<16xf32>,
        %parallel_loop3A_507 = arith.addf %parallel_loop3A_503, %parallel_loop3A_506 : vector<16xf32>
        %parallel_loop3A_508 = arith.constant 0.000000e+00 : f32
        %parallel_loop3A_509 = vector.broadcast %parallel_loop3A_508 : f32 to vector<16xf32>
        %parallel_loop3A_510 = arith.subf %parallel_loop3A_509, %parallel_loop3A_507 : vector<16xf32>
        %parallel_loop3A_511 = math.exp %parallel_loop3A_510 : vector<16xf32>
        %parallel_loop3A_512 = arith.constant 1.000000e+00 : f32
        %parallel_loop3A_513 = vector.broadcast %parallel_loop3A_512 : f32 to vector<16xf32>
        %parallel_loop3A_514 = arith.addf %parallel_loop3A_513, %parallel_loop3A_511 : vector<16xf32>
        %parallel_loop3A_515 = arith.mulf %parallel_loop3A_416, %parallel_loop3A_430 : vector<16xf32>
        %parallel_loop3A_516 = arith.mulf %parallel_loop3A_444, %parallel_loop3A_458 : vector<16xf32>
        %parallel_loop3A_517 = arith.mulf %parallel_loop3A_472, %parallel_loop3A_486 : vector<16xf32>
        %parallel_loop3A_518 = arith.mulf %parallel_loop3A_500, %parallel_loop3A_514 : vector<16xf32>
        %parallel_loop3A_519 = arith.mulf %parallel_loop3A_515, %parallel_loop3A_516 : vector<16xf32>
        %parallel_loop3A_520 = arith.mulf %parallel_loop3A_517, %parallel_loop3A_518 : vector<16xf32>
        %parallel_loop3A_521 = arith.mulf %parallel_loop3A_519, %parallel_loop3A_520 : vector<16xf32>
        %parallel_loop3A_522 = arith.constant 17 : i32
        %parallel_loop3A_523 = arith.muli %parallel_loop3A_399, %parallel_loop3A_522 : i32
        %parallel_loop3A_524 = arith.addi %parallel_loop3A_308, %parallel_loop3A_523 : i32
        %parallel_loop3A_525 = arith.constant 0 : i32
        %parallel_loop3A_526 = arith.index_cast %parallel_loop3A_525 : i32 to index
        %parallel_loop3A_527 = arith.index_cast %parallel_loop3A_524 : i32 to index
        %parallel_loop3A_528 = tpu.vector_load %arg16[%parallel_loop3A_526, %parallel_loop3A_527] {strides = array<i32>} : memref<1x2176xf32, #tpu.memory_space<vmem>>, vector<16xf32>,
        tpu.vector_store %arg16[%parallel_loop3A_526, %parallel_loop3A_527], %parallel_loop3A_521 {strides = array<i32>} : memref<1x2176xf32, #tpu.memory_space<vmem>>, vector<16xf32>,
      } {sc.loop_unroll_factor = 4 : i64, sc.parallel_access}
      %parallel_loop3A_312 = vector.broadcast %parallel_loop3A_308 : i32 to vector<16xi32>
      %parallel_loop3A_313 = arith.addi %mul3A_279, %parallel_loop3A_312 : vector<16xi32>
      %parallel_loop3A_314 = tpu.vector_load_idx %arg16[%broadcast_in_dim3A_276, %parallel_loop3A_313] : memref<1x2176xf32, #tpu.memory_space<vmem>>[vector<16xi32>, vector<16xi32>], vector<16xf32>,
      %parallel_loop3A_315 = arith.constant 1 : i32
      %parallel_loop3A_316 = vector.broadcast %parallel_loop3A_315 : i32 to vector<16xi32>
      %parallel_loop3A_317 = arith.addi %parallel_loop3A_313, %parallel_loop3A_316 : vector<16xi32>
      %parallel_loop3A_318 = tpu.vector_load_idx %arg16[%broadcast_in_dim3A_276, %parallel_loop3A_317] : memref<1x2176xf32, #tpu.memory_space<vmem>>[vector<16xi32>, vector<16xi32>], vector<16xf32>,
      %parallel_loop3A_319 = arith.mulf %parallel_loop3A_314, %parallel_loop3A_318 : vector<16xf32>
      %parallel_loop3A_320 = arith.constant 2 : i32
      %parallel_loop3A_321 = vector.broadcast %parallel_loop3A_320 : i32 to vector<16xi32>
      %parallel_loop3A_322 = arith.addi %parallel_loop3A_313, %parallel_loop3A_321 : vector<16xi32>
      %parallel_loop3A_323 = tpu.vector_load_idx %arg16[%broadcast_in_dim3A_276, %parallel_loop3A_322] : memref<1x2176xf32, #tpu.memory_space<vmem>>[vector<16xi32>, vector<16xi32>], vector<16xf32>,
      %parallel_loop3A_324 = arith.mulf %parallel_loop3A_319, %parallel_loop3A_323 : vector<16xf32>
      %parallel_loop3A_325 = arith.constant 3 : i32
      %parallel_loop3A_326 = vector.broadcast %parallel_loop3A_325 : i32 to vector<16xi32>
      %parallel_loop3A_327 = arith.addi %parallel_loop3A_313, %parallel_loop3A_326 : vector<16xi32>
      %parallel_loop3A_328 = tpu.vector_load_idx %arg16[%broadcast_in_dim3A_276, %parallel_loop3A_327] : memref<1x2176xf32, #tpu.memory_space<vmem>>[vector<16xi32>, vector<16xi32>], vector<16xf32>,
      %parallel_loop3A_329 = arith.mulf %parallel_loop3A_324, %parallel_loop3A_328 : vector<16xf32>
      %parallel_loop3A_330 = arith.constant 4 : i32
      %parallel_loop3A_331 = vector.broadcast %parallel_loop3A_330 : i32 to vector<16xi32>
      %parallel_loop3A_332 = arith.addi %parallel_loop3A_313, %parallel_loop3A_331 : vector<16xi32>
      %parallel_loop3A_333 = tpu.vector_load_idx %arg16[%broadcast_in_dim3A_276, %parallel_loop3A_332] : memref<1x2176xf32, #tpu.memory_space<vmem>>[vector<16xi32>, vector<16xi32>], vector<16xf32>,
      %parallel_loop3A_334 = arith.mulf %parallel_loop3A_329, %parallel_loop3A_333 : vector<16xf32>
      %parallel_loop3A_335 = arith.constant 5 : i32
      %parallel_loop3A_336 = vector.broadcast %parallel_loop3A_335 : i32 to vector<16xi32>
      %parallel_loop3A_337 = arith.addi %parallel_loop3A_313, %parallel_loop3A_336 : vector<16xi32>
      %parallel_loop3A_338 = tpu.vector_load_idx %arg16[%broadcast_in_dim3A_276, %parallel_loop3A_337] : memref<1x2176xf32, #tpu.memory_space<vmem>>[vector<16xi32>, vector<16xi32>], vector<16xf32>,
      %parallel_loop3A_339 = arith.mulf %parallel_loop3A_334, %parallel_loop3A_338 : vector<16xf32>
      %parallel_loop3A_340 = arith.constant 6 : i32
      %parallel_loop3A_341 = vector.broadcast %parallel_loop3A_340 : i32 to vector<16xi32>
      %parallel_loop3A_342 = arith.addi %parallel_loop3A_313, %parallel_loop3A_341 : vector<16xi32>
      %parallel_loop3A_343 = tpu.vector_load_idx %arg16[%broadcast_in_dim3A_276, %parallel_loop3A_342] : memref<1x2176xf32, #tpu.memory_space<vmem>>[vector<16xi32>, vector<16xi32>], vector<16xf32>,
      %parallel_loop3A_344 = arith.mulf %parallel_loop3A_339, %parallel_loop3A_343 : vector<16xf32>
      %parallel_loop3A_345 = arith.constant 7 : i32
      %parallel_loop3A_346 = vector.broadcast %parallel_loop3A_345 : i32 to vector<16xi32>
      %parallel_loop3A_347 = arith.addi %parallel_loop3A_313, %parallel_loop3A_346 : vector<16xi32>
      %parallel_loop3A_348 = tpu.vector_load_idx %arg16[%broadcast_in_dim3A_276, %parallel_loop3A_347] : memref<1x2176xf32, #tpu.memory_space<vmem>>[vector<16xi32>, vector<16xi32>], vector<16xf32>,
      %parallel_loop3A_349 = arith.mulf %parallel_loop3A_344, %parallel_loop3A_348 : vector<16xf32>
      %parallel_loop3A_350 = arith.constant 8 : i32
      %parallel_loop3A_351 = vector.broadcast %parallel_loop3A_350 : i32 to vector<16xi32>
      %parallel_loop3A_352 = arith.addi %parallel_loop3A_313, %parallel_loop3A_351 : vector<16xi32>
      %parallel_loop3A_353 = tpu.vector_load_idx %arg16[%broadcast_in_dim3A_276, %parallel_loop3A_352] : memref<1x2176xf32, #tpu.memory_space<vmem>>[vector<16xi32>, vector<16xi32>], vector<16xf32>,
      %parallel_loop3A_354 = arith.mulf %parallel_loop3A_349, %parallel_loop3A_353 : vector<16xf32>
      %parallel_loop3A_355 = arith.constant 9 : i32
      %parallel_loop3A_356 = vector.broadcast %parallel_loop3A_355 : i32 to vector<16xi32>
      %parallel_loop3A_357 = arith.addi %parallel_loop3A_313, %parallel_loop3A_356 : vector<16xi32>
      %parallel_loop3A_358 = tpu.vector_load_idx %arg16[%broadcast_in_dim3A_276, %parallel_loop3A_357] : memref<1x2176xf32, #tpu.memory_space<vmem>>[vector<16xi32>, vector<16xi32>], vector<16xf32>,
      %parallel_loop3A_359 = arith.mulf %parallel_loop3A_354, %parallel_loop3A_358 : vector<16xf32>
      %parallel_loop3A_360 = arith.constant 10 : i32
      %parallel_loop3A_361 = vector.broadcast %parallel_loop3A_360 : i32 to vector<16xi32>
      %parallel_loop3A_362 = arith.addi %parallel_loop3A_313, %parallel_loop3A_361 : vector<16xi32>
      %parallel_loop3A_363 = tpu.vector_load_idx %arg16[%broadcast_in_dim3A_276, %parallel_loop3A_362] : memref<1x2176xf32, #tpu.memory_space<vmem>>[vector<16xi32>, vector<16xi32>], vector<16xf32>,
      %parallel_loop3A_364 = arith.mulf %parallel_loop3A_359, %parallel_loop3A_363 : vector<16xf32>
      %parallel_loop3A_365 = arith.constant 11 : i32
      %parallel_loop3A_366 = vector.broadcast %parallel_loop3A_365 : i32 to vector<16xi32>
      %parallel_loop3A_367 = arith.addi %parallel_loop3A_313, %parallel_loop3A_366 : vector<16xi32>
      %parallel_loop3A_368 = tpu.vector_load_idx %arg16[%broadcast_in_dim3A_276, %parallel_loop3A_367] : memref<1x2176xf32, #tpu.memory_space<vmem>>[vector<16xi32>, vector<16xi32>], vector<16xf32>,
      %parallel_loop3A_369 = arith.mulf %parallel_loop3A_364, %parallel_loop3A_368 : vector<16xf32>
      %parallel_loop3A_370 = arith.constant 12 : i32
      %parallel_loop3A_371 = vector.broadcast %parallel_loop3A_370 : i32 to vector<16xi32>
      %parallel_loop3A_372 = arith.addi %parallel_loop3A_313, %parallel_loop3A_371 : vector<16xi32>
      %parallel_loop3A_373 = tpu.vector_load_idx %arg16[%broadcast_in_dim3A_276, %parallel_loop3A_372] : memref<1x2176xf32, #tpu.memory_space<vmem>>[vector<16xi32>, vector<16xi32>], vector<16xf32>,
      %parallel_loop3A_374 = arith.mulf %parallel_loop3A_369, %parallel_loop3A_373 : vector<16xf32>
      %parallel_loop3A_375 = arith.constant 13 : i32
      %parallel_loop3A_376 = vector.broadcast %parallel_loop3A_375 : i32 to vector<16xi32>
      %parallel_loop3A_377 = arith.addi %parallel_loop3A_313, %parallel_loop3A_376 : vector<16xi32>
      %parallel_loop3A_378 = tpu.vector_load_idx %arg16[%broadcast_in_dim3A_276, %parallel_loop3A_377] : memref<1x2176xf32, #tpu.memory_space<vmem>>[vector<16xi32>, vector<16xi32>], vector<16xf32>,
      %parallel_loop3A_379 = arith.mulf %parallel_loop3A_374, %parallel_loop3A_378 : vector<16xf32>
      %parallel_loop3A_380 = arith.constant 14 : i32
      %parallel_loop3A_381 = vector.broadcast %parallel_loop3A_380 : i32 to vector<16xi32>
      %parallel_loop3A_382 = arith.addi %parallel_loop3A_313, %parallel_loop3A_381 : vector<16xi32>
      %parallel_loop3A_383 = tpu.vector_load_idx %arg16[%broadcast_in_dim3A_276, %parallel_loop3A_382] : memref<1x2176xf32, #tpu.memory_space<vmem>>[vector<16xi32>, vector<16xi32>], vector<16xf32>,
      %parallel_loop3A_384 = arith.mulf %parallel_loop3A_379, %parallel_loop3A_383 : vector<16xf32>
      %parallel_loop3A_385 = arith.constant 15 : i32
      %parallel_loop3A_386 = vector.broadcast %parallel_loop3A_385 : i32 to vector<16xi32>
      %parallel_loop3A_387 = arith.addi %parallel_loop3A_313, %parallel_loop3A_386 : vector<16xi32>
      %parallel_loop3A_388 = tpu.vector_load_idx %arg16[%broadcast_in_dim3A_276, %parallel_loop3A_387] : memref<1x2176xf32, #tpu.memory_space<vmem>>[vector<16xi32>, vector<16xi32>], vector<16xf32>,
      %parallel_loop3A_389 = arith.mulf %parallel_loop3A_384, %parallel_loop3A_388 : vector<16xf32>
      %parallel_loop3A_390 = arith.constant 1.000000e+00 : f32
      %parallel_loop3A_391 = vector.broadcast %parallel_loop3A_390 : f32 to vector<16xf32>
      %parallel_loop3A_392 = arith.divf %parallel_loop3A_391, %parallel_loop3A_389 : vector<16xf32>
      %parallel_loop3A_393 = arith.constant 16 : i32
      %parallel_loop3A_394 = arith.muli %parallel_loop3A_306, %parallel_loop3A_393 : i32
      %parallel_loop3A_395 = arith.constant 256 : i32
      %parallel_loop3A_396 = arith.addi %parallel_loop3A_395, %parallel_loop3A_394 : i32
      %parallel_loop3A_397 = arith.index_cast %parallel_loop3A_396 : i32 to index
      %parallel_loop3A_398 = tpu.vector_load %arg15[%parallel_loop3A_397] {strides = array<i32>} : memref<512xf32, #tpu.memory_space<vmem>>, vector<16xf32>,
      tpu.vector_store %arg15[%parallel_loop3A_397], %parallel_loop3A_392 {strides = array<i32>} : memref<512xf32, #tpu.memory_space<vmem>>, vector<16xf32>,
    } {sc.loop_unroll_factor = 1 : i64, sc.parallel_access}
    %dma_wait3A_283 = arith.constant 3 : i32
    %dma_wait3A_284 = arith.constant 0 : i32
    %dma_wait3A_285 = tpu.memref_slice %arg7[%dma_wait3A_283, %dma_wait3A_284] : memref<4x128xi32, #tpu.memory_space<vmem>> -> memref<1x128xi32, #tpu.memory_space<vmem>>
    %dma_wait3A_286 = tpu.memref_squeeze %dma_wait3A_285 : memref<1x128xi32, #tpu.memory_space<vmem>> -> memref<128xi32, #tpu.memory_space<vmem>>
    %dma_wait3A_287 = arith.constant 0 : i32
    %dma_wait3A_288 = arith.constant 0 : i32
    %dma_wait3A_289 = tpu.memref_slice %arg4[%dma_wait3A_287, %dma_wait3A_288] : memref<1000000x128xf32, #tpu.memory_space<hbm>> -> memref<1000000x128xf32, #tpu.memory_space<hbm>>
    tpu.wait_indirect_dma semaphore(%arg18 : memref<!tpu.dma_semaphore, #tpu.memory_space<semaphore_mem>>) src(%dma_wait3A_289 : memref<1000000x128xf32, #tpu.memory_space<hbm>>) dst(%arg9 : memref<128x128xf32, #tpu.memory_space<vmem>>)
    %dma_wait3A_290 = arith.constant 3 : i32
    %dma_wait3A_291 = arith.constant 0 : i32
    %dma_wait3A_292 = tpu.memref_slice %arg8[%dma_wait3A_290, %dma_wait3A_291] : memref<4x128xi32, #tpu.memory_space<vmem>> -> memref<1x128xi32, #tpu.memory_space<vmem>>
    %dma_wait3A_293 = tpu.memref_squeeze %dma_wait3A_292 : memref<1x128xi32, #tpu.memory_space<vmem>> -> memref<128xi32, #tpu.memory_space<vmem>>
    %dma_wait3A_294 = arith.constant 0 : i32
    %dma_wait3A_295 = arith.constant 0 : i32
    %dma_wait3A_296 = tpu.memref_slice %arg5[%dma_wait3A_294, %dma_wait3A_295] : memref<100000x128xf32, #tpu.memory_space<hbm>> -> memref<100000x128xf32, #tpu.memory_space<hbm>>
    tpu.wait_indirect_dma semaphore(%arg18 : memref<!tpu.dma_semaphore, #tpu.memory_space<semaphore_mem>>) src(%dma_wait3A_296 : memref<100000x128xf32, #tpu.memory_space<hbm>>) dst(%arg12 : memref<128x128xf32, #tpu.memory_space<vmem>>)
    %iota3A_297 = tpu.iota {dimensions = array<i32: 0>} : vector<16xi32>
    %broadcast_in_dim3A_298 = arith.constant 0 : i32
    %broadcast_in_dim3A_299 = vector.broadcast %broadcast_in_dim3A_298 : i32 to vector<16xi32>
    %mul3A_300 = arith.constant 17 : i32
    %mul3A_301 = vector.broadcast %mul3A_300 : i32 to vector<16xi32>
    %mul3A_302 = arith.muli %iota3A_297, %mul3A_301 : vector<16xi32>
    %parallel_loop3A_303 = arith.constant 0 : i32
    %parallel_loop3A_304 = arith.constant 8 : i32
    %parallel_loop3A_305 = arith.constant 1 : i32
    scf.for %parallel_loop3A_306 = %parallel_loop3A_303 to %parallel_loop3A_304 step %parallel_loop3A_305  : i32 {
      %parallel_loop3A_307 = arith.constant 272 : i32
      %parallel_loop3A_308 = arith.muli %parallel_loop3A_306, %parallel_loop3A_307 : i32
      %parallel_loop3A_309 = arith.constant 0 : i32
      %parallel_loop3A_310 = arith.constant 16 : i32
      %parallel_loop3A_311 = arith.constant 1 : i32
      scf.for %parallel_loop3A_399 = %parallel_loop3A_309 to %parallel_loop3A_310 step %parallel_loop3A_311  : i32 {
        %parallel_loop3A_400 = arith.constant 16 : i32
        %parallel_loop3A_401 = arith.muli %parallel_loop3A_306, %parallel_loop3A_400 : i32
        %parallel_loop3A_402 = arith.addi %parallel_loop3A_401, %parallel_loop3A_399 : i32
        %parallel_loop3A_403 = arith.index_cast %parallel_loop3A_402 : i32 to index
        %parallel_loop3A_404 = arith.constant 0 : index
        %parallel_loop3A_405 = tpu.vector_load %arg9[%parallel_loop3A_403, %parallel_loop3A_404] {strides = array<i32>} : memref<128x128xf32, #tpu.memory_space<vmem>>, vector<16xf32>,
        %parallel_loop3A_406 = arith.index_cast %parallel_loop3A_402 : i32 to index
        %parallel_loop3A_407 = arith.constant 0 : index
        %parallel_loop3A_408 = tpu.vector_load %arg12[%parallel_loop3A_406, %parallel_loop3A_407] {strides = array<i32>} : memref<128x128xf32, #tpu.memory_space<vmem>>, vector<16xf32>,
        %parallel_loop3A_409 = arith.addf %parallel_loop3A_405, %parallel_loop3A_408 : vector<16xf32>
        %parallel_loop3A_410 = arith.constant 0.000000e+00 : f32
        %parallel_loop3A_411 = vector.broadcast %parallel_loop3A_410 : f32 to vector<16xf32>
        %parallel_loop3A_412 = arith.subf %parallel_loop3A_411, %parallel_loop3A_409 : vector<16xf32>
        %parallel_loop3A_413 = math.exp %parallel_loop3A_412 : vector<16xf32>
        %parallel_loop3A_414 = arith.constant 1.000000e+00 : f32
        %parallel_loop3A_415 = vector.broadcast %parallel_loop3A_414 : f32 to vector<16xf32>
        %parallel_loop3A_416 = arith.addf %parallel_loop3A_415, %parallel_loop3A_413 : vector<16xf32>
        %parallel_loop3A_417 = arith.index_cast %parallel_loop3A_402 : i32 to index
        %parallel_loop3A_418 = arith.constant 16 : index
        %parallel_loop3A_419 = tpu.vector_load %arg9[%parallel_loop3A_417, %parallel_loop3A_418] {strides = array<i32>} : memref<128x128xf32, #tpu.memory_space<vmem>>, vector<16xf32>,
        %parallel_loop3A_420 = arith.index_cast %parallel_loop3A_402 : i32 to index
        %parallel_loop3A_421 = arith.constant 16 : index
        %parallel_loop3A_422 = tpu.vector_load %arg12[%parallel_loop3A_420, %parallel_loop3A_421] {strides = array<i32>} : memref<128x128xf32, #tpu.memory_space<vmem>>, vector<16xf32>,
        %parallel_loop3A_423 = arith.addf %parallel_loop3A_419, %parallel_loop3A_422 : vector<16xf32>
        %parallel_loop3A_424 = arith.constant 0.000000e+00 : f32
        %parallel_loop3A_425 = vector.broadcast %parallel_loop3A_424 : f32 to vector<16xf32>
        %parallel_loop3A_426 = arith.subf %parallel_loop3A_425, %parallel_loop3A_423 : vector<16xf32>
        %parallel_loop3A_427 = math.exp %parallel_loop3A_426 : vector<16xf32>
        %parallel_loop3A_428 = arith.constant 1.000000e+00 : f32
        %parallel_loop3A_429 = vector.broadcast %parallel_loop3A_428 : f32 to vector<16xf32>
        %parallel_loop3A_430 = arith.addf %parallel_loop3A_429, %parallel_loop3A_427 : vector<16xf32>
        %parallel_loop3A_431 = arith.index_cast %parallel_loop3A_402 : i32 to index
        %parallel_loop3A_432 = arith.constant 32 : index
        %parallel_loop3A_433 = tpu.vector_load %arg9[%parallel_loop3A_431, %parallel_loop3A_432] {strides = array<i32>} : memref<128x128xf32, #tpu.memory_space<vmem>>, vector<16xf32>,
        %parallel_loop3A_434 = arith.index_cast %parallel_loop3A_402 : i32 to index
        %parallel_loop3A_435 = arith.constant 32 : index
        %parallel_loop3A_436 = tpu.vector_load %arg12[%parallel_loop3A_434, %parallel_loop3A_435] {strides = array<i32>} : memref<128x128xf32, #tpu.memory_space<vmem>>, vector<16xf32>,
        %parallel_loop3A_437 = arith.addf %parallel_loop3A_433, %parallel_loop3A_436 : vector<16xf32>
        %parallel_loop3A_438 = arith.constant 0.000000e+00 : f32
        %parallel_loop3A_439 = vector.broadcast %parallel_loop3A_438 : f32 to vector<16xf32>
        %parallel_loop3A_440 = arith.subf %parallel_loop3A_439, %parallel_loop3A_437 : vector<16xf32>
        %parallel_loop3A_441 = math.exp %parallel_loop3A_440 : vector<16xf32>
        %parallel_loop3A_442 = arith.constant 1.000000e+00 : f32
        %parallel_loop3A_443 = vector.broadcast %parallel_loop3A_442 : f32 to vector<16xf32>
        %parallel_loop3A_444 = arith.addf %parallel_loop3A_443, %parallel_loop3A_441 : vector<16xf32>
        %parallel_loop3A_445 = arith.index_cast %parallel_loop3A_402 : i32 to index
        %parallel_loop3A_446 = arith.constant 48 : index
        %parallel_loop3A_447 = tpu.vector_load %arg9[%parallel_loop3A_445, %parallel_loop3A_446] {strides = array<i32>} : memref<128x128xf32, #tpu.memory_space<vmem>>, vector<16xf32>,
        %parallel_loop3A_448 = arith.index_cast %parallel_loop3A_402 : i32 to index
        %parallel_loop3A_449 = arith.constant 48 : index
        %parallel_loop3A_450 = tpu.vector_load %arg12[%parallel_loop3A_448, %parallel_loop3A_449] {strides = array<i32>} : memref<128x128xf32, #tpu.memory_space<vmem>>, vector<16xf32>,
        %parallel_loop3A_451 = arith.addf %parallel_loop3A_447, %parallel_loop3A_450 : vector<16xf32>
        %parallel_loop3A_452 = arith.constant 0.000000e+00 : f32
        %parallel_loop3A_453 = vector.broadcast %parallel_loop3A_452 : f32 to vector<16xf32>
        %parallel_loop3A_454 = arith.subf %parallel_loop3A_453, %parallel_loop3A_451 : vector<16xf32>
        %parallel_loop3A_455 = math.exp %parallel_loop3A_454 : vector<16xf32>
        %parallel_loop3A_456 = arith.constant 1.000000e+00 : f32
        %parallel_loop3A_457 = vector.broadcast %parallel_loop3A_456 : f32 to vector<16xf32>
        %parallel_loop3A_458 = arith.addf %parallel_loop3A_457, %parallel_loop3A_455 : vector<16xf32>
        %parallel_loop3A_459 = arith.index_cast %parallel_loop3A_402 : i32 to index
        %parallel_loop3A_460 = arith.constant 64 : index
        %parallel_loop3A_461 = tpu.vector_load %arg9[%parallel_loop3A_459, %parallel_loop3A_460] {strides = array<i32>} : memref<128x128xf32, #tpu.memory_space<vmem>>, vector<16xf32>,
        %parallel_loop3A_462 = arith.index_cast %parallel_loop3A_402 : i32 to index
        %parallel_loop3A_463 = arith.constant 64 : index
        %parallel_loop3A_464 = tpu.vector_load %arg12[%parallel_loop3A_462, %parallel_loop3A_463] {strides = array<i32>} : memref<128x128xf32, #tpu.memory_space<vmem>>, vector<16xf32>,
        %parallel_loop3A_465 = arith.addf %parallel_loop3A_461, %parallel_loop3A_464 : vector<16xf32>
        %parallel_loop3A_466 = arith.constant 0.000000e+00 : f32
        %parallel_loop3A_467 = vector.broadcast %parallel_loop3A_466 : f32 to vector<16xf32>
        %parallel_loop3A_468 = arith.subf %parallel_loop3A_467, %parallel_loop3A_465 : vector<16xf32>
        %parallel_loop3A_469 = math.exp %parallel_loop3A_468 : vector<16xf32>
        %parallel_loop3A_470 = arith.constant 1.000000e+00 : f32
        %parallel_loop3A_471 = vector.broadcast %parallel_loop3A_470 : f32 to vector<16xf32>
        %parallel_loop3A_472 = arith.addf %parallel_loop3A_471, %parallel_loop3A_469 : vector<16xf32>
        %parallel_loop3A_473 = arith.index_cast %parallel_loop3A_402 : i32 to index
        %parallel_loop3A_474 = arith.constant 80 : index
        %parallel_loop3A_475 = tpu.vector_load %arg9[%parallel_loop3A_473, %parallel_loop3A_474] {strides = array<i32>} : memref<128x128xf32, #tpu.memory_space<vmem>>, vector<16xf32>,
        %parallel_loop3A_476 = arith.index_cast %parallel_loop3A_402 : i32 to index
        %parallel_loop3A_477 = arith.constant 80 : index
        %parallel_loop3A_478 = tpu.vector_load %arg12[%parallel_loop3A_476, %parallel_loop3A_477] {strides = array<i32>} : memref<128x128xf32, #tpu.memory_space<vmem>>, vector<16xf32>,
        %parallel_loop3A_479 = arith.addf %parallel_loop3A_475, %parallel_loop3A_478 : vector<16xf32>
        %parallel_loop3A_480 = arith.constant 0.000000e+00 : f32
        %parallel_loop3A_481 = vector.broadcast %parallel_loop3A_480 : f32 to vector<16xf32>
        %parallel_loop3A_482 = arith.subf %parallel_loop3A_481, %parallel_loop3A_479 : vector<16xf32>
        %parallel_loop3A_483 = math.exp %parallel_loop3A_482 : vector<16xf32>
        %parallel_loop3A_484 = arith.constant 1.000000e+00 : f32
        %parallel_loop3A_485 = vector.broadcast %parallel_loop3A_484 : f32 to vector<16xf32>
        %parallel_loop3A_486 = arith.addf %parallel_loop3A_485, %parallel_loop3A_483 : vector<16xf32>
        %parallel_loop3A_487 = arith.index_cast %parallel_loop3A_402 : i32 to index
        %parallel_loop3A_488 = arith.constant 96 : index
        %parallel_loop3A_489 = tpu.vector_load %arg9[%parallel_loop3A_487, %parallel_loop3A_488] {strides = array<i32>} : memref<128x128xf32, #tpu.memory_space<vmem>>, vector<16xf32>,
        %parallel_loop3A_490 = arith.index_cast %parallel_loop3A_402 : i32 to index
        %parallel_loop3A_491 = arith.constant 96 : index
        %parallel_loop3A_492 = tpu.vector_load %arg12[%parallel_loop3A_490, %parallel_loop3A_491] {strides = array<i32>} : memref<128x128xf32, #tpu.memory_space<vmem>>, vector<16xf32>,
        %parallel_loop3A_493 = arith.addf %parallel_loop3A_489, %parallel_loop3A_492 : vector<16xf32>
        %parallel_loop3A_494 = arith.constant 0.000000e+00 : f32
        %parallel_loop3A_495 = vector.broadcast %parallel_loop3A_494 : f32 to vector<16xf32>
        %parallel_loop3A_496 = arith.subf %parallel_loop3A_495, %parallel_loop3A_493 : vector<16xf32>
        %parallel_loop3A_497 = math.exp %parallel_loop3A_496 : vector<16xf32>
        %parallel_loop3A_498 = arith.constant 1.000000e+00 : f32
        %parallel_loop3A_499 = vector.broadcast %parallel_loop3A_498 : f32 to vector<16xf32>
        %parallel_loop3A_500 = arith.addf %parallel_loop3A_499, %parallel_loop3A_497 : vector<16xf32>
        %parallel_loop3A_501 = arith.index_cast %parallel_loop3A_402 : i32 to index
        %parallel_loop3A_502 = arith.constant 112 : index
        %parallel_loop3A_503 = tpu.vector_load %arg9[%parallel_loop3A_501, %parallel_loop3A_502] {strides = array<i32>} : memref<128x128xf32, #tpu.memory_space<vmem>>, vector<16xf32>,
        %parallel_loop3A_504 = arith.index_cast %parallel_loop3A_402 : i32 to index
        %parallel_loop3A_505 = arith.constant 112 : index
        %parallel_loop3A_506 = tpu.vector_load %arg12[%parallel_loop3A_504, %parallel_loop3A_505] {strides = array<i32>} : memref<128x128xf32, #tpu.memory_space<vmem>>, vector<16xf32>,
        %parallel_loop3A_507 = arith.addf %parallel_loop3A_503, %parallel_loop3A_506 : vector<16xf32>
        %parallel_loop3A_508 = arith.constant 0.000000e+00 : f32
        %parallel_loop3A_509 = vector.broadcast %parallel_loop3A_508 : f32 to vector<16xf32>
        %parallel_loop3A_510 = arith.subf %parallel_loop3A_509, %parallel_loop3A_507 : vector<16xf32>
        %parallel_loop3A_511 = math.exp %parallel_loop3A_510 : vector<16xf32>
        %parallel_loop3A_512 = arith.constant 1.000000e+00 : f32
        %parallel_loop3A_513 = vector.broadcast %parallel_loop3A_512 : f32 to vector<16xf32>
        %parallel_loop3A_514 = arith.addf %parallel_loop3A_513, %parallel_loop3A_511 : vector<16xf32>
        %parallel_loop3A_515 = arith.mulf %parallel_loop3A_416, %parallel_loop3A_430 : vector<16xf32>
        %parallel_loop3A_516 = arith.mulf %parallel_loop3A_444, %parallel_loop3A_458 : vector<16xf32>
        %parallel_loop3A_517 = arith.mulf %parallel_loop3A_472, %parallel_loop3A_486 : vector<16xf32>
        %parallel_loop3A_518 = arith.mulf %parallel_loop3A_500, %parallel_loop3A_514 : vector<16xf32>
        %parallel_loop3A_519 = arith.mulf %parallel_loop3A_515, %parallel_loop3A_516 : vector<16xf32>
        %parallel_loop3A_520 = arith.mulf %parallel_loop3A_517, %parallel_loop3A_518 : vector<16xf32>
        %parallel_loop3A_521 = arith.mulf %parallel_loop3A_519, %parallel_loop3A_520 : vector<16xf32>
        %parallel_loop3A_522 = arith.constant 17 : i32
        %parallel_loop3A_523 = arith.muli %parallel_loop3A_399, %parallel_loop3A_522 : i32
        %parallel_loop3A_524 = arith.addi %parallel_loop3A_308, %parallel_loop3A_523 : i32
        %parallel_loop3A_525 = arith.constant 0 : i32
        %parallel_loop3A_526 = arith.index_cast %parallel_loop3A_525 : i32 to index
        %parallel_loop3A_527 = arith.index_cast %parallel_loop3A_524 : i32 to index
        %parallel_loop3A_528 = tpu.vector_load %arg16[%parallel_loop3A_526, %parallel_loop3A_527] {strides = array<i32>} : memref<1x2176xf32, #tpu.memory_space<vmem>>, vector<16xf32>,
        tpu.vector_store %arg16[%parallel_loop3A_526, %parallel_loop3A_527], %parallel_loop3A_521 {strides = array<i32>} : memref<1x2176xf32, #tpu.memory_space<vmem>>, vector<16xf32>,
      } {sc.loop_unroll_factor = 4 : i64, sc.parallel_access}
      %parallel_loop3A_312 = vector.broadcast %parallel_loop3A_308 : i32 to vector<16xi32>
      %parallel_loop3A_313 = arith.addi %mul3A_302, %parallel_loop3A_312 : vector<16xi32>
      %parallel_loop3A_314 = tpu.vector_load_idx %arg16[%broadcast_in_dim3A_299, %parallel_loop3A_313] : memref<1x2176xf32, #tpu.memory_space<vmem>>[vector<16xi32>, vector<16xi32>], vector<16xf32>,
      %parallel_loop3A_315 = arith.constant 1 : i32
      %parallel_loop3A_316 = vector.broadcast %parallel_loop3A_315 : i32 to vector<16xi32>
      %parallel_loop3A_317 = arith.addi %parallel_loop3A_313, %parallel_loop3A_316 : vector<16xi32>
      %parallel_loop3A_318 = tpu.vector_load_idx %arg16[%broadcast_in_dim3A_299, %parallel_loop3A_317] : memref<1x2176xf32, #tpu.memory_space<vmem>>[vector<16xi32>, vector<16xi32>], vector<16xf32>,
      %parallel_loop3A_319 = arith.mulf %parallel_loop3A_314, %parallel_loop3A_318 : vector<16xf32>
      %parallel_loop3A_320 = arith.constant 2 : i32
      %parallel_loop3A_321 = vector.broadcast %parallel_loop3A_320 : i32 to vector<16xi32>
      %parallel_loop3A_322 = arith.addi %parallel_loop3A_313, %parallel_loop3A_321 : vector<16xi32>
      %parallel_loop3A_323 = tpu.vector_load_idx %arg16[%broadcast_in_dim3A_299, %parallel_loop3A_322] : memref<1x2176xf32, #tpu.memory_space<vmem>>[vector<16xi32>, vector<16xi32>], vector<16xf32>,
      %parallel_loop3A_324 = arith.mulf %parallel_loop3A_319, %parallel_loop3A_323 : vector<16xf32>
      %parallel_loop3A_325 = arith.constant 3 : i32
      %parallel_loop3A_326 = vector.broadcast %parallel_loop3A_325 : i32 to vector<16xi32>
      %parallel_loop3A_327 = arith.addi %parallel_loop3A_313, %parallel_loop3A_326 : vector<16xi32>
      %parallel_loop3A_328 = tpu.vector_load_idx %arg16[%broadcast_in_dim3A_299, %parallel_loop3A_327] : memref<1x2176xf32, #tpu.memory_space<vmem>>[vector<16xi32>, vector<16xi32>], vector<16xf32>,
      %parallel_loop3A_329 = arith.mulf %parallel_loop3A_324, %parallel_loop3A_328 : vector<16xf32>
      %parallel_loop3A_330 = arith.constant 4 : i32
      %parallel_loop3A_331 = vector.broadcast %parallel_loop3A_330 : i32 to vector<16xi32>
      %parallel_loop3A_332 = arith.addi %parallel_loop3A_313, %parallel_loop3A_331 : vector<16xi32>
      %parallel_loop3A_333 = tpu.vector_load_idx %arg16[%broadcast_in_dim3A_299, %parallel_loop3A_332] : memref<1x2176xf32, #tpu.memory_space<vmem>>[vector<16xi32>, vector<16xi32>], vector<16xf32>,
      %parallel_loop3A_334 = arith.mulf %parallel_loop3A_329, %parallel_loop3A_333 : vector<16xf32>
      %parallel_loop3A_335 = arith.constant 5 : i32
      %parallel_loop3A_336 = vector.broadcast %parallel_loop3A_335 : i32 to vector<16xi32>
      %parallel_loop3A_337 = arith.addi %parallel_loop3A_313, %parallel_loop3A_336 : vector<16xi32>
      %parallel_loop3A_338 = tpu.vector_load_idx %arg16[%broadcast_in_dim3A_299, %parallel_loop3A_337] : memref<1x2176xf32, #tpu.memory_space<vmem>>[vector<16xi32>, vector<16xi32>], vector<16xf32>,
      %parallel_loop3A_339 = arith.mulf %parallel_loop3A_334, %parallel_loop3A_338 : vector<16xf32>
      %parallel_loop3A_340 = arith.constant 6 : i32
      %parallel_loop3A_341 = vector.broadcast %parallel_loop3A_340 : i32 to vector<16xi32>
      %parallel_loop3A_342 = arith.addi %parallel_loop3A_313, %parallel_loop3A_341 : vector<16xi32>
      %parallel_loop3A_343 = tpu.vector_load_idx %arg16[%broadcast_in_dim3A_299, %parallel_loop3A_342] : memref<1x2176xf32, #tpu.memory_space<vmem>>[vector<16xi32>, vector<16xi32>], vector<16xf32>,
      %parallel_loop3A_344 = arith.mulf %parallel_loop3A_339, %parallel_loop3A_343 : vector<16xf32>
      %parallel_loop3A_345 = arith.constant 7 : i32
      %parallel_loop3A_346 = vector.broadcast %parallel_loop3A_345 : i32 to vector<16xi32>
      %parallel_loop3A_347 = arith.addi %parallel_loop3A_313, %parallel_loop3A_346 : vector<16xi32>
      %parallel_loop3A_348 = tpu.vector_load_idx %arg16[%broadcast_in_dim3A_299, %parallel_loop3A_347] : memref<1x2176xf32, #tpu.memory_space<vmem>>[vector<16xi32>, vector<16xi32>], vector<16xf32>,
      %parallel_loop3A_349 = arith.mulf %parallel_loop3A_344, %parallel_loop3A_348 : vector<16xf32>
      %parallel_loop3A_350 = arith.constant 8 : i32
      %parallel_loop3A_351 = vector.broadcast %parallel_loop3A_350 : i32 to vector<16xi32>
      %parallel_loop3A_352 = arith.addi %parallel_loop3A_313, %parallel_loop3A_351 : vector<16xi32>
      %parallel_loop3A_353 = tpu.vector_load_idx %arg16[%broadcast_in_dim3A_299, %parallel_loop3A_352] : memref<1x2176xf32, #tpu.memory_space<vmem>>[vector<16xi32>, vector<16xi32>], vector<16xf32>,
      %parallel_loop3A_354 = arith.mulf %parallel_loop3A_349, %parallel_loop3A_353 : vector<16xf32>
      %parallel_loop3A_355 = arith.constant 9 : i32
      %parallel_loop3A_356 = vector.broadcast %parallel_loop3A_355 : i32 to vector<16xi32>
      %parallel_loop3A_357 = arith.addi %parallel_loop3A_313, %parallel_loop3A_356 : vector<16xi32>
      %parallel_loop3A_358 = tpu.vector_load_idx %arg16[%broadcast_in_dim3A_299, %parallel_loop3A_357] : memref<1x2176xf32, #tpu.memory_space<vmem>>[vector<16xi32>, vector<16xi32>], vector<16xf32>,
      %parallel_loop3A_359 = arith.mulf %parallel_loop3A_354, %parallel_loop3A_358 : vector<16xf32>
      %parallel_loop3A_360 = arith.constant 10 : i32
      %parallel_loop3A_361 = vector.broadcast %parallel_loop3A_360 : i32 to vector<16xi32>
      %parallel_loop3A_362 = arith.addi %parallel_loop3A_313, %parallel_loop3A_361 : vector<16xi32>
      %parallel_loop3A_363 = tpu.vector_load_idx %arg16[%broadcast_in_dim3A_299, %parallel_loop3A_362] : memref<1x2176xf32, #tpu.memory_space<vmem>>[vector<16xi32>, vector<16xi32>], vector<16xf32>,
      %parallel_loop3A_364 = arith.mulf %parallel_loop3A_359, %parallel_loop3A_363 : vector<16xf32>
      %parallel_loop3A_365 = arith.constant 11 : i32
      %parallel_loop3A_366 = vector.broadcast %parallel_loop3A_365 : i32 to vector<16xi32>
      %parallel_loop3A_367 = arith.addi %parallel_loop3A_313, %parallel_loop3A_366 : vector<16xi32>
      %parallel_loop3A_368 = tpu.vector_load_idx %arg16[%broadcast_in_dim3A_299, %parallel_loop3A_367] : memref<1x2176xf32, #tpu.memory_space<vmem>>[vector<16xi32>, vector<16xi32>], vector<16xf32>,
      %parallel_loop3A_369 = arith.mulf %parallel_loop3A_364, %parallel_loop3A_368 : vector<16xf32>
      %parallel_loop3A_370 = arith.constant 12 : i32
      %parallel_loop3A_371 = vector.broadcast %parallel_loop3A_370 : i32 to vector<16xi32>
      %parallel_loop3A_372 = arith.addi %parallel_loop3A_313, %parallel_loop3A_371 : vector<16xi32>
      %parallel_loop3A_373 = tpu.vector_load_idx %arg16[%broadcast_in_dim3A_299, %parallel_loop3A_372] : memref<1x2176xf32, #tpu.memory_space<vmem>>[vector<16xi32>, vector<16xi32>], vector<16xf32>,
      %parallel_loop3A_374 = arith.mulf %parallel_loop3A_369, %parallel_loop3A_373 : vector<16xf32>
      %parallel_loop3A_375 = arith.constant 13 : i32
      %parallel_loop3A_376 = vector.broadcast %parallel_loop3A_375 : i32 to vector<16xi32>
      %parallel_loop3A_377 = arith.addi %parallel_loop3A_313, %parallel_loop3A_376 : vector<16xi32>
      %parallel_loop3A_378 = tpu.vector_load_idx %arg16[%broadcast_in_dim3A_299, %parallel_loop3A_377] : memref<1x2176xf32, #tpu.memory_space<vmem>>[vector<16xi32>, vector<16xi32>], vector<16xf32>,
      %parallel_loop3A_379 = arith.mulf %parallel_loop3A_374, %parallel_loop3A_378 : vector<16xf32>
      %parallel_loop3A_380 = arith.constant 14 : i32
      %parallel_loop3A_381 = vector.broadcast %parallel_loop3A_380 : i32 to vector<16xi32>
      %parallel_loop3A_382 = arith.addi %parallel_loop3A_313, %parallel_loop3A_381 : vector<16xi32>
      %parallel_loop3A_383 = tpu.vector_load_idx %arg16[%broadcast_in_dim3A_299, %parallel_loop3A_382] : memref<1x2176xf32, #tpu.memory_space<vmem>>[vector<16xi32>, vector<16xi32>], vector<16xf32>,
      %parallel_loop3A_384 = arith.mulf %parallel_loop3A_379, %parallel_loop3A_383 : vector<16xf32>
      %parallel_loop3A_385 = arith.constant 15 : i32
      %parallel_loop3A_386 = vector.broadcast %parallel_loop3A_385 : i32 to vector<16xi32>
      %parallel_loop3A_387 = arith.addi %parallel_loop3A_313, %parallel_loop3A_386 : vector<16xi32>
      %parallel_loop3A_388 = tpu.vector_load_idx %arg16[%broadcast_in_dim3A_299, %parallel_loop3A_387] : memref<1x2176xf32, #tpu.memory_space<vmem>>[vector<16xi32>, vector<16xi32>], vector<16xf32>,
      %parallel_loop3A_389 = arith.mulf %parallel_loop3A_384, %parallel_loop3A_388 : vector<16xf32>
      %parallel_loop3A_390 = arith.constant 1.000000e+00 : f32
      %parallel_loop3A_391 = vector.broadcast %parallel_loop3A_390 : f32 to vector<16xf32>
      %parallel_loop3A_392 = arith.divf %parallel_loop3A_391, %parallel_loop3A_389 : vector<16xf32>
      %parallel_loop3A_393 = arith.constant 16 : i32
      %parallel_loop3A_394 = arith.muli %parallel_loop3A_306, %parallel_loop3A_393 : i32
      %parallel_loop3A_395 = arith.constant 384 : i32
      %parallel_loop3A_396 = arith.addi %parallel_loop3A_395, %parallel_loop3A_394 : i32
      %parallel_loop3A_397 = arith.index_cast %parallel_loop3A_396 : i32 to index
      %parallel_loop3A_398 = tpu.vector_load %arg15[%parallel_loop3A_397] {strides = array<i32>} : memref<512xf32, #tpu.memory_space<vmem>>, vector<16xf32>,
      tpu.vector_store %arg15[%parallel_loop3A_397], %parallel_loop3A_392 {strides = array<i32>} : memref<512xf32, #tpu.memory_space<vmem>>, vector<16xf32>,
    } {sc.loop_unroll_factor = 1 : i64, sc.parallel_access}
    "tpu.region"() ({
      %run_scoped3A = tpu.sem_alloc : memref<!tpu.dma_semaphore, #tpu.memory_space<semaphore_mem>>
      %dma_start3A_306 = tpu.memref_slice %arg6[%mul3A_2] : memref<16384xf32, #tpu.memory_space<hbm>> -> memref<512xf32, #tpu.memory_space<hbm>>
      %dma_start3A_307 = tpu.memref_slice %arg6[%mul3A_2] : memref<16384xf32, #tpu.memory_space<hbm>> -> memref<512xf32, #tpu.memory_space<hbm>>
      tpu.enqueue_dma source(%arg15 : memref<512xf32, #tpu.memory_space<vmem>>) target(%dma_start3A_307 : memref<512xf32, #tpu.memory_space<hbm>>) target_semaphore(%run_scoped3A : memref<!tpu.dma_semaphore, #tpu.memory_space<semaphore_mem>>)
      %dma_wait3A_308 = tpu.memref_slice %arg6[%mul3A_2] : memref<16384xf32, #tpu.memory_space<hbm>> -> memref<512xf32, #tpu.memory_space<hbm>>
      %dma_wait3A_309 = tpu.memref_slice %arg6[%mul3A_2] : memref<16384xf32, #tpu.memory_space<hbm>> -> memref<512xf32, #tpu.memory_space<hbm>>
      tpu.wait_dma2 semaphore(%run_scoped3A : memref<!tpu.dma_semaphore, #tpu.memory_space<semaphore_mem>>) src(%arg15 : memref<512xf32, #tpu.memory_space<vmem>>) dst(%dma_wait3A_309 : memref<512xf32, #tpu.memory_space<hbm>>)
      tpu.yield
    }) : () -> ()
    return
  }
}

</mosaic_0001>

<sc_bundles>
// kernel: kernel.3.cloned.1.call-start
scs
__scs_entry_jumppad:
0x0: {  	(pc) =	sbr.rel $0x88, $3  }
0x1: {  	(tag) =	ssettag $0x0;
	lr =	simm.s32 $0x1  }
0x2: {  	[smem:$0x3F9D] =	sst lr;
	_ =	strace $0xD0000000  }
0x3: {  	_ = 	snop  }
0x4: {  	_ = 	snop  }
0x5: {  	_ = 	snop  }
0x6: {  	_ = 	snop  }
0x7: {  	_ = 	snop  }
__scs_overlays_trampoline_lowered:
0x8: {  	[smem:$0x3FAC] =	sst s0  }
0x9: {  	[smem:$0x3FAD] =	sst s1  }
0xa: {  	[smem:$0x3FAE] =	sst s2  }
0xb: {  	[smem:$0x3FAF] =	sst s3  }
0xc: {  	[smem:$0x3FB0] =	sst s4  }
0xd: {  	[smem:$0x3FB1] =	sst s5  }
0xe: {  	[smem:$0x3FB2] =	sst s6  }
0xf: {  	[smem:$0x3FB3] =	sst s7  }
0x10: {  	[smem:$0x3FB4] =	sst s8  }
0x11: {  	[smem:$0x3FB5] =	sst s9;
	s0 =	simm.s32 @!p0 $0x0  }
0x12: {  	s1 =	sld [smem:$0x3F9B];
	s0 =	simm.s32 @p0 $0x1  }
0x13: {  	[smem:$0x3FB6] =	sst s0;
	s0 =	simm.s32 @!p1 $0x0  }
0x14: {  	s2 =	sld [smem:$0x3F9A];
	s0 =	simm.s32 @p1 $0x1  }
0x15: {  	[smem:$0x3FB7] =	sst s0;
	s0 =	simm.s32 @!p2 $0x0  }
0x16: {  	s3 =	sld [smem:$0x3FDB];
	s0 =	simm.s32 @p2 $0x1  }
0x17: {  	s4 =	simm.s32 $0x1BF5;
	[smem:$0x3FB9] =	sst s0  }
0x18: {  	s0 =	sld [smem:$0x3F9C];
	_ =	swait.ge [sflag:s4], $0x0  }
0x19: {  	s7 =	sld [smem:$0x3F9D]  }
0x1a: {  	s8 =	sadd.s32 $0xFFFFE003, lr  }
0x1b: {  	s9 =	sadd.s32 $0xFFFFFEF7, lr;
	s5 =	simm.s32 $0xFFFFFFFF;
	p2 =	slt.u32 s8, $0xFFFFF086  }
0x1c: {  	p1 =	slt.u32 s9, $0xF7A;
	s5 =	simm.s32 @!p2 $0x0  }
0x1d: {  	s5 =	simm.s32 @p1 $0x1;
	p0 =	seq.s32 s7, s2  }
0x1e: {  	s7 =	smul.u32 @!p0 $0xF7A, s2;
	p2 =	seq.s32 @!p0 s5, $0x0  }
0x1f: {  	s9 =	smul.u32 $0xF7A, s1;
	s8 =	simm.s32 @!p0 $0x1BF5;
	p2 =	por !p2, p0  }
0x20: {  	[sflag:s8] =	ssyncset.s32 @!p0 $0xFFFFF086;
	s6 =	sadd.s32 @!p0 s3, s7;
	s7 =	simm.s32 @!p0 $0x108  }
0x21: {  	s3 =	sadd.s32 s3, s9;
	s6 =	sadd.s32 @!p0 $0x88, s6;
	s7 =	simm.s32 @p2 $0x1082  }
0x22: {  	[simem:s7], [sflag:s8] =	dma.local @!p0 [hbm:s6], $0xF7A  }
0x23: {  	s9 =	sor.u32 $0xD0000000, s2;
	s6 =	simm.s32 $0x108;
	_ =	swait.ge @!p0 [sflag:s8], $0x0  }
0x24: {  	s3 =	sadd.s32 $0x88, s3;
	s6 =	simm.s32 @!p1 $0x1082;
	[sflag:s4] =	ssyncset.s32 $0xFFFFF086  }
0x25: {  	[simem:s6], [sflag:s4] =	dma.local [hbm:s3], $0xF7A  }
0x26: {  	[smem:$0x3F9D] =	sst s1;
	(tag) =	ssettag s2;
	_ =	strace s9  }
0x27: {  	s1 =	sld [smem:$0x3FAD]  }
0x28: {  	s2 =	sld [smem:$0x3FAE]  }
0x29: {  	s4 =	sld [smem:$0x3FB0]  }
0x2a: {  	p0 =	seq.s32 s5, $0x0;
	s5 =	sld [smem:$0x3FB1]  }
0x2b: {  	s6 =	sld [smem:$0x3FB2]  }
0x2c: {  	s7 =	sld [smem:$0x3FB3]  }
0x2d: {  	s3 =	simm.s32 $0x108;
	s8 =	sld [smem:$0x3FB4]  }
0x2e: {  	s3 =	simm.s32 @!p0 $0x1082;
	s9 =	sld [smem:$0x3FB5]  }
0x2f: {  	lr =	sadd.s32 s0, s3;
	s0 =	sld [smem:$0x3FAC]  }
0x30: {  	s3 =	sld [smem:$0x3FAF]  }
0x31: {  	[smem:$0x3FB8] =	sst s10  }
0x32: {  	s10 =	sld [smem:$0x3FB6];
	_ =	sdelay $0x3  }
0x33: {  	p0 =	seq.s32 s10, $0x1;
	s10 =	sld [smem:$0x3FB8];
	_ =	sdelay $0x3  }
0x34: {  	[smem:$0x3FB8] =	sst s10  }
0x35: {  	s10 =	sld [smem:$0x3FB7];
	_ =	sdelay $0x3  }
0x36: {  	p1 =	seq.s32 s10, $0x1;
	s10 =	sld [smem:$0x3FB8];
	_ =	sdelay $0x3  }
0x37: {  	[smem:$0x3FB8] =	sst s10  }
0x38: {  	s10 =	sld [smem:$0x3FB9]  }
0x39: {  	_ = 	snop;
	(pc) =	sbr.ind lr, $3  }
0x3a: {  	_ = 	snop  }
0x3b: {  	_ = 	snop  }
0x3c: {  	p2 =	seq.s32 s10, $0x1;
	s10 =	sld [smem:$0x3FB8]  }
0x3d: {  	_ =	shalt  }
0x3e: {  	_ =	shalt  }
0x3f: {  	_ =	shalt  }
0x40: {  	_ =	shalt  }
0x41: {  	_ =	shalt  }
0x42: {  	_ =	shalt  }
0x43: {  	_ =	shalt  }
0x44: {  	_ =	shalt  }
0x45: {  	_ =	shalt  }
0x46: {  	_ =	shalt  }
0x47: {  	_ =	shalt  }
0x48: {  	_ =	shalt  }
0x49: {  	_ =	shalt  }
0x4a: {  	_ =	shalt  }
0x4b: {  	_ =	shalt  }
0x4c: {  	_ =	shalt  }
0x4d: {  	_ =	shalt  }
0x4e: {  	_ =	shalt  }
0x4f: {  	_ =	shalt  }
0x50: {  	_ =	shalt  }
0x51: {  	_ =	shalt  }
0x52: {  	_ =	shalt  }
0x53: {  	_ =	shalt  }
0x54: {  	_ =	shalt  }
0x55: {  	_ =	shalt  }
0x56: {  	_ =	shalt  }
0x57: {  	_ =	shalt  }
0x58: {  	_ =	shalt  }
0x59: {  	_ =	shalt  }
0x5a: {  	_ =	shalt  }
0x5b: {  	_ =	shalt  }
0x5c: {  	_ =	shalt  }
0x5d: {  	_ =	shalt  }
0x5e: {  	_ =	shalt  }
0x5f: {  	_ =	shalt  }
0x60: {  	_ =	shalt  }
0x61: {  	_ =	shalt  }
0x62: {  	_ =	shalt  }
0x63: {  	_ =	shalt  }
0x64: {  	_ =	shalt  }
0x65: {  	_ =	shalt  }
0x66: {  	_ =	shalt  }
0x67: {  	_ =	shalt  }
0x68: {  	_ =	shalt  }
0x69: {  	_ =	shalt  }
0x6a: {  	_ =	shalt  }
0x6b: {  	_ =	shalt  }
0x6c: {  	_ =	shalt  }
0x6d: {  	_ =	shalt  }
0x6e: {  	_ =	shalt  }
0x6f: {  	_ =	shalt  }
0x70: {  	_ =	shalt  }
0x71: {  	_ =	shalt  }
0x72: {  	_ =	shalt  }
0x73: {  	_ =	shalt  }
0x74: {  	_ =	shalt  }
0x75: {  	_ =	shalt  }
0x76: {  	_ =	shalt  }
0x77: {  	_ =	shalt  }
0x78: {  	_ =	shalt  }
0x79: {  	_ =	shalt  }
0x7a: {  	_ =	shalt  }
0x7b: {  	_ =	shalt  }
0x7c: {  	_ =	shalt  }
0x7d: {  	_ =	shalt  }
0x7e: {  	_ =	shalt  }
0x7f: {  	_ =	shalt  }
0x80: {  	_ =	shalt  }
0x81: {  	_ =	shalt  }
0x82: {  	_ =	shalt  }
0x83: {  	_ =	shalt  }
0x84: {  	_ =	shalt  }
0x85: {  	_ =	shalt  }
0x86: {  	_ =	shalt  }
0x87: {  	_ =	shalt  }
.Lfunc_end0:
.L_simem_size_0:
called_computation_lowered:
.L_overlay_start_0:
0x88: {  	s2 =	sld [smem:$0x3FD9]  }
0x89: {  	s3 =	sld [smem:$0x3FFE];
	_ =	sdelay $0x1  }
0x8a: {  	s1 =	srdreg.scid  }
0x8b: {  	s0 =	sand.u32 $0x1, s1  }
0x8c: {  	s18 =	sshll.u32 s0, $0xA;
	s2 =	sadd.s32 s3, s2  }
0x8d: {  	s2 =	sadd.s32 s2, s18  }
0x8e: {  	[smem:$0x3FC4] =	sst s2  }
0x8f: {  	_ = 	snop  }
0x90: {  	s2 =	sld [smem:$0x3FC9]  }
0x91: {  	s19 =	sld [smem:$0x3FC8]  }
0x92: {  	s4 =	sld [smem:$0x3FC7]  }
0x93: {  	s5 =	sld [smem:$0x3FC6]  }
0x94: {  	s6 =	sld [smem:$0x3FD0];
	(tm) =	ssettm $0x1  }
0x95: {  	s7 =	sld [smem:$0x3FFB];
	_ =	sdelay $0x3  }
0x96: {  	_ =	strace s7  }
0x97: {  	s7 =	sld [smem:$0x3FFC];
	_ =	sdelay $0x3  }
0x98: {  	_ =	strace s7  }
0x99: {  	s7 =	sld [smem:$0x3FFD];
	_ =	sdelay $0x3  }
0x9a: {  	_ =	strace s7  }
0x9b: {  	_ =	strace $0x8FFFFFFF  }
0x9c: {  	s20 =	sld [smem:$0x3FDB];
	_ =	sdelay $0x1  }
0x9d: {  	s8 =	simm.s32 $_scs_section_size  }
0x9e: {  	s9 =	simm.s32 $_size__tile_overlayer_lowered;
	s10 =	simm.s32 $_tile_overlayer_lowered  }
0x9f: {  	s23 =	simm.s32 $0x1BFF;
	s22 =	sshll.u32 s10, $0x1;
	s7 =	sadd.s32 s8, s20  }
0xa0: {  	s11 =	simm.s32 $0x0;
	s21 =	sshll.u32 s9, $0x1;
	s9 =	sadd.s32 s22, s7  }
0xa1: {  	[timem:s11], [sflag:s23] =	dma.local [hbm:s9], s21  }
0xa2: {  	_ =	swait.ge [sflag:s23], s21  }
0xa3: {  	s8 =	ssub.s32 $0x0, s21;
	[sflag:s23] =	ssyncset.done $0x0  }
0xa4: {  	[sflag:s23] =	ssyncadd.s32 s8;
	_ =	sdelay $0x1  }
0xa5: {  	s24 =	simm.s32 $0x1B8B  }
0xa6: {  	_ =	swait.ge [sflag:s24], $0x1  }
0xa7: {  	[sflag:s24] =	ssyncset.done $0x0  }
0xa8: {  	s25 =	simm.s32 $0x1B8E;
	[sflag:s24] =	ssyncadd.s32 $0xFFFFFFFF  }
0xa9: {  	s26 =	simm.s32 $execute0_lowered;
	[smem:$0x3FD2] =	sst s25  }
0xaa: {  	s8 =	sshll.u32 s26, $0x1;
	_ =	strace $0x80000046;
	[dreg:$0x1] =	wrdreg $0xFFFFFFFF  }
0xab: {  	s28 =	simm.s32 $_size_execute0_lowered;
	s7 =	sadd.s32 s7, s8;
	[dreg:$0x0] =	wrdreg $0x0  }
0xac: {  	s8 =	sshll.u32 s28, $0x1;
	[dreg:$0x2] =	wrdreg s7  }
0xad: {  	[dreg:$0x3] =	wrdreg s8  }
0xae: {  	[dreg:$0x4] =	wrdreg $0xC0  }
0xaf: {  	_ =	task [dreg:s11], $0x5FFFF  }
0xb0: {  	[dreg:$0x1] =	wrdreg $0xFFFFFFFF  }
0xb1: {  	[dreg:$0x0] =	wrdreg $0x60  }
0xb2: {  	[dreg:$0x2] =	wrdreg s2  }
0xb3: {  	[dreg:$0x3] =	wrdreg s19  }
0xb4: {  	[dreg:$0x4] =	wrdreg s4  }
0xb5: {  	[dreg:$0x5] =	wrdreg s5  }
0xb6: {  	[dreg:$0x6] =	wrdreg s6  }
0xb7: {  	[dreg:$0x7] =	wrdreg $0x9  }
0xb8: {  	_ =	task.clear_ibuf [dreg:s11], $0x8FFFF;
	_ =	strace $0x90000046  }
0xb9: {  	s29 =	simm.s32 $0x9;
	_ =	strace $0x80000048  }
0xba: {  	_ =	swait.ge [sflag:s29], $0x1  }
0xbb: {  	[sflag:s29] =	ssyncadd.s32 $0xFFFFFFFF  }
0xbc: {  	_ =	strace $0x90000048  }
0xbd: {  	_ =	sfence  }
0xbe: {  	s30 =	sld [smem:$0x0];
	_ =	sdelay $0x2  }
0xbf: {  	s31 =	sshll.u32 s1, $0xD;
	s1 =	sshrl.u32 s1, $0x2  }
0xc0: {  	s3 =	sand.u32 $0x4000, s31;
	s1 =	sadd.s32 s1, s30  }
0xc1: {  	s0 =	sor.u32 s3, s0;
	s1 =	sshll.u32 s1, $0x11  }
0xc2: {  	s0 =	sor.u32 s1, s0  }
0xc3: {  	s0 =	sadd.s32 $0x8F2B, s0  }
0xc4: {  	[sflag:s0] =	ssyncadd.remote.s32 $0x1  }
0xc5: {  	_ =	sfence.sel $0xFFFF  }
0xc6: {  	[dreg:$0x0] =	wrdreg $0xFFFFFFFF;
	(pc) =	sbr.abs _section_cstart, $3  }
0xc7: {  	[dreg:$0x1] =	wrdreg $0xFFFFFFFF  }
0xc8: {  	_ =	task.clear_ibuf [dreg:s11], $0x2FFFF;
	_ =	strace $0x9FFFFFFF  }
0xc9: {  	(tm) =	ssettm $0x7FFFFFFF  }
tec
execute0_lowered:
.L_overlay_start_1:
0x0: {  	(tag) =	ssettag $0x1  }
0x1: {  	s0 =	rddreg [dreg:$0x0]  }
0x2: {  	s3 =	rddreg [dreg:$0x1]  }
0x3: {  	s1 =	rddreg [dreg:$0x2]  }
0x4: {  	s2 =	rddreg [dreg:$0x3]  }
0x5: {  	s13 =	rddreg [dreg:$0x4]  }
0x6: {  	s5 =	srdreg.scid;
	s4 =	simm.s32 $0x0;
	s7 =	stileid.u32  }
0x7: {  	s16 =	simm.s32 $0x80;
	s22 =	simm.s32 $0x1;
	s30 =	simm.s32 $0x2  }
0x8: {  	s31 =	simm.s32 $0x18600;
	s26 =	simm.s32 $0x5;
	s5 =	sand.u32 $0x1, s5  }
0x9: {  	v0 =	vlaneseq.u32;
	s28 =	simm.s32 $0x0;
	s7 =	sshll.u32 s7, $0x7;
	s6 =	ssub.s32 $0x2, s5  }
0xa: {  	[smem:$0x7FF] =	sst s4;
	v0 =	vmul.u32 $0x11, v0;
	s5 =	sshll.u32 s5, $0x6;
	s8 =	sshrl.u32 s6, $0x1  }
0xb: {  	_ =	strace $0x80000047;
	s14 =	sor.u32 s5, s7;
	s15 =	ssub.s32 s6, s8  }
0xc: {  	v1 =	vadd.s32 $0x1, v0;
	v2 =	vadd.s32 $0x2, v0;
	v3 =	vadd.s32 $0x3, v0;
	s29 =	sor.u32 $0x10, s14;
	s5 =	sadd.s32 s0, s14;
	s6 =	sadd.s32 s3, s14  }
0xd: {  	v4 =	vadd.s32 $0x4, v0;
	v5 =	vadd.s32 $0x5, v0;
	v6 =	vadd.s32 $0x6, v0;
	s10 =	sor.u32 $0x20, s14;
	s12 =	sor.u32 $0x30, s14;
	s13 =	sadd.s32 s13, s14  }
0xe: {  	v7 =	vadd.s32 $0x7, v0;
	v8 =	vadd.s32 $0x8, v0;
	v9 =	vadd.s32 $0x9, v0;
	s7 =	sadd.s32 s0, s29;
	s8 =	sadd.s32 s3, s29;
	s9 =	sadd.s32 s0, s10  }
0xf: {  	v10 =	vadd.s32 $0xA, v0;
	v11 =	vadd.s32 $0xB, v0;
	v12 =	vadd.s32 $0xC, v0;
	s10 =	sadd.s32 s3, s10;
	s11 =	sadd.s32 s0, s12;
	s12 =	sadd.s32 s3, s12  }
0x10: {  	v13 =	vadd.s32 $0xD, v0;
	v14 =	vadd.s32 $0xE, v0;
	v15 =	vadd.s32 $0xF, v0;
	s14 =	smax.u32 s15, $0x1;
	s0 =	simm.s32 $0x3;
	s3 =	simm.s32 $0x4  }
.LBB2_1:
0x11: {  	[tilespmem:s4], [sflag:$0x1] =	stream.linear.gather [hbm4b:s5+s4], $0x80, $0x38;
	[tilespmem:$0x18E80] =	vst v63  }
0x12: {  	s15 =	simm.s32 $0x200  }
0x13: {  	[tilespmem:s15], [sflag:$0x1] =	stream.linear.gather [hbm4b:s6+s4], $0x80, $0x38;
	[tilespmem:$0x18E80] =	vst v63  }
0x14: {  	_ = 	snop  }
0x15: {  	[tilespmem:s16], [sflag:$0x1] =	stream.linear.gather [hbm4b:s7+s4], $0x80, $0x38;
	[tilespmem:$0x18E80] =	vst v63  }
0x16: {  	s17 =	simm.s32 $0x280  }
0x17: {  	[tilespmem:s17], [sflag:$0x1] =	stream.linear.gather [hbm4b:s8+s4], $0x80, $0x38;
	[tilespmem:$0x18E80] =	vst v63  }
0x18: {  	s18 =	simm.s32 $0x100  }
0x19: {  	[tilespmem:s18], [sflag:$0x1] =	stream.linear.gather [hbm4b:s9+s4], $0x80, $0x38;
	[tilespmem:$0x18E80] =	vst v63  }
0x1a: {  	s19 =	simm.s32 $0x300  }
0x1b: {  	[tilespmem:s19], [sflag:$0x1] =	stream.linear.gather [hbm4b:s10+s4], $0x80, $0x38;
	[tilespmem:$0x18E80] =	vst v63  }
0x1c: {  	s20 =	simm.s32 $0x180  }
0x1d: {  	[tilespmem:s20], [sflag:$0x1] =	stream.linear.gather [hbm4b:s11+s4], $0x80, $0x38;
	[tilespmem:$0x18E80] =	vst v63  }
0x1e: {  	s23 =	simm.s32 $0x380  }
0x1f: {  	[tilespmem:s23], [sflag:$0x1] =	stream.linear.gather [hbm4b:s12+s4], $0x80, $0x38;
	[tilespmem:$0x18E80] =	vst v63  }
0x20: {  	_ =	swait.ge [sflag:s22], $0x80  }
0x21: {  	[sflag:s22] =	ssyncset.done $0x0  }
0x22: {  	[sflag:s22] =	ssyncadd.s32 $0xFFFFFF80  }
0x23: {  	_ =	swait.ge [sflag:s22], $0x80  }
0x24: {  	[sflag:s22] =	ssyncset.done $0x0  }
0x25: {  	[sflag:s22] =	ssyncadd.s32 $0xFFFFFF80  }
0x26: {  	_ =	swait.ge [sflag:s22], $0x80  }
0x27: {  	[sflag:s22] =	ssyncset.done $0x0  }
0x28: {  	[sflag:s22] =	ssyncadd.s32 $0xFFFFFF80  }
0x29: {  	_ =	swait.ge [sflag:s22], $0x80  }
0x2a: {  	[sflag:s22] =	ssyncset.done $0x0  }
0x2b: {  	[sflag:s22] =	ssyncadd.s32 $0xFFFFFF80  }
0x2c: {  	_ =	swait.ge [sflag:s22], $0x80  }
0x2d: {  	[sflag:s22] =	ssyncset.done $0x0  }
0x2e: {  	[sflag:s22] =	ssyncadd.s32 $0xFFFFFF80  }
0x2f: {  	_ =	swait.ge [sflag:s22], $0x80  }
0x30: {  	[sflag:s22] =	ssyncset.done $0x0  }
0x31: {  	[sflag:s22] =	ssyncadd.s32 $0xFFFFFF80  }
0x32: {  	_ =	swait.ge [sflag:s22], $0x80  }
0x33: {  	[sflag:s22] =	ssyncset.done $0x0  }
0x34: {  	[sflag:s22] =	ssyncadd.s32 $0xFFFFFF80  }
0x35: {  	_ =	swait.ge [sflag:s22], $0x80  }
0x36: {  	[sflag:s22] =	ssyncset.done $0x0  }
0x37: {  	s24 =	simm.s32 $0x400;
	[sflag:s22] =	ssyncadd.s32 $0xFFFFFF80  }
0x38: {  	[tilespmem:s24], [sflag:$0x2] =	stream.indirect.gather [hbm4b:s1+s16], $0x80, s4, s16, $0xb8;
	[tilespmem:$0x18E80] =	vst v63  }
0x39: {  	s25 =	simm.s32 $0xC400  }
0x3a: {  	[tilespmem:s25], [sflag:$0x2] =	stream.indirect.gather [hbm4b:s2+s16], $0x80, s15, s16, $0xb8;
	[tilespmem:$0x18E80] =	vst v63  }
0x3b: {  	s21 =	simm.s32 $0x4400  }
0x3c: {  	[tilespmem:s21], [sflag:$0x3] =	stream.indirect.gather [hbm4b:s1+s16], $0x80, s16, s16, $0xb8;
	[tilespmem:$0x18E80] =	vst v63  }
0x3d: {  	s23 =	simm.s32 $0x10400  }
0x3e: {  	[tilespmem:s23], [sflag:$0x3] =	stream.indirect.gather [hbm4b:s2+s16], $0x80, s17, s16, $0xb8;
	[tilespmem:$0x18E80] =	vst v63  }
0x3f: {  	s24 =	simm.s32 $0x8400  }
0x40: {  	[tilespmem:s24], [sflag:$0x4] =	stream.indirect.gather [hbm4b:s1+s16], $0x80, s18, s16, $0xb8;
	[tilespmem:$0x18E80] =	vst v63  }
0x41: {  	s25 =	simm.s32 $0x14400  }
0x42: {  	[tilespmem:s25], [sflag:$0x4] =	stream.indirect.gather [hbm4b:s2+s16], $0x80, s19, s16, $0xb8;
	[tilespmem:$0x18E80] =	vst v63  }
0x43: {  	_ =	swait.ge [sflag:s30], $0x4000  }
0x44: {  	[sflag:s30] =	ssyncset.done $0x0  }
0x45: {  	[sflag:s30] =	ssyncadd.s32 $0xFFFFC000  }
0x46: {  	_ =	swait.ge [sflag:s30], $0x4000  }
0x47: {  	s29 =	simm.s32 $0x500;
	s21 =	simm.s32 $0x18622;
	[sflag:s30] =	ssyncset.done $0x0  }
0x48: {  	s17 =	simm.s32 $0x0;
	s25 =	simm.s32 $0xC500;
	[sflag:s30] =	ssyncadd.s32 $0xFFFFC000  }
.LBB2_2:
0x49: {  	v16 =	vld [tilespmem:s29+$0x80]  }
0x4a: {  	v18 =	vld [tilespmem:s25+$0x80]  }
0x4b: {  	v19 =	vld [tilespmem:s29+$0x90]  }
0x4c: {  	v20 =	vld [tilespmem:s25+$0x90]  }
0x4d: {  	v21 =	vld [tilespmem:s29+$0xA0]  }
0x4e: {  	v22 =	vld [tilespmem:s25+$0xA0]  }
0x4f: {  	v23 =	vld [tilespmem:s29+$0xB0]  }
0x50: {  	v24 =	vld [tilespmem:s25+$0xB0]  }
0x51: {  	v25 =	vld [tilespmem:s29+$0xC0]  }
0x52: {  	v26 =	vld [tilespmem:s25+$0xC0]  }
0x53: {  	v27 =	vld [tilespmem:s29+$0xD0]  }
0x54: {  	v28 =	vld [tilespmem:s25+$0xD0]  }
0x55: {  	v29 =	vld [tilespmem:s29+$0xE0]  }
0x56: {  	v30 =	vld [tilespmem:s25+$0xE0]  }
0x57: {  	v31 =	vld [tilespmem:s29+$0xF0]  }
0x58: {  	v32 =	vld [tilespmem:s25+$0xF0]  }
0x59: {  	v17 =	vld [tilespmem:s25+$0xFFFFFF00]  }
0x5a: {  	v33 =	vld [tilespmem:s29+$0xFFFFFF10]  }
0x5b: {  	v34 =	vld [tilespmem:s25+$0xFFFFFF10]  }
0x5c: {  	v35 =	vld [tilespmem:s29+$0xFFFFFF20]  }
0x5d: {  	v59 =	vld [tilespmem:s29+$0xFFFFFFA0]  }
0x5e: {  	v54 =	vld [tilespmem:s29+$0xFFFFFF00]  }
0x5f: {  	v60 =	vld [tilespmem:s25+$0xFFFFFFA0];
	v16 =	vadd.f32 v18, v16;
	v18 =	vadd.f32 v20, v19  }
0x60: {  	v62 =	vld [tilespmem:s29+$0xFFFFFFB0];
	v20 =	vadd.f32 v22, v21;
	v21 =	vadd.f32 v24, v23  }
0x61: {  	v22 =	vld [tilespmem:s29+$0xFFFFFF30];
	v23 =	vadd.f32 v26, v25;
	v25 =	vadd.f32 v28, v27  }
0x62: {  	v24 =	vld [tilespmem:s25+$0xFFFFFF30];
	v27 =	vadd.f32 v30, v29;
	v29 =	vadd.f32 v32, v31  }
0x63: {  	v26 =	vld [tilespmem:s29+$0xFFFFFF40];
	v17 =	vadd.f32 v17, v54;
	v16 =	vsub.f32 $0.0e+00, v16  }
0x64: {  	v28 =	vld [tilespmem:s25+$0xFFFFFF40];
	v18 =	vsub.f32 $0.0e+00, v18;
	v20 =	vsub.f32 $0.0e+00, v20  }
0x65: {  	v39 =	vld [tilespmem:s29+$0xFFFFFFD0];
	v21 =	vsub.f32 $0.0e+00, v21;
	v23 =	vsub.f32 $0.0e+00, v23  }
0x66: {  	v19 =	vld [tilespmem:s25+$0xFFFFFF20];
	v25 =	vsub.f32 $0.0e+00, v25;
	v27 =	vsub.f32 $0.0e+00, v27;
	v16 =	vmul.f32 $1.442695020e+00, v16  }
0x67: {  	v30 =	vld [tilespmem:s29+$0xFFFFFF50];
	v29 =	vsub.f32 $0.0e+00, v29;
	v18 =	vmul.f32 $1.442695020e+00, v18;
	v20 =	vmul.f32 $1.442695020e+00, v20  }
0x68: {  	v21 =	vmul.f32 $1.442695020e+00, v21;
	v23 =	vmul.f32 $1.442695020e+00, v23;
	v22 =	vadd.f32 v24, v22;
	v24 =	vld [tilespmem:s29+$0xFFFFFF90]  }
0x69: {  	v25 =	vmul.f32 $1.442695020e+00, v25;
	v26 =	vadd.f32 v28, v26;
	v28 =	vld [tilespmem:s25+$0xFFFFFF90];
	(erf) = vpow2.f32 v16  }
0x6a: {  	v17 =	vsub.f32 $0.0e+00, v17;
	v27 =	vmul.f32 $1.442695020e+00, v27;
	v16 =	vld [tilespmem:s25+$0xFFFFFF50];
	(erf) = vpow2.f32 v18  }
0x6b: {  	v29 =	vmul.f32 $1.442695020e+00, v29;
	v19 =	vadd.f32 v19, v35;
	v18 =	vld [tilespmem:s29+$0xFFFFFF60];
	(erf) = vpow2.f32 v20  }
0x6c: {  	v31 =	vadd.f32 v34, v33;
	v17 =	vmul.f32 $1.442695020e+00, v17;
	v20 =	vld [tilespmem:s25+$0xFFFFFF60];
	(erf) = vpow2.f32 v21  }
0x6d: {  	v40 =	vld [tilespmem:s25+$0xFFFFFFD0];
	v19 =	vsub.f32 $0.0e+00, v19;
	v22 =	vsub.f32 $0.0e+00, v22;
	(erf) = vpow2.f32 v23  }
0x6e: {  	v36 =	vld [tilespmem:s25+$0xFFFFFFB0];
	v26 =	vsub.f32 $0.0e+00, v26;
	v24 =	vadd.f32 v28, v24;
	(erf) = vpow2.f32 v25  }
0x6f: {  	v19 =	vmul.f32 $1.442695020e+00, v19;
	v25 =	vld [tilespmem:s29+$0xFFFFFF80];
	v16 =	vadd.f32 v16, v30;
	(erf) = vpow2.f32 v27  }
0x70: {  	v27 =	vld [tilespmem:s25+$0xFFFFFF80];
	v24 =	vsub.f32 $0.0e+00, v24;
	(erf) = vpow2.f32 v29;
	v29 =	vsub.f32 $0.0e+00, v31  }
0x71: {  	v38 =	vld [tilespmem:s25+$0xFFFFFFC0];
	v22 =	vmul.f32 $1.442695020e+00, v22;
	v16 =	vsub.f32 $0.0e+00, v16;
	v18 =	vadd.f32 v20, v18  }
0x72: {  	v43 =	vadd.f32 v40, v39;
	v21 =	vld [tilespmem:s29+$0xFFFFFF70];
	v26 =	vmul.f32 $1.442695020e+00, v26;
	v31 =	vpop (erf);
	v29 =	vmul.f32 $1.442695020e+00, v29  }
0x73: {  	v23 =	vld [tilespmem:s25+$0xFFFFFF70];
	v24 =	vmul.f32 $1.442695020e+00, v24;
	v16 =	vmul.f32 $1.442695020e+00, v16;
	v18 =	vsub.f32 $0.0e+00, v18;
	v30 =	vpop (erf)  }
0x74: {  	v63 =	vld [tilespmem:s25+$0x0];
	v20 =	vadd.f32 $1.000000000e+00, v31;
	(erf) = vpow2.f32 v29;
	v30 =	vadd.f32 $1.000000000e+00, v30  }
0x75: {  	v44 =	vld [tilespmem:s29+$0x20];
	v61 =	vpop (erf);
	v25 =	vadd.f32 v27, v25;
	v18 =	vmul.f32 $1.442695020e+00, v18;
	(erf) = vpow2.f32 v19  }
0x76: {  	v48 =	vld [tilespmem:s25+$0x30];
	v34 =	vadd.f32 $1.000000000e+00, v61;
	v29 =	vpop (erf);
	(erf) = vpow2.f32 v22;
	v20 =	vmul.f32 v30, v20  }
0x77: {  	v30 =	vld [tilespmem:s29+$0x0];
	v25 =	vsub.f32 $0.0e+00, v25;
	v19 =	vpop (erf);
	v29 =	vadd.f32 $1.000000000e+00, v29;
	(erf) = vpow2.f32 v26  }
0x78: {  	v27 =	vld [tilespmem:s25+$0xFFFFFFE0];
	v37 =	vpop (erf);
	v19 =	vadd.f32 $1.000000000e+00, v19;
	(erf) = vpow2.f32 v16;
	v16 =	vadd.f32 v23, v21  }
0x79: {  	v23 =	vld [tilespmem:s29+$0xFFFFFFE0];
	v25 =	vmul.f32 $1.442695020e+00, v25;
	v22 =	vpop (erf);
	v37 =	vadd.f32 $1.000000000e+00, v37;
	v21 =	vmul.f32 v29, v34  }
0x7a: {  	(erf) = vpow2.f32 v18;
	v18 =	vld [tilespmem:s25+$0x20];
	v34 =	vsub.f32 $0.0e+00, v43;
	v26 =	vpop (erf);
	v16 =	vsub.f32 $0.0e+00, v16  }
0x7b: {  	v41 =	vld [tilespmem:s25+$0x40];
	v22 =	vadd.f32 $1.000000000e+00, v22;
	v26 =	vadd.f32 $1.000000000e+00, v26;
	v19 =	vmul.f32 v37, v19  }
0x7c: {  	v51 =	vld [tilespmem:s29+$0x60];
	v20 =	vmul.f32 v21, v20;
	v30 =	vadd.f32 v63, v30;
	v16 =	vmul.f32 $1.442695020e+00, v16  }
0x7d: {  	v28 =	vadd.f32 v60, v59;
	v31 =	vld [tilespmem:s29+$0xFFFFFFC0];
	v34 =	vmul.f32 $1.442695020e+00, v34;
	v22 =	vmul.f32 v26, v22  }
0x7e: {  	v29 =	vld [tilespmem:s25+$0xFFFFFFF0];
	v33 =	vpop (erf);
	v23 =	vadd.f32 v27, v23;
	v30 =	vsub.f32 $0.0e+00, v30;
	(erf) = vpow2.f32 v16  }
0x7f: {  	v26 =	vld [tilespmem:s29+$0xFFFFFFF0];
	v45 =	vpop (erf);
	v18 =	vadd.f32 v18, v44;
	v19 =	vmul.f32 v22, v19;
	v22 =	vadd.f32 v36, v62  }
0x80: {  	v52 =	vld [tilespmem:s29+$0x70];
	v46 =	vpop (erf);
	v36 =	vadd.f32 $1.000000000e+00, v45;
	v23 =	vsub.f32 $0.0e+00, v23;
	(erf) = vpow2.f32 v25  }
0x81: {  	v27 =	vld [tilespmem:s29+$0x30];
	v37 =	vadd.f32 $1.000000000e+00, v46;
	(erf) = vpow2.f32 v24;
	v18 =	vsub.f32 $0.0e+00, v18  }
0x82: {  	v47 =	vpop (erf);
	v24 =	vld [tilespmem:s25+$0x60];
	v21 =	vmul.f32 v19, v20;
	v19 =	vsub.f32 $0.0e+00, v28;
	v28 =	vadd.f32 v38, v31  }
0x83: {  	v30 =	vmul.f32 $1.442695020e+00, v30;
	v20 =	vld [tilespmem:s29+$0x10];
	v22 =	vsub.f32 $0.0e+00, v22;
	v16 =	vpop (erf);
	v38 =	vadd.f32 $1.000000000e+00, v47  }
0x84: {  	v31 =	vld [tilespmem:s25+$0x10];
	v23 =	vmul.f32 $1.442695020e+00, v23;
	v26 =	vadd.f32 v29, v26;
	v49 =	vadd.f32 $1.000000000e+00, v16  }
0x85: {  	v29 =	vld [tilespmem:s29+$0x40];
	v16 =	vmul.f32 v37, v36;
	v18 =	vmul.f32 $1.442695020e+00, v18;
	v28 =	vsub.f32 $0.0e+00, v28  }
0x86: {  	v53 =	vld [tilespmem:s25+$0x70];
	s18 =	sadd.s32 $0x200, s25;
	v19 =	vmul.f32 $1.442695020e+00, v19;
	v22 =	vmul.f32 $1.442695020e+00, v22  }
0x87: {  	s15 =	sadd.s32 $0x200, s29;
	v55 =	vld [tilespmem:s18+$0x80];
	v26 =	vsub.f32 $0.0e+00, v26;
	v50 =	vmul.f32 v49, v38;
	v28 =	vmul.f32 $1.442695020e+00, v28  }
0x88: {  	v56 =	vld [tilespmem:s15+$0xA0];
	(erf) = vpow2.f32 v19;
	v19 =	vadd.f32 v48, v27;
	v27 =	vpop (erf);
	v24 =	vadd.f32 v24, v51  }
0x89: {  	v25 =	vld [tilespmem:s29+$0x50];
	v20 =	vadd.f32 v31, v20;
	v26 =	vmul.f32 $1.442695020e+00, v26;
	v27 =	vadd.f32 $1.000000000e+00, v27  }
0x8a: {  	v31 =	vld [tilespmem:s25+$0x50];
	(erf) = vpow2.f32 v22;
	v19 =	vsub.f32 $0.0e+00, v19;
	v22 =	vadd.f32 v41, v29  }
0x8b: {  	v57 =	vld [tilespmem:s18+$0xA0];
	v29 =	vpop (erf);
	(erf) = vpow2.f32 v28;
	v24 =	vsub.f32 $0.0e+00, v24;
	v20 =	vsub.f32 $0.0e+00, v20  }
0x8c: {  	v28 =	vld [tilespmem:s15+$0x80];
	v29 =	vadd.f32 $1.000000000e+00, v29;
	(erf) = vpow2.f32 v34;
	v19 =	vmul.f32 $1.442695020e+00, v19  }
0x8d: {  	v58 =	vld [tilespmem:s15+$0xB0];
	(erf) = vpow2.f32 v23;
	v24 =	vmul.f32 $1.442695020e+00, v24  }
0x8e: {  	v42 =	vld [tilespmem:s18+$0xD0];
	v22 =	vsub.f32 $0.0e+00, v22;
	v20 =	vmul.f32 $1.442695020e+00, v20;
	v27 =	vmul.f32 v29, v27  }
0x8f: {  	v54 =	vld [tilespmem:s15+$0xFFFFFF30];
	(erf) = vpow2.f32 v26;
	v26 =	vadd.f32 v53, v52;
	v25 =	vadd.f32 v31, v25;
	v31 =	vpop (erf)  }
0x90: {  	v23 =	vld [tilespmem:s15+$0x90];
	(erf) = vpow2.f32 v30;
	v22 =	vmul.f32 $1.442695020e+00, v22;
	v29 =	vadd.f32 $1.000000000e+00, v31  }
0x91: {  	v31 =	vld [tilespmem:s18+$0x90];
	v30 =	vpop (erf);
	v26 =	vsub.f32 $0.0e+00, v26;
	(erf) = vpow2.f32 v20;
	v28 =	vadd.f32 v55, v28  }
0x92: {  	v60 =	vld [tilespmem:s18+$0xB0];
	v25 =	vsub.f32 $0.0e+00, v25;
	v30 =	vadd.f32 $1.000000000e+00, v30;
	(erf) = vpow2.f32 v18  }
0x93: {  	v63 =	vld [tilespmem:s18+$0xC0];
	v59 =	vpop (erf);
	v26 =	vmul.f32 $1.442695020e+00, v26;
	(erf) = vpow2.f32 v19;
	v28 =	vsub.f32 $0.0e+00, v28  }
0x94: {  	v45 =	vld [tilespmem:s15+$0xD0];
	v25 =	vmul.f32 $1.442695020e+00, v25;
	v20 =	vadd.f32 $1.000000000e+00, v59;
	v61 =	vpop (erf);
	v29 =	vmul.f32 v30, v29  }
0x95: {  	v49 =	vld [tilespmem:s18+$0xE0];
	(erf) = vpow2.f32 v22;
	v38 =	vadd.f32 $1.000000000e+00, v61;
	v62 =	vpop (erf);
	v28 =	vmul.f32 $1.442695020e+00, v28  }
0x96: {  	v18 =	vld [tilespmem:s15+$0xC0];
	v19 =	vadd.f32 $1.000000000e+00, v62;
	v30 =	vpop (erf);
	(erf) = vpow2.f32 v17;
	v23 =	vadd.f32 v31, v23  }
0x97: {  	v51 =	vld [tilespmem:s18+$0xFFFFFF10];
	v17 =	vmul.f32 v27, v50;
	v31 =	vadd.f32 v60, v58;
	v22 =	vadd.f32 $1.000000000e+00, v30  }
0x98: {  	v30 =	vmul.f32 v38, v20;
	v46 =	vpop (erf);
	v20 =	vadd.f32 $1.000000000e+00, v33;
	(erf) = vpow2.f32 v25;
	v25 =	vld [tilespmem:s15+$0xE0]  }
0x99: {  	v52 =	vld [tilespmem:s15+$0xFFFFFF20];
	v27 =	vpop (erf);
	v47 =	vadd.f32 $1.000000000e+00, v46;
	(erf) = vpow2.f32 v24;
	v23 =	vsub.f32 $0.0e+00, v23  }
0x9a: {  	v53 =	vld [tilespmem:s18+$0xFFFFFF20];
	v31 =	vsub.f32 $0.0e+00, v31;
	v48 =	vmul.f32 v22, v19;
	v27 =	vadd.f32 $1.000000000e+00, v27;
	v19 =	vpop (erf)  }
0x9b: {  	v24 =	vld [tilespmem:s15+$0xF0];
	(erf) = vpow2.f32 v26;
	v26 =	vadd.f32 v63, v18;
	v22 =	vadd.f32 $1.000000000e+00, v19  }
0x9c: {  	v19 =	vmul.f32 v30, v29;
	v29 =	vld [tilespmem:s18+$0xF0];
	v30 =	vadd.f32 v57, v56;
	v27 =	vmul.f32 v27, v47  }
0x9d: {  	v59 =	vld [tilespmem:s18+$0xFFFFFF50];
	v23 =	vmul.f32 $1.442695020e+00, v23;
	(erf) = vpow2.f32 v28;
	v25 =	vadd.f32 v49, v25  }
0x9e: {  	v50 =	vld [tilespmem:s15+$0xFFFFFF10];
	v18 =	vmul.f32 v27, v48;
	v27 =	vadd.f32 v42, v45;
	v30 =	vsub.f32 $0.0e+00, v30  }
0x9f: {  	v31 =	vmul.f32 $1.442695020e+00, v31;
	v26 =	vsub.f32 $0.0e+00, v26;
	v57 =	vld [tilespmem:s15+$0xFFFFFF50];
	v25 =	vsub.f32 $0.0e+00, v25  }
0xa0: {  	v28 =	vld [tilespmem:s18+$0xFFFFFF30];
	v55 =	vpop (erf);
	(erf) = vpow2.f32 v23;
	v30 =	vmul.f32 $1.442695020e+00, v30;
	v27 =	vsub.f32 $0.0e+00, v27  }
0xa1: {  	v23 =	vld [tilespmem:s15+$0xFFFFFF40];
	v26 =	vmul.f32 $1.442695020e+00, v26;
	v24 =	vadd.f32 v29, v24;
	v25 =	vmul.f32 $1.442695020e+00, v25  }
0xa2: {  	v37 =	vadd.f32 $1.000000000e+00, v55;
	v55 =	vld [tilespmem:s15+$0xFFFFFFA0];
	v29 =	vpop (erf);
	(erf) = vpow2.f32 v30;
	v27 =	vmul.f32 $1.442695020e+00, v27  }
0xa3: {  	v30 =	vld [tilespmem:s18+$0xFFFFFF40];
	v56 =	vpop (erf);
	v24 =	vsub.f32 $0.0e+00, v24;
	(erf) = vpow2.f32 v31;
	v31 =	vadd.f32 v51, v50  }
0xa4: {  	v48 =	vld [tilespmem:s18+$0xFFFFFFA0];
	v32 =	vadd.f32 v59, v57;
	v58 =	vpop (erf);
	(erf) = vpow2.f32 v26;
	v26 =	vadd.f32 v53, v52  }
0xa5: {  	v49 =	vld [tilespmem:s15+$0xFFFFFFB0];
	v60 =	vpop (erf);
	v24 =	vmul.f32 $1.442695020e+00, v24;
	(erf) = vpow2.f32 v27;
	v31 =	vsub.f32 $0.0e+00, v31  }
0xa6: {  	v38 =	vadd.f32 $1.000000000e+00, v56;
	v27 =	vadd.f32 v28, v54;
	v28 =	vld [tilespmem:s15+$0xFFFFFF60];
	v61 =	vpop (erf);
	(erf) = vpow2.f32 v25  }
0xa7: {  	v25 =	vsub.f32 $0.0e+00, v26;
	v26 =	vld [tilespmem:s18+$0xFFFFFF60];
	v62 =	vpop (erf);
	(erf) = vpow2.f32 v24;
	v31 =	vmul.f32 $1.442695020e+00, v31  }
0xa8: {  	v32 =	vsub.f32 $0.0e+00, v32;
	v50 =	vld [tilespmem:s18+$0xFFFFFFB0];
	v40 =	vpop (erf);
	v23 =	vadd.f32 v30, v23  }
0xa9: {  	v43 =	vld [tilespmem:s18+$0xFFFFFF80];
	v39 =	vadd.f32 v48, v55;
	v27 =	vsub.f32 $0.0e+00, v27;
	v25 =	vmul.f32 $1.442695020e+00, v25;
	v51 =	vpop (erf)  }
0xaa: {  	v63 =	vld [tilespmem:s15+$0xFFFFFF70];
	v44 =	vadd.f32 $1.000000000e+00, v58;
	v23 =	vsub.f32 $0.0e+00, v23;
	v53 =	vpop (erf)  }
0xab: {  	v45 =	vld [tilespmem:s18+$0xFFFFFF90];
	v36 =	vadd.f32 $1.000000000e+00, v61;
	v27 =	vmul.f32 $1.442695020e+00, v27;
	(erf) = vpow2.f32 v31;
	v31 =	vpop (erf)  }
0xac: {  	v59 =	vld [tilespmem:s15+$0xFFFFFFD0];
	v24 =	vadd.f32 $1.000000000e+00, v60;
	v23 =	vmul.f32 $1.442695020e+00, v23;
	v26 =	vadd.f32 v26, v28;
	v28 =	vpop (erf)  }
0xad: {  	v56 =	vld [tilespmem:s15+$0xFFFFFFC0];
	v46 =	vadd.f32 $1.000000000e+00, v62;
	v60 =	vadd.f32 v50, v49;
	(erf) = vpow2.f32 v25;
	v25 =	vpop (erf)  }
0xae: {  	v22 =	vmul.f32 v37, v22;
	v30 =	vld [tilespmem:s18+$0xFFFFFF70];
	v41 =	vadd.f32 $1.000000000e+00, v51;
	v42 =	vadd.f32 $1.000000000e+00, v53;
	v47 =	vpop (erf)  }
0xaf: {  	v52 =	vld [tilespmem:s15+$0xFFFFFF80];
	v35 =	vsub.f32 $0.0e+00, v60;
	v31 =	vadd.f32 $1.000000000e+00, v31;
	(erf) = vpow2.f32 v27;
	v27 =	vpop (erf)  }
0xb0: {  	v58 =	vld [tilespmem:s18+$0xFFFFFFC0];
	(erf) = vpow2.f32 v23;
	v25 =	vadd.f32 $1.000000000e+00, v25;
	v47 =	vadd.f32 $1.000000000e+00, v47;
	v23 =	vpop (erf)  }
0xb1: {  	v54 =	vld [tilespmem:s15+$0xFFFFFF90];
	v32 =	vmul.f32 $1.442695020e+00, v32;
	v27 =	vadd.f32 $1.000000000e+00, v27;
	v23 =	vadd.f32 $1.000000000e+00, v23  }
0xb2: {  	v24 =	vmul.f32 v20, v24;
	v28 =	vadd.f32 $1.000000000e+00, v28;
	v20 =	vsub.f32 $0.0e+00, v26;
	v26 =	vld [tilespmem:s18+$0xFFFFFFD0]  }
0xb3: {  	v61 =	vld [tilespmem:s18+$0xFFFFFFE0];
	v30 =	vadd.f32 v30, v63;
	v25 =	vmul.f32 v47, v25;
	v23 =	vmul.f32 v23, v27  }
0xb4: {  	v62 =	vld [tilespmem:s18+$0xFFFFFFF0];
	v57 =	vmul.f32 v42, v41;
	v28 =	vmul.f32 v28, v31;
	v31 =	vadd.f32 v43, v52  }
0xb5: {  	(erf) = vpow2.f32 v32;
	v23 =	vmul.f32 v23, v25;
	v25 =	vsub.f32 $0.0e+00, v30;
	v30 =	vld [tilespmem:s15+$0xFFFFFFE0]  }
0xb6: {  	v51 =	vld [tilespmem:s18+$0x20];
	v35 =	vmul.f32 $1.442695020e+00, v35;
	v31 =	vsub.f32 $0.0e+00, v31;
	v27 =	vadd.f32 v45, v54  }
0xb7: {  	v63 =	vld [tilespmem:s15+$0x0];
	v20 =	vmul.f32 $1.442695020e+00, v20;
	v28 =	vmul.f32 v28, v57;
	v26 =	vadd.f32 v26, v59  }
0xb8: {  	v32 =	vadd.f32 v58, v56;
	v56 =	vld [tilespmem:s15+$0x10];
	v31 =	vmul.f32 $1.442695020e+00, v31;
	v27 =	vsub.f32 $0.0e+00, v27  }
0xb9: {  	v26 =	vsub.f32 $0.0e+00, v26;
	v41 =	vmul.f32 v23, v28;
	v23 =	vld [tilespmem:s15+$0xFFFFFFF0];
	v28 =	vsub.f32 $0.0e+00, v39  }
0xba: {  	v58 =	vld [tilespmem:s18+$0x10];
	v39 =	vpop (erf);
	v43 =	vmul.f32 $1.442695020e+00, v27;
	v27 =	vsub.f32 $0.0e+00, v32;
	v30 =	vadd.f32 v61, v30  }
0xbb: {  	v29 =	vadd.f32 $1.000000000e+00, v29;
	v54 =	vld [tilespmem:s18+$0x0];
	v50 =	vmul.f32 $1.442695020e+00, v26;
	v25 =	vmul.f32 $1.442695020e+00, v25;
	v53 =	vpop (erf)  }
0xbc: {  	(erf) = vpow2.f32 v20;
	v55 =	vpop (erf);
	v49 =	vmul.f32 $1.442695020e+00, v27;
	v27 =	vsub.f32 $0.0e+00, v30;
	v30 =	vld [tilespmem:s15+$0x20]  }
0xbd: {  	v52 =	vld [tilespmem:s18+$0x50];
	v28 =	vmul.f32 $1.442695020e+00, v28;
	v42 =	vadd.f32 $1.000000000e+00, v53;
	v57 =	vadd.f32 $1.000000000e+00, v55;
	v20 =	vpop (erf)  }
0xbe: {  	v59 =	vld [tilespmem:s15+$0x30];
	(erf) = vpow2.f32 v25;
	v26 =	vadd.f32 $1.000000000e+00, v20;
	v20 =	vpop (erf);
	v23 =	vadd.f32 v62, v23  }
0xbf: {  	v61 =	vld [tilespmem:s18+$0x30];
	(erf) = vpow2.f32 v31;
	v31 =	vadd.f32 v58, v56;
	v60 =	vadd.f32 $1.000000000e+00, v20  }
0xc0: {  	v62 =	vld [tilespmem:s15+$0x40];
	v32 =	vmul.f32 $1.442695020e+00, v27;
	v23 =	vsub.f32 $0.0e+00, v23;
	v27 =	vadd.f32 v54, v63  }
0xc1: {  	v25 =	vmul.f32 v57, v42;
	(erf) = vpow2.f32 v43;
	v57 =	vld [tilespmem:s15+$0x50];
	v56 =	vadd.f32 v51, v30  }
0xc2: {  	v31 =	vsub.f32 $0.0e+00, v31;
	v63 =	vld [tilespmem:s18+$0x40];
	v33 =	vmul.f32 $1.442695020e+00, v23;
	v23 =	vsub.f32 $0.0e+00, v27  }
0xc3: {  	v27 =	vmul.f32 v60, v26;
	v26 =	vmul.f32 v38, v29;
	v29 =	vsub.f32 $0.0e+00, v56  }
0xc4: {  	s20 =	sadd.s32 $0x44, s21;
	v37 =	vld [tilespmem:s15+$0x60];
	v40 =	vadd.f32 $1.000000000e+00, v40;
	(erf) = vpow2.f32 v28;
	v58 =	vadd.f32 v61, v59  }
0xc5: {  	[tilespmem:s20+$0x11] =	vst v41;
	v41 =	vld [tilespmem:s15+$0xFFFFFF00];
	v20 =	vadd.f32 $1.000000000e+00, v39;
	v30 =	vmul.f32 $1.442695020e+00, v31;
	v28 =	vpop (erf);
	(erf) = vpow2.f32 v35  }
0xc6: {  	v39 =	vld [tilespmem:s18+$0x60];
	v60 =	vsub.f32 $0.0e+00, v58;
	v42 =	vadd.f32 v52, v57;
	v34 =	vmul.f32 $1.442695020e+00, v23  }
0xc7: {  	v38 =	vld [tilespmem:s15+$0x70];
	v59 =	vadd.f32 $1.000000000e+00, v28;
	v61 =	vadd.f32 v63, v62;
	v31 =	vmul.f32 $1.442695020e+00, v29;
	v29 =	vpop (erf)  }
0xc8: {  	(erf) = vpow2.f32 v49;
	v62 =	vadd.f32 $1.000000000e+00, v29;
	v29 =	vmul.f32 v40, v46;
	v40 =	vld [tilespmem:s18+$0x70]  }
0xc9: {  	s19 =	smul.u32 $0x110, s17;
	v23 =	vld [tilespmem:s18+$0xFFFFFF00];
	v28 =	vmul.f32 v36, v44;
	v36 =	vmul.f32 $1.442695020e+00, v60;
	v43 =	vsub.f32 $0.0e+00, v61;
	v63 =	vpop (erf)  }
0xca: {  	s23 =	simm.s32 $0x4;
	s24 =	sadd.s32 $0x200, s15;
	[tilespmem:s21+$0x11] =	vst v21;
	s15 =	smov.u32 s21;
	(erf) = vpow2.f32 v50;
	v35 =	vadd.f32 $1.000000000e+00, v63;
	v21 =	vmul.f32 v62, v59  }
.LBB2_3:
0xcb: {  	v44 =	vld [tilespmem:s24+$0x80];
	v43 =	vmul.f32 $1.442695020e+00, v43;
	v42 =	vsub.f32 $0.0e+00, v42;
	v37 =	vadd.f32 v39, v37;
	s18 =	sadd.s32 $0x200, s18;
	v39 =	vpop (erf)  }
0xcc: {  	v24 =	vmul.f32 v16, v24;
	v16 =	vmovc v25;
	v45 =	vld [tilespmem:s18+$0x80];
	v39 =	vadd.f32 $1.000000000e+00, v39;
	(erf) = vpow2.f32 v32  }
0xcd: {  	v25 =	vld [tilespmem:s24+$0x90];
	v32 =	vmul.f32 $1.442695020e+00, v42;
	v37 =	vsub.f32 $0.0e+00, v37;
	v38 =	vadd.f32 v40, v38;
	v40 =	vpop (erf)  }
0xce: {  	v42 =	vld [tilespmem:s18+$0x90];
	v23 =	vadd.f32 v23, v41;
	v40 =	vadd.f32 $1.000000000e+00, v40;
	(erf) = vpow2.f32 v33  }
0xcf: {  	v33 =	vld [tilespmem:s24+$0xA0];
	v37 =	vmul.f32 $1.442695020e+00, v37;
	v38 =	vsub.f32 $0.0e+00, v38;
	v41 =	vpop (erf);
	(erf) = vpow2.f32 v34  }
0xd0: {  	v34 =	vld [tilespmem:s18+$0xA0];
	v23 =	vsub.f32 $0.0e+00, v23;
	v41 =	vadd.f32 $1.000000000e+00, v41;
	(erf) = vpow2.f32 v30  }
0xd1: {  	v30 =	vld [tilespmem:s24+$0xB0];
	v38 =	vmul.f32 $1.442695020e+00, v38;
	v46 =	vpop (erf);
	(erf) = vpow2.f32 v31  }
0xd2: {  	v31 =	vld [tilespmem:s18+$0xB0];
	v47 =	vmul.f32 $1.442695020e+00, v23;
	v46 =	vadd.f32 $1.000000000e+00, v46;
	(erf) = vpow2.f32 v36  }
0xd3: {  	v35 =	vmul.f32 v39, v35;
	v36 =	vld [tilespmem:s24+$0xC0];
	v39 =	vpop (erf);
	(erf) = vpow2.f32 v43  }
0xd4: {  	v40 =	vmul.f32 v41, v40;
	v43 =	vld [tilespmem:s18+$0xC0];
	v48 =	vadd.f32 $1.000000000e+00, v39;
	(erf) = vpow2.f32 v47  }
0xd5: {  	v21 =	vmul.f32 v21, v27;
	v41 =	vld [tilespmem:s24+$0xD0];
	v23 =	vpop (erf);
	(erf) = vpow2.f32 v32  }
0xd6: {  	v27 =	vld [tilespmem:s18+$0xD0];
	v23 =	vadd.f32 $1.000000000e+00, v23;
	v32 =	vmul.f32 v48, v46;
	(erf) = vpow2.f32 v37  }
0xd7: {  	v35 =	vmul.f32 v40, v35;
	v37 =	vld [tilespmem:s24+$0xE0];
	v39 =	vpop (erf);
	(erf) = vpow2.f32 v38  }
0xd8: {  	v26 =	vmul.f32 v26, v22;
	v28 =	vmul.f32 v29, v28;
	v38 =	vld [tilespmem:s18+$0xE0];
	v39 =	vadd.f32 $1.000000000e+00, v39;
	v40 =	vpop (erf)  }
0xd9: {  	v19 =	vmul.f32 v18, v19;
	v17 =	vmul.f32 v17, v24;
	v29 =	vld [tilespmem:s24+$0xF0];
	v22 =	vadd.f32 $1.000000000e+00, v40;
	v40 =	vpop (erf)  }
0xda: {  	v18 =	vadd.f32 v45, v44;
	v24 =	vadd.f32 v42, v25;
	v25 =	vld [tilespmem:s18+$0xF0];
	v39 =	vmul.f32 v39, v23;
	v42 =	vpop (erf)  }
0xdb: {  	v44 =	vmul.f32 v28, v26;
	v33 =	vadd.f32 v34, v33;
	v30 =	vadd.f32 v31, v30;
	v23 =	vld [tilespmem:s18+$0xFFFFFF00];
	v31 =	vpop (erf);
	[tilespmem:s15+$0xFFFFFFDE] =	vst v17  }
0xdc: {  	s23 =	sadd.s32 $0x4, s23;
	v28 =	vsub.f32 $0.0e+00, v18;
	v34 =	vadd.f32 v43, v36;
	v26 =	vld [tilespmem:s24+$0xFFFFFF10];
	v18 =	vmul.f32 v39, v32;
	v32 =	vpop (erf);
	[tilespmem:s15+$0xFFFFFFEF] =	vst v19  }
0xdd: {  	p0 =	slt.u32 s23, $0xC;
	v17 =	vmov v21;
	v19 =	vsub.f32 $0.0e+00, v24;
	v24 =	vadd.f32 v27, v41;
	v36 =	vld [tilespmem:s18+$0xFFFFFF10];
	v27 =	vpop (erf);
	[tilespmem:s15+$0x0] =	vst v44;
	s15 =	smov.u32 s20  }
0xde: {  	v43 =	vmul.f32 $1.442695020e+00, v28;
	v28 =	vsub.f32 $0.0e+00, v33;
	v33 =	vadd.f32 v38, v37;
	v39 =	vld [tilespmem:s24+$0xFFFFFF20];
	v37 =	vpop (erf)  }
0xdf: {  	v30 =	vsub.f32 $0.0e+00, v30;
	v44 =	vmul.f32 $1.442695020e+00, v19;
	v38 =	vld [tilespmem:s18+$0xFFFFFF20];
	v25 =	vadd.f32 v25, v29;
	v29 =	vpop (erf)  }
0xe0: {  	v28 =	vmul.f32 $1.442695020e+00, v28;
	v34 =	vsub.f32 $0.0e+00, v34;
	v41 =	vld [tilespmem:s24+$0xFFFFFF30];
	(erf) = vpow2.f32 v43;
	v21 =	vpop (erf)  }
0xe1: {  	v30 =	vmul.f32 $1.442695020e+00, v30;
	v24 =	vsub.f32 $0.0e+00, v24;
	v19 =	vmovc v35;
	v43 =	vld [tilespmem:s18+$0xFFFFFF30];
	(erf) = vpow2.f32 v44  }
0xe2: {  	v34 =	vmul.f32 $1.442695020e+00, v34;
	v33 =	vsub.f32 $0.0e+00, v33;
	v35 =	vld [tilespmem:s24+$0xFFFFFF40];
	(erf) = vpow2.f32 v28  }
0xe3: {  	v24 =	vmul.f32 $1.442695020e+00, v24;
	v25 =	vsub.f32 $0.0e+00, v25;
	v28 =	vld [tilespmem:s18+$0xFFFFFF40];
	(erf) = vpow2.f32 v30  }
0xe4: {  	v33 =	vmul.f32 $1.442695020e+00, v33;
	v26 =	vadd.f32 v36, v26;
	v30 =	vld [tilespmem:s24+$0xFFFFFF50];
	(erf) = vpow2.f32 v34  }
0xe5: {  	v25 =	vmul.f32 $1.442695020e+00, v25;
	v34 =	vadd.f32 v38, v39;
	v36 =	vld [tilespmem:s18+$0xFFFFFF50];
	(erf) = vpow2.f32 v24  }
0xe6: {  	v24 =	vsub.f32 $0.0e+00, v26;
	v26 =	vadd.f32 v43, v41;
	v38 =	vld [tilespmem:s24+$0xFFFFFF60];
	(erf) = vpow2.f32 v33  }
0xe7: {  	v33 =	vsub.f32 $0.0e+00, v34;
	v34 =	vld [tilespmem:s18+$0xFFFFFF60];
	(erf) = vpow2.f32 v25;
	v25 =	vadd.f32 $1.000000000e+00, v27  }
0xe8: {  	v46 =	vmul.f32 $1.442695020e+00, v24;
	v27 =	vsub.f32 $0.0e+00, v26;
	v28 =	vadd.f32 v28, v35;
	v35 =	vld [tilespmem:s24+$0xFFFFFF70]  }
0xe9: {  	v40 =	vadd.f32 $1.000000000e+00, v40;
	v33 =	vmul.f32 $1.442695020e+00, v33;
	v26 =	vadd.f32 $1.000000000e+00, v42;
	v39 =	vld [tilespmem:s18+$0xFFFFFF70];
	v41 =	vpop (erf)  }
0xea: {  	v27 =	vmul.f32 $1.442695020e+00, v27;
	v47 =	vsub.f32 $0.0e+00, v28;
	v36 =	vadd.f32 v36, v30;
	v43 =	vld [tilespmem:s24+$0xFFFFFF80];
	v44 =	vpop (erf)  }
0xeb: {  	v30 =	vadd.f32 $1.000000000e+00, v31;
	v28 =	vadd.f32 $1.000000000e+00, v32;
	v45 =	vld [tilespmem:s18+$0xFFFFFF80];
	(erf) = vpow2.f32 v46;
	v24 =	vpop (erf)  }
0xec: {  	v32 =	vmul.f32 $1.442695020e+00, v47;
	v36 =	vsub.f32 $0.0e+00, v36;
	v34 =	vadd.f32 v34, v38;
	v38 =	vld [tilespmem:s24+$0xFFFFFF90];
	v42 =	vpop (erf)  }
0xed: {  	v29 =	vadd.f32 $1.000000000e+00, v29;
	v31 =	vadd.f32 $1.000000000e+00, v37;
	v46 =	vld [tilespmem:s18+$0xFFFFFF90];
	(erf) = vpow2.f32 v33;
	v33 =	vpop (erf)  }
0xee: {  	v41 =	vadd.f32 $1.000000000e+00, v41;
	v44 =	vadd.f32 $1.000000000e+00, v44;
	v36 =	vmul.f32 $1.442695020e+00, v36;
	v37 =	vld [tilespmem:s24+$0xFFFFFFA0];
	v47 =	vpop (erf)  }
0xef: {  	v24 =	vadd.f32 $1.000000000e+00, v24;
	v42 =	vadd.f32 $1.000000000e+00, v42;
	v48 =	vld [tilespmem:s18+$0xFFFFFFA0];
	(erf) = vpow2.f32 v27;
	v27 =	vpop (erf)  }
0xf0: {  	v33 =	vadd.f32 $1.000000000e+00, v33;
	v47 =	vadd.f32 $1.000000000e+00, v47;
	v49 =	vld [tilespmem:s24+$0xFFFFFFB0];
	(erf) = vpow2.f32 v32;
	v32 =	vpop (erf)  }
0xf1: {  	v27 =	vadd.f32 $1.000000000e+00, v27;
	v50 =	vld [tilespmem:s18+$0xFFFFFFB0];
	v32 =	vadd.f32 $1.000000000e+00, v32;
	(erf) = vpow2.f32 v36  }
0xf2: {  	v35 =	vadd.f32 v39, v35;
	v39 =	vmul.f32 v44, v41;
	v41 =	vmul.f32 v42, v24;
	v36 =	vld [tilespmem:s24+$0xFFFFFFC0]  }
0xf3: {  	v42 =	vadd.f32 v45, v43;
	v33 =	vmul.f32 v47, v33;
	v43 =	vld [tilespmem:s18+$0xFFFFFFC0];
	v27 =	vmul.f32 v32, v27  }
0xf4: {  	v24 =	vmul.f32 v20, v25;
	v32 =	vadd.f32 v46, v38;
	v37 =	vadd.f32 v48, v37;
	v38 =	vld [tilespmem:s24+$0xFFFFFFD0];
	v44 =	vpop (erf)  }
0xf5: {  	v20 =	vsub.f32 $0.0e+00, v34;
	v34 =	vmul.f32 v41, v39;
	v25 =	vld [tilespmem:s18+$0xFFFFFFD0];
	v27 =	vmul.f32 v27, v33  }
0xf6: {  	v22 =	vmul.f32 v40, v22;
	v33 =	vsub.f32 $0.0e+00, v35;
	v35 =	vadd.f32 v50, v49;
	v39 =	vld [tilespmem:s24+$0xFFFFFFE0];
	v41 =	vpop (erf)  }
0xf7: {  	v40 =	vsub.f32 $0.0e+00, v42;
	v32 =	vsub.f32 $0.0e+00, v32;
	v42 =	vld [tilespmem:s18+$0xFFFFFFE0];
	v46 =	vmul.f32 v27, v34  }
0xf8: {  	s20 =	sadd.s32 $0x44, s20;
	v37 =	vsub.f32 $0.0e+00, v37;
	v34 =	vmul.f32 $1.442695020e+00, v20;
	v20 =	vadd.f32 v43, v36;
	v36 =	vld [tilespmem:s24+$0xFFFFFFF0];
	v43 =	vpop (erf)  }
0xf9: {  	v40 =	vmul.f32 $1.442695020e+00, v40;
	v33 =	vmul.f32 $1.442695020e+00, v33;
	v35 =	vsub.f32 $0.0e+00, v35;
	v45 =	vld [tilespmem:s18+$0xFFFFFFF0];
	[tilespmem:s20+$0x11] =	vst v46;
	v27 =	vpop (erf)  }
0xfa: {  	v46 =	vmul.f32 $1.442695020e+00, v32;
	v32 =	vsub.f32 $0.0e+00, v20;
	v25 =	vadd.f32 v25, v38;
	v38 =	vld [tilespmem:s24+$0x0];
	v47 =	vpop (erf)  }
0xfb: {  	v37 =	vmul.f32 $1.442695020e+00, v37;
	v20 =	vadd.f32 $1.000000000e+00, v44;
	v35 =	vmul.f32 $1.442695020e+00, v35;
	v44 =	vld [tilespmem:s18+$0x0]  }
0xfc: {  	v48 =	vmul.f32 $1.442695020e+00, v32;
	v25 =	vsub.f32 $0.0e+00, v25;
	v32 =	vadd.f32 v42, v39;
	v39 =	vld [tilespmem:s24+$0x10]  }
0xfd: {  	v41 =	vadd.f32 $1.000000000e+00, v41;
	v42 =	vadd.f32 $1.000000000e+00, v43;
	v43 =	vld [tilespmem:s18+$0x10];
	(erf) = vpow2.f32 v34  }
0xfe: {  	v49 =	vmul.f32 $1.442695020e+00, v25;
	v25 =	vsub.f32 $0.0e+00, v32;
	v34 =	vadd.f32 v45, v36;
	v36 =	vld [tilespmem:s24+$0x20]  }
0xff: {  	v27 =	vadd.f32 $1.000000000e+00, v27;
	v45 =	vadd.f32 $1.000000000e+00, v47;
	v47 =	vld [tilespmem:s18+$0x20];
	(erf) = vpow2.f32 v33  }
0x100: {  	v32 =	vmul.f32 $1.442695020e+00, v25;
	v33 =	vsub.f32 $0.0e+00, v34;
	v34 =	vadd.f32 v44, v38;
	v38 =	vld [tilespmem:s24+$0x30]  }
0x101: {  	v21 =	vadd.f32 $1.000000000e+00, v21;
	v25 =	vmul.f32 v42, v41;
	v41 =	vld [tilespmem:s18+$0x30];
	(erf) = vpow2.f32 v40  }
0x102: {  	v33 =	vmul.f32 $1.442695020e+00, v33;
	v34 =	vsub.f32 $0.0e+00, v34;
	v39 =	vadd.f32 v43, v39;
	v40 =	vld [tilespmem:s24+$0x40]  }
0x103: {  	v27 =	vmul.f32 v45, v27;
	v42 =	vld [tilespmem:s18+$0x40];
	(erf) = vpow2.f32 v46  }
0x104: {  	v34 =	vmul.f32 $1.442695020e+00, v34;
	v43 =	vsub.f32 $0.0e+00, v39;
	v36 =	vadd.f32 v47, v36;
	v44 =	vld [tilespmem:s24+$0x50]  }
0x105: {  	v26 =	vmul.f32 v30, v26;
	v45 =	vld [tilespmem:s18+$0x50];
	(erf) = vpow2.f32 v37  }
0x106: {  	v30 =	vmul.f32 $1.442695020e+00, v43;
	v43 =	vsub.f32 $0.0e+00, v36;
	v38 =	vadd.f32 v41, v38;
	v37 =	vld [tilespmem:s24+$0x60];
	v39 =	vpop (erf)  }
.Ltmp0:
0x107: {  	v28 =	vmul.f32 v31, v28;
	v46 =	vadd.f32 $1.000000000e+00, v39;
	v39 =	vld [tilespmem:s18+$0x60];
	(erf) = vpow2.f32 v35;
	(pc) =	sbr.rel @p0 .LBB2_3-.Ltmp0, $4  }
0x108: {  	v31 =	vmul.f32 $1.442695020e+00, v43;
	v50 =	vsub.f32 $0.0e+00, v38;
	v42 =	vadd.f32 v42, v40;
	v38 =	vld [tilespmem:s24+$0x70];
	v36 =	vpop (erf)  }
0x109: {  	v29 =	vmul.f32 v21, v29;
	v47 =	vadd.f32 $1.000000000e+00, v36;
	v40 =	vld [tilespmem:s18+$0x70];
	(erf) = vpow2.f32 v48  }
0x10a: {  	v41 =	vld [tilespmem:s24+$0xFFFFFF00];
	v36 =	vmul.f32 $1.442695020e+00, v50;
	v43 =	vsub.f32 $0.0e+00, v42;
	v42 =	vadd.f32 v45, v44;
	v35 =	vpop (erf)  }
0x10b: {  	s24 =	sadd.s32 $0x200, s24;
	v21 =	vmul.f32 v47, v46;
	v35 =	vadd.f32 $1.000000000e+00, v35;
	(erf) = vpow2.f32 v49  }
0x10c: {  	_ =	sdelay $0x1  }
0x10d: {  	(erf) = vpow2.f32 v32  }
0x10e: {  	(erf) = vpow2.f32 v33;
	v23 =	vadd.f32 v23, v41  }
0x10f: {  	v46 =	vmul.f32 $1.442695020e+00, v43;
	(erf) = vpow2.f32 v34  }
0x110: {  	v48 =	vadd.f32 v39, v37;
	(erf) = vpow2.f32 v30;
	v23 =	vsub.f32 $0.0e+00, v23  }
0x111: {  	v47 =	vsub.f32 $0.0e+00, v42;
	v49 =	vpop (erf);
	v50 =	vadd.f32 v40, v38;
	(erf) = vpow2.f32 v31  }
0x112: {  	v51 =	vpop (erf);
	v33 =	vsub.f32 $0.0e+00, v48;
	(erf) = vpow2.f32 v36;
	v23 =	vmul.f32 $1.442695020e+00, v23  }
0x113: {  	v30 =	vmul.f32 $1.442695020e+00, v47;
	v52 =	vpop (erf);
	v31 =	vsub.f32 $0.0e+00, v50;
	(erf) = vpow2.f32 v46  }
0x114: {  	v54 =	vmul.f32 $1.442695020e+00, v33;
	v53 =	vpop (erf);
	(erf) = vpow2.f32 v23  }
0x115: {  	v31 =	vmul.f32 $1.442695020e+00, v31;
	v55 =	vpop (erf);
	(erf) = vpow2.f32 v30  }
0x116: {  	v56 =	vpop (erf);
	(erf) = vpow2.f32 v54  }
0x117: {  	v16 =	vmul.f32 v16, v24;
	v58 =	vpop (erf);
	(erf) = vpow2.f32 v31  }
0x118: {  	v22 =	vmul.f32 v26, v22;
	v39 =	vmul.f32 v29, v28;
	v60 =	vpop (erf)  }
0x119: {  	v18 =	vmul.f32 v18, v19;
	v57 =	vadd.f32 $1.000000000e+00, v49;
	v21 =	vmul.f32 v21, v27;
	v61 =	vpop (erf)  }
0x11a: {  	v16 =	vmul.f32 v17, v16;
	v59 =	vadd.f32 $1.000000000e+00, v51;
	v36 =	vadd.f32 $1.000000000e+00, v52;
	v62 =	vpop (erf)  }
0x11b: {  	v22 =	vmul.f32 v39, v22;
	v32 =	vadd.f32 $1.000000000e+00, v53;
	v33 =	vadd.f32 $1.000000000e+00, v55;
	v63 =	vpop (erf)  }
0x11c: {  	v34 =	vmul.f32 v36, v59;
	v30 =	vmul.f32 v57, v35;
	v36 =	vadd.f32 $1.000000000e+00, v56;
	v38 =	vpop (erf)  }
0x11d: {  	v32 =	vmul.f32 v33, v32;
	v23 =	vadd.f32 $1.000000000e+00, v58;
	v41 =	vadd.f32 $1.000000000e+00, v60;
	v40 =	vpop (erf)  }
0x11e: {  	v30 =	vmul.f32 v34, v30;
	v43 =	vadd.f32 $1.000000000e+00, v61;
	v44 =	vadd.f32 $1.000000000e+00, v62;
	v42 =	vpop (erf)  }
0x11f: {  	v23 =	vmul.f32 v23, v36;
	v24 =	vadd.f32 $1.000000000e+00, v63;
	v17 =	vadd.f32 $1.000000000e+00, v40;
	v45 =	vpop (erf)  }
0x120: {  	v47 =	vmul.f32 v43, v41;
	v33 =	vadd.f32 $1.000000000e+00, v38;
	v19 =	vadd.f32 $1.000000000e+00, v42;
	v46 =	vpop (erf)  }
0x121: {  	v27 =	vadd.f32 $1.000000000e+00, v45;
	v17 =	vmul.f32 v20, v17;
	v26 =	vadd.f32 $1.000000000e+00, v46  }
0x122: {  	v24 =	vmul.f32 v24, v44;
	v19 =	vmul.f32 v19, v33  }
0x123: {  	v17 =	vmul.f32 v25, v17;
	v26 =	vmul.f32 v26, v27  }
0x124: {  	[tilespmem:s15+$0xFFFFFFDE] =	vst v16;
	v16 =	vmul.f32 v23, v32;
	v20 =	vmul.f32 v24, v47  }
0x125: {  	v49 =	vadd.s32 s19, v0;
	[tilespmem:s15+$0xFFFFFFEF] =	vst v18;
	v17 =	vmul.f32 v21, v17;
	v48 =	vmul.f32 v26, v19  }
0x126: {  	[tilespmem:s15+$0x0] =	vst v22;
	v50 =	vadd.s32 s19, v1;
	v16 =	vmul.f32 v16, v30  }
0x127: {  	[tilespmem:s20+$0xFFFFFFDE] =	vst v17;
	v17 =	vmul.f32 v48, v20  }
0x128: {  	[tilespmem:s20+$0xFFFFFFEF] =	vst v16;
	v16 =	vadd.s32 s19, v2  }
0x129: {  	[tilespmem:s20+$0x0] =	vst v17  }
0x12a: {  	v51 =	vadd.s32 s19, v3;
	v17 =	vld.idx.msk [tilespmem:v49+s31+$0x0], $0xffff  }
0x12b: {  	v52 =	vld.idx.msk [tilespmem:v50+s31+$0x0], $0xffff  }
0x12c: {  	v53 =	vadd.s32 s19, v4  }
0x12d: {  	v16 =	vld.idx.msk [tilespmem:v16+s31+$0x0], $0xffff  }
0x12e: {  	v54 =	vadd.s32 s19, v5  }
0x12f: {  	v18 =	vld.idx.msk [tilespmem:v51+s31+$0x0], $0xffff  }
0x130: {  	v55 =	vadd.s32 s19, v6;
	v17 =	vmul.f32 v52, v17  }
0x131: {  	v20 =	vld.idx.msk [tilespmem:v53+s31+$0x0], $0xffff  }
0x132: {  	v16 =	vmul.f32 v16, v17;
	v17 =	vadd.s32 s19, v7  }
0x133: {  	v21 =	vld.idx.msk [tilespmem:v54+s31+$0x0], $0xffff  }
0x134: {  	v56 =	vadd.s32 s19, v8;
	v16 =	vmul.f32 v18, v16  }
0x135: {  	v19 =	vld.idx.msk [tilespmem:v55+s31+$0x0], $0xffff  }
0x136: {  	v57 =	vadd.s32 s19, v9;
	v16 =	vmul.f32 v20, v16  }
0x137: {  	v17 =	vld.idx.msk [tilespmem:v17+s31+$0x0], $0xffff  }
0x138: {  	v58 =	vadd.s32 s19, v10;
	v16 =	vmul.f32 v21, v16  }
0x139: {  	v18 =	vld.idx.msk [tilespmem:v56+s31+$0x0], $0xffff  }
0x13a: {  	v59 =	vadd.s32 s19, v11;
	v16 =	vmul.f32 v19, v16  }
0x13b: {  	v20 =	vld.idx.msk [tilespmem:v57+s31+$0x0], $0xffff  }
0x13c: {  	v16 =	vmul.f32 v17, v16;
	v17 =	vadd.s32 s19, v12  }
0x13d: {  	v21 =	vld.idx.msk [tilespmem:v58+s31+$0x0], $0xffff  }
0x13e: {  	v60 =	vadd.s32 s19, v13;
	v16 =	vmul.f32 v18, v16  }
0x13f: {  	v19 =	vld.idx.msk [tilespmem:v59+s31+$0x0], $0xffff  }
0x140: {  	v61 =	vadd.s32 s19, v14;
	v16 =	vmul.f32 v20, v16  }
0x141: {  	v17 =	vld.idx.msk [tilespmem:v17+s31+$0x0], $0xffff  }
0x142: {  	v62 =	vadd.s32 s19, v15;
	v16 =	vmul.f32 v21, v16  }
0x143: {  	v18 =	vld.idx.msk [tilespmem:v60+s31+$0x0], $0xffff  }
0x144: {  	v16 =	vmul.f32 v19, v16  }
0x145: {  	v63 =	vld.idx.msk [tilespmem:v61+s31+$0x0], $0xffff  }
0x146: {  	v16 =	vmul.f32 v17, v16  }
0x147: {  	v17 =	vld.idx.msk [tilespmem:v62+s31+$0x0], $0xffff  }
0x148: {  	v16 =	vmul.f32 v18, v16;
	_ =	sdelay $0x1  }
0x149: {  	v16 =	vmul.f32 v63, v16;
	_ =	sdelay $0x1  }
0x14a: {  	v16 =	vmul.f32 v17, v16;
	_ =	sdelay $0x1  }
0x14b: {  	(erf) = vrcp.f32 v16;
	_ =	sdelay $0x3  }
0x14c: {  	s24 =	sshll.u32 s17, $0x4;
	s17 =	sadd.s32 $0x1, s17  }
0x14d: {  	p0 =	sne.s32 s17, $0x8  }
.Ltmp1:
0x14e: {  	_ = 	snop;
	(pc) =	sbr.rel @p0 .LBB2_2-.Ltmp1, $3  }
0x14f: {  	_ =	sdelay $0x1  }
0x150: {  	s15 =	sand.u32 $0x3FFFFFF0, s24;
	v16 =	vpop (erf)  }
0x151: {  	s29 =	sadd.s32 $0x800, s29;
	s25 =	sadd.s32 $0x800, s25;
	s21 =	sadd.s32 $0x110, s21;
	[tilespmem:s15+$0x18400] =	vst v16  }
0x152: {  	s15 =	simm.s32 $0x180;
	s17 =	simm.s32 $0x400  }
0x153: {  	[tilespmem:s17], [sflag:$0x2] =	stream.indirect.gather [hbm4b:s1+s16], $0x80, s15, s16, $0xb8;
	[tilespmem:$0x18E80] =	vst v63  }
0x154: {  	s24 =	simm.s32 $0x380;
	s25 =	simm.s32 $0xC400  }
0x155: {  	[tilespmem:s25], [sflag:$0x2] =	stream.indirect.gather [hbm4b:s2+s16], $0x80, s24, s16, $0xb8;
	[tilespmem:$0x18E80] =	vst v63  }
0x156: {  	_ =	swait.ge [sflag:s0], $0x4000  }
0x157: {  	[sflag:s0] =	ssyncset.done $0x0  }
0x158: {  	[sflag:s0] =	ssyncadd.s32 $0xFFFFC000  }
0x159: {  	_ =	swait.ge [sflag:s0], $0x4000  }
0x15a: {  	s29 =	simm.s32 $0x0;
	s15 =	simm.s32 $0x10500;
	[sflag:s0] =	ssyncset.done $0x0  }
0x15b: {  	s17 =	simm.s32 $0x18622;
	s25 =	simm.s32 $0x4500;
	[sflag:s0] =	ssyncadd.s32 $0xFFFFC000  }
.LBB2_6:
0x15c: {  	v16 =	vld [tilespmem:s25+$0x80]  }
0x15d: {  	v18 =	vld [tilespmem:s15+$0x80]  }
0x15e: {  	v19 =	vld [tilespmem:s25+$0x90]  }
0x15f: {  	v20 =	vld [tilespmem:s15+$0x90]  }
0x160: {  	v21 =	vld [tilespmem:s25+$0xA0]  }
0x161: {  	v22 =	vld [tilespmem:s15+$0xA0]  }
0x162: {  	v23 =	vld [tilespmem:s25+$0xB0]  }
0x163: {  	v24 =	vld [tilespmem:s15+$0xB0]  }
0x164: {  	v25 =	vld [tilespmem:s25+$0xC0]  }
0x165: {  	v26 =	vld [tilespmem:s15+$0xC0]  }
0x166: {  	v27 =	vld [tilespmem:s25+$0xD0]  }
0x167: {  	v28 =	vld [tilespmem:s15+$0xD0]  }
0x168: {  	v29 =	vld [tilespmem:s25+$0xE0]  }
0x169: {  	v30 =	vld [tilespmem:s15+$0xE0]  }
0x16a: {  	v31 =	vld [tilespmem:s25+$0xF0]  }
0x16b: {  	v32 =	vld [tilespmem:s15+$0xF0]  }
0x16c: {  	v17 =	vld [tilespmem:s15+$0xFFFFFF00]  }
0x16d: {  	v33 =	vld [tilespmem:s25+$0xFFFFFF10]  }
0x16e: {  	v34 =	vld [tilespmem:s15+$0xFFFFFF10]  }
0x16f: {  	v35 =	vld [tilespmem:s25+$0xFFFFFF20]  }
0x170: {  	v59 =	vld [tilespmem:s25+$0xFFFFFFA0]  }
0x171: {  	v54 =	vld [tilespmem:s25+$0xFFFFFF00]  }
0x172: {  	v60 =	vld [tilespmem:s15+$0xFFFFFFA0];
	v16 =	vadd.f32 v18, v16;
	v18 =	vadd.f32 v20, v19  }
0x173: {  	v62 =	vld [tilespmem:s25+$0xFFFFFFB0];
	v20 =	vadd.f32 v22, v21;
	v21 =	vadd.f32 v24, v23  }
0x174: {  	v22 =	vld [tilespmem:s25+$0xFFFFFF30];
	v23 =	vadd.f32 v26, v25;
	v25 =	vadd.f32 v28, v27  }
0x175: {  	v24 =	vld [tilespmem:s15+$0xFFFFFF30];
	v27 =	vadd.f32 v30, v29;
	v29 =	vadd.f32 v32, v31  }
0x176: {  	v26 =	vld [tilespmem:s25+$0xFFFFFF40];
	v17 =	vadd.f32 v17, v54;
	v16 =	vsub.f32 $0.0e+00, v16  }
0x177: {  	v28 =	vld [tilespmem:s15+$0xFFFFFF40];
	v18 =	vsub.f32 $0.0e+00, v18;
	v20 =	vsub.f32 $0.0e+00, v20  }
0x178: {  	v39 =	vld [tilespmem:s25+$0xFFFFFFD0];
	v21 =	vsub.f32 $0.0e+00, v21;
	v23 =	vsub.f32 $0.0e+00, v23  }
0x179: {  	v19 =	vld [tilespmem:s15+$0xFFFFFF20];
	v25 =	vsub.f32 $0.0e+00, v25;
	v27 =	vsub.f32 $0.0e+00, v27;
	v16 =	vmul.f32 $1.442695020e+00, v16  }
0x17a: {  	v30 =	vld [tilespmem:s25+$0xFFFFFF50];
	v29 =	vsub.f32 $0.0e+00, v29;
	v18 =	vmul.f32 $1.442695020e+00, v18;
	v20 =	vmul.f32 $1.442695020e+00, v20  }
0x17b: {  	v21 =	vmul.f32 $1.442695020e+00, v21;
	v23 =	vmul.f32 $1.442695020e+00, v23;
	v22 =	vadd.f32 v24, v22;
	v24 =	vld [tilespmem:s25+$0xFFFFFF90]  }
0x17c: {  	v25 =	vmul.f32 $1.442695020e+00, v25;
	v26 =	vadd.f32 v28, v26;
	v28 =	vld [tilespmem:s15+$0xFFFFFF90];
	(erf) = vpow2.f32 v16  }
0x17d: {  	v17 =	vsub.f32 $0.0e+00, v17;
	v27 =	vmul.f32 $1.442695020e+00, v27;
	v16 =	vld [tilespmem:s15+$0xFFFFFF50];
	(erf) = vpow2.f32 v18  }
0x17e: {  	v29 =	vmul.f32 $1.442695020e+00, v29;
	v19 =	vadd.f32 v19, v35;
	v18 =	vld [tilespmem:s25+$0xFFFFFF60];
	(erf) = vpow2.f32 v20  }
0x17f: {  	v31 =	vadd.f32 v34, v33;
	v17 =	vmul.f32 $1.442695020e+00, v17;
	v20 =	vld [tilespmem:s15+$0xFFFFFF60];
	(erf) = vpow2.f32 v21  }
0x180: {  	v40 =	vld [tilespmem:s15+$0xFFFFFFD0];
	v19 =	vsub.f32 $0.0e+00, v19;
	v22 =	vsub.f32 $0.0e+00, v22;
	(erf) = vpow2.f32 v23  }
0x181: {  	v36 =	vld [tilespmem:s15+$0xFFFFFFB0];
	v26 =	vsub.f32 $0.0e+00, v26;
	v24 =	vadd.f32 v28, v24;
	(erf) = vpow2.f32 v25  }
0x182: {  	v19 =	vmul.f32 $1.442695020e+00, v19;
	v25 =	vld [tilespmem:s25+$0xFFFFFF80];
	v16 =	vadd.f32 v16, v30;
	(erf) = vpow2.f32 v27  }
0x183: {  	v27 =	vld [tilespmem:s15+$0xFFFFFF80];
	v24 =	vsub.f32 $0.0e+00, v24;
	(erf) = vpow2.f32 v29;
	v29 =	vsub.f32 $0.0e+00, v31  }
0x184: {  	v38 =	vld [tilespmem:s15+$0xFFFFFFC0];
	v22 =	vmul.f32 $1.442695020e+00, v22;
	v16 =	vsub.f32 $0.0e+00, v16;
	v18 =	vadd.f32 v20, v18  }
0x185: {  	v43 =	vadd.f32 v40, v39;
	v21 =	vld [tilespmem:s25+$0xFFFFFF70];
	v26 =	vmul.f32 $1.442695020e+00, v26;
	v31 =	vpop (erf);
	v29 =	vmul.f32 $1.442695020e+00, v29  }
0x186: {  	v23 =	vld [tilespmem:s15+$0xFFFFFF70];
	v24 =	vmul.f32 $1.442695020e+00, v24;
	v16 =	vmul.f32 $1.442695020e+00, v16;
	v18 =	vsub.f32 $0.0e+00, v18;
	v30 =	vpop (erf)  }
0x187: {  	v63 =	vld [tilespmem:s15+$0x0];
	v20 =	vadd.f32 $1.000000000e+00, v31;
	(erf) = vpow2.f32 v29;
	v30 =	vadd.f32 $1.000000000e+00, v30  }
0x188: {  	v44 =	vld [tilespmem:s25+$0x20];
	v61 =	vpop (erf);
	v25 =	vadd.f32 v27, v25;
	v18 =	vmul.f32 $1.442695020e+00, v18;
	(erf) = vpow2.f32 v19  }
0x189: {  	v48 =	vld [tilespmem:s15+$0x30];
	v34 =	vadd.f32 $1.000000000e+00, v61;
	v29 =	vpop (erf);
	(erf) = vpow2.f32 v22;
	v20 =	vmul.f32 v30, v20  }
0x18a: {  	v30 =	vld [tilespmem:s25+$0x0];
	v25 =	vsub.f32 $0.0e+00, v25;
	v19 =	vpop (erf);
	v29 =	vadd.f32 $1.000000000e+00, v29;
	(erf) = vpow2.f32 v26  }
0x18b: {  	v27 =	vld [tilespmem:s15+$0xFFFFFFE0];
	v37 =	vpop (erf);
	v19 =	vadd.f32 $1.000000000e+00, v19;
	(erf) = vpow2.f32 v16;
	v16 =	vadd.f32 v23, v21  }
0x18c: {  	v23 =	vld [tilespmem:s25+$0xFFFFFFE0];
	v25 =	vmul.f32 $1.442695020e+00, v25;
	v22 =	vpop (erf);
	v37 =	vadd.f32 $1.000000000e+00, v37;
	v21 =	vmul.f32 v29, v34  }
0x18d: {  	(erf) = vpow2.f32 v18;
	v18 =	vld [tilespmem:s15+$0x20];
	v34 =	vsub.f32 $0.0e+00, v43;
	v26 =	vpop (erf);
	v16 =	vsub.f32 $0.0e+00, v16  }
0x18e: {  	v41 =	vld [tilespmem:s15+$0x40];
	v22 =	vadd.f32 $1.000000000e+00, v22;
	v26 =	vadd.f32 $1.000000000e+00, v26;
	v19 =	vmul.f32 v37, v19  }
0x18f: {  	v51 =	vld [tilespmem:s25+$0x60];
	v20 =	vmul.f32 v21, v20;
	v30 =	vadd.f32 v63, v30;
	v16 =	vmul.f32 $1.442695020e+00, v16  }
0x190: {  	v28 =	vadd.f32 v60, v59;
	v31 =	vld [tilespmem:s25+$0xFFFFFFC0];
	v34 =	vmul.f32 $1.442695020e+00, v34;
	v22 =	vmul.f32 v26, v22  }
0x191: {  	v29 =	vld [tilespmem:s15+$0xFFFFFFF0];
	v33 =	vpop (erf);
	v23 =	vadd.f32 v27, v23;
	v30 =	vsub.f32 $0.0e+00, v30;
	(erf) = vpow2.f32 v16  }
0x192: {  	v26 =	vld [tilespmem:s25+$0xFFFFFFF0];
	v45 =	vpop (erf);
	v18 =	vadd.f32 v18, v44;
	v19 =	vmul.f32 v22, v19;
	v22 =	vadd.f32 v36, v62  }
0x193: {  	v52 =	vld [tilespmem:s25+$0x70];
	v46 =	vpop (erf);
	v36 =	vadd.f32 $1.000000000e+00, v45;
	v23 =	vsub.f32 $0.0e+00, v23;
	(erf) = vpow2.f32 v25  }
0x194: {  	v27 =	vld [tilespmem:s25+$0x30];
	v37 =	vadd.f32 $1.000000000e+00, v46;
	(erf) = vpow2.f32 v24;
	v18 =	vsub.f32 $0.0e+00, v18  }
0x195: {  	v47 =	vpop (erf);
	v24 =	vld [tilespmem:s15+$0x60];
	v21 =	vmul.f32 v19, v20;
	v19 =	vsub.f32 $0.0e+00, v28;
	v28 =	vadd.f32 v38, v31  }
0x196: {  	v30 =	vmul.f32 $1.442695020e+00, v30;
	v20 =	vld [tilespmem:s25+$0x10];
	v22 =	vsub.f32 $0.0e+00, v22;
	v16 =	vpop (erf);
	v38 =	vadd.f32 $1.000000000e+00, v47  }
0x197: {  	v31 =	vld [tilespmem:s15+$0x10];
	v23 =	vmul.f32 $1.442695020e+00, v23;
	v26 =	vadd.f32 v29, v26;
	v49 =	vadd.f32 $1.000000000e+00, v16  }
0x198: {  	v29 =	vld [tilespmem:s25+$0x40];
	v16 =	vmul.f32 v37, v36;
	v18 =	vmul.f32 $1.442695020e+00, v18;
	v28 =	vsub.f32 $0.0e+00, v28  }
0x199: {  	v53 =	vld [tilespmem:s15+$0x70];
	s18 =	sadd.s32 $0x200, s15;
	v19 =	vmul.f32 $1.442695020e+00, v19;
	v22 =	vmul.f32 $1.442695020e+00, v22  }
0x19a: {  	s21 =	sadd.s32 $0x200, s25;
	v55 =	vld [tilespmem:s18+$0x80];
	v26 =	vsub.f32 $0.0e+00, v26;
	v50 =	vmul.f32 v49, v38;
	v28 =	vmul.f32 $1.442695020e+00, v28  }
0x19b: {  	v56 =	vld [tilespmem:s21+$0xA0];
	(erf) = vpow2.f32 v19;
	v19 =	vadd.f32 v48, v27;
	v27 =	vpop (erf);
	v24 =	vadd.f32 v24, v51  }
0x19c: {  	v25 =	vld [tilespmem:s25+$0x50];
	v20 =	vadd.f32 v31, v20;
	v26 =	vmul.f32 $1.442695020e+00, v26;
	v27 =	vadd.f32 $1.000000000e+00, v27  }
0x19d: {  	v31 =	vld [tilespmem:s15+$0x50];
	(erf) = vpow2.f32 v22;
	v19 =	vsub.f32 $0.0e+00, v19;
	v22 =	vadd.f32 v41, v29  }
0x19e: {  	v57 =	vld [tilespmem:s18+$0xA0];
	v29 =	vpop (erf);
	(erf) = vpow2.f32 v28;
	v24 =	vsub.f32 $0.0e+00, v24;
	v20 =	vsub.f32 $0.0e+00, v20  }
0x19f: {  	v28 =	vld [tilespmem:s21+$0x80];
	v29 =	vadd.f32 $1.000000000e+00, v29;
	(erf) = vpow2.f32 v34;
	v19 =	vmul.f32 $1.442695020e+00, v19  }
0x1a0: {  	v58 =	vld [tilespmem:s21+$0xB0];
	(erf) = vpow2.f32 v23;
	v24 =	vmul.f32 $1.442695020e+00, v24  }
0x1a1: {  	v42 =	vld [tilespmem:s18+$0xD0];
	v22 =	vsub.f32 $0.0e+00, v22;
	v20 =	vmul.f32 $1.442695020e+00, v20;
	v27 =	vmul.f32 v29, v27  }
0x1a2: {  	v54 =	vld [tilespmem:s21+$0xFFFFFF30];
	(erf) = vpow2.f32 v26;
	v26 =	vadd.f32 v53, v52;
	v25 =	vadd.f32 v31, v25;
	v31 =	vpop (erf)  }
0x1a3: {  	v23 =	vld [tilespmem:s21+$0x90];
	(erf) = vpow2.f32 v30;
	v22 =	vmul.f32 $1.442695020e+00, v22;
	v29 =	vadd.f32 $1.000000000e+00, v31  }
0x1a4: {  	v31 =	vld [tilespmem:s18+$0x90];
	v30 =	vpop (erf);
	v26 =	vsub.f32 $0.0e+00, v26;
	(erf) = vpow2.f32 v20;
	v28 =	vadd.f32 v55, v28  }
0x1a5: {  	v60 =	vld [tilespmem:s18+$0xB0];
	v25 =	vsub.f32 $0.0e+00, v25;
	v30 =	vadd.f32 $1.000000000e+00, v30;
	(erf) = vpow2.f32 v18  }
0x1a6: {  	v63 =	vld [tilespmem:s18+$0xC0];
	v59 =	vpop (erf);
	v26 =	vmul.f32 $1.442695020e+00, v26;
	(erf) = vpow2.f32 v19;
	v28 =	vsub.f32 $0.0e+00, v28  }
0x1a7: {  	v45 =	vld [tilespmem:s21+$0xD0];
	v25 =	vmul.f32 $1.442695020e+00, v25;
	v20 =	vadd.f32 $1.000000000e+00, v59;
	v61 =	vpop (erf);
	v29 =	vmul.f32 v30, v29  }
0x1a8: {  	v49 =	vld [tilespmem:s18+$0xE0];
	(erf) = vpow2.f32 v22;
	v38 =	vadd.f32 $1.000000000e+00, v61;
	v62 =	vpop (erf);
	v28 =	vmul.f32 $1.442695020e+00, v28  }
0x1a9: {  	v18 =	vld [tilespmem:s21+$0xC0];
	v19 =	vadd.f32 $1.000000000e+00, v62;
	v30 =	vpop (erf);
	(erf) = vpow2.f32 v17;
	v23 =	vadd.f32 v31, v23  }
0x1aa: {  	v51 =	vld [tilespmem:s18+$0xFFFFFF10];
	v17 =	vmul.f32 v27, v50;
	v31 =	vadd.f32 v60, v58;
	v22 =	vadd.f32 $1.000000000e+00, v30  }
0x1ab: {  	v30 =	vmul.f32 v38, v20;
	v46 =	vpop (erf);
	v20 =	vadd.f32 $1.000000000e+00, v33;
	(erf) = vpow2.f32 v25;
	v25 =	vld [tilespmem:s21+$0xE0]  }
0x1ac: {  	v52 =	vld [tilespmem:s21+$0xFFFFFF20];
	v27 =	vpop (erf);
	v47 =	vadd.f32 $1.000000000e+00, v46;
	(erf) = vpow2.f32 v24;
	v23 =	vsub.f32 $0.0e+00, v23  }
0x1ad: {  	v53 =	vld [tilespmem:s18+$0xFFFFFF20];
	v31 =	vsub.f32 $0.0e+00, v31;
	v48 =	vmul.f32 v22, v19;
	v27 =	vadd.f32 $1.000000000e+00, v27;
	v19 =	vpop (erf)  }
0x1ae: {  	v24 =	vld [tilespmem:s21+$0xF0];
	(erf) = vpow2.f32 v26;
	v26 =	vadd.f32 v63, v18;
	v22 =	vadd.f32 $1.000000000e+00, v19  }
0x1af: {  	v19 =	vmul.f32 v30, v29;
	v29 =	vld [tilespmem:s18+$0xF0];
	v30 =	vadd.f32 v57, v56;
	v27 =	vmul.f32 v27, v47  }
0x1b0: {  	v59 =	vld [tilespmem:s18+$0xFFFFFF50];
	v23 =	vmul.f32 $1.442695020e+00, v23;
	(erf) = vpow2.f32 v28;
	v25 =	vadd.f32 v49, v25  }
0x1b1: {  	v50 =	vld [tilespmem:s21+$0xFFFFFF10];
	v18 =	vmul.f32 v27, v48;
	v27 =	vadd.f32 v42, v45;
	v30 =	vsub.f32 $0.0e+00, v30  }
0x1b2: {  	v31 =	vmul.f32 $1.442695020e+00, v31;
	v26 =	vsub.f32 $0.0e+00, v26;
	v57 =	vld [tilespmem:s21+$0xFFFFFF50];
	v25 =	vsub.f32 $0.0e+00, v25  }
0x1b3: {  	v28 =	vld [tilespmem:s18+$0xFFFFFF30];
	v55 =	vpop (erf);
	(erf) = vpow2.f32 v23;
	v30 =	vmul.f32 $1.442695020e+00, v30;
	v27 =	vsub.f32 $0.0e+00, v27  }
0x1b4: {  	v23 =	vld [tilespmem:s21+$0xFFFFFF40];
	v26 =	vmul.f32 $1.442695020e+00, v26;
	v24 =	vadd.f32 v29, v24;
	v25 =	vmul.f32 $1.442695020e+00, v25  }
0x1b5: {  	v37 =	vadd.f32 $1.000000000e+00, v55;
	v55 =	vld [tilespmem:s21+$0xFFFFFFA0];
	v29 =	vpop (erf);
	(erf) = vpow2.f32 v30;
	v27 =	vmul.f32 $1.442695020e+00, v27  }
0x1b6: {  	v30 =	vld [tilespmem:s18+$0xFFFFFF40];
	v56 =	vpop (erf);
	v24 =	vsub.f32 $0.0e+00, v24;
	(erf) = vpow2.f32 v31;
	v31 =	vadd.f32 v51, v50  }
0x1b7: {  	v48 =	vld [tilespmem:s18+$0xFFFFFFA0];
	v32 =	vadd.f32 v59, v57;
	v58 =	vpop (erf);
	(erf) = vpow2.f32 v26;
	v26 =	vadd.f32 v53, v52  }
0x1b8: {  	v49 =	vld [tilespmem:s21+$0xFFFFFFB0];
	v60 =	vpop (erf);
	v24 =	vmul.f32 $1.442695020e+00, v24;
	(erf) = vpow2.f32 v27;
	v31 =	vsub.f32 $0.0e+00, v31  }
0x1b9: {  	v38 =	vadd.f32 $1.000000000e+00, v56;
	v27 =	vadd.f32 v28, v54;
	v28 =	vld [tilespmem:s21+$0xFFFFFF60];
	v61 =	vpop (erf);
	(erf) = vpow2.f32 v25  }
0x1ba: {  	v25 =	vsub.f32 $0.0e+00, v26;
	v26 =	vld [tilespmem:s18+$0xFFFFFF60];
	v62 =	vpop (erf);
	(erf) = vpow2.f32 v24;
	v31 =	vmul.f32 $1.442695020e+00, v31  }
0x1bb: {  	v32 =	vsub.f32 $0.0e+00, v32;
	v50 =	vld [tilespmem:s18+$0xFFFFFFB0];
	v40 =	vpop (erf);
	v23 =	vadd.f32 v30, v23  }
0x1bc: {  	v43 =	vld [tilespmem:s18+$0xFFFFFF80];
	v39 =	vadd.f32 v48, v55;
	v27 =	vsub.f32 $0.0e+00, v27;
	v25 =	vmul.f32 $1.442695020e+00, v25;
	v51 =	vpop (erf)  }
0x1bd: {  	v63 =	vld [tilespmem:s21+$0xFFFFFF70];
	v44 =	vadd.f32 $1.000000000e+00, v58;
	v23 =	vsub.f32 $0.0e+00, v23;
	v53 =	vpop (erf)  }
0x1be: {  	v45 =	vld [tilespmem:s18+$0xFFFFFF90];
	v36 =	vadd.f32 $1.000000000e+00, v61;
	v27 =	vmul.f32 $1.442695020e+00, v27;
	(erf) = vpow2.f32 v31;
	v31 =	vpop (erf)  }
0x1bf: {  	v59 =	vld [tilespmem:s21+$0xFFFFFFD0];
	v24 =	vadd.f32 $1.000000000e+00, v60;
	v23 =	vmul.f32 $1.442695020e+00, v23;
	v26 =	vadd.f32 v26, v28;
	v28 =	vpop (erf)  }
0x1c0: {  	v56 =	vld [tilespmem:s21+$0xFFFFFFC0];
	v46 =	vadd.f32 $1.000000000e+00, v62;
	v60 =	vadd.f32 v50, v49;
	(erf) = vpow2.f32 v25;
	v25 =	vpop (erf)  }
0x1c1: {  	v22 =	vmul.f32 v37, v22;
	v30 =	vld [tilespmem:s18+$0xFFFFFF70];
	v41 =	vadd.f32 $1.000000000e+00, v51;
	v42 =	vadd.f32 $1.000000000e+00, v53;
	v47 =	vpop (erf)  }
0x1c2: {  	v52 =	vld [tilespmem:s21+$0xFFFFFF80];
	v35 =	vsub.f32 $0.0e+00, v60;
	v31 =	vadd.f32 $1.000000000e+00, v31;
	(erf) = vpow2.f32 v27;
	v27 =	vpop (erf)  }
0x1c3: {  	v58 =	vld [tilespmem:s18+$0xFFFFFFC0];
	(erf) = vpow2.f32 v23;
	v25 =	vadd.f32 $1.000000000e+00, v25;
	v47 =	vadd.f32 $1.000000000e+00, v47;
	v23 =	vpop (erf)  }
0x1c4: {  	v54 =	vld [tilespmem:s21+$0xFFFFFF90];
	v32 =	vmul.f32 $1.442695020e+00, v32;
	v27 =	vadd.f32 $1.000000000e+00, v27;
	v23 =	vadd.f32 $1.000000000e+00, v23  }
0x1c5: {  	v24 =	vmul.f32 v20, v24;
	v28 =	vadd.f32 $1.000000000e+00, v28;
	v20 =	vsub.f32 $0.0e+00, v26;
	v26 =	vld [tilespmem:s18+$0xFFFFFFD0]  }
0x1c6: {  	v61 =	vld [tilespmem:s18+$0xFFFFFFE0];
	v30 =	vadd.f32 v30, v63;
	v25 =	vmul.f32 v47, v25;
	v23 =	vmul.f32 v23, v27  }
0x1c7: {  	v62 =	vld [tilespmem:s18+$0xFFFFFFF0];
	v57 =	vmul.f32 v42, v41;
	v28 =	vmul.f32 v28, v31;
	v31 =	vadd.f32 v43, v52  }
0x1c8: {  	(erf) = vpow2.f32 v32;
	v23 =	vmul.f32 v23, v25;
	v25 =	vsub.f32 $0.0e+00, v30;
	v30 =	vld [tilespmem:s21+$0xFFFFFFE0]  }
0x1c9: {  	v51 =	vld [tilespmem:s18+$0x20];
	v35 =	vmul.f32 $1.442695020e+00, v35;
	v31 =	vsub.f32 $0.0e+00, v31;
	v27 =	vadd.f32 v45, v54  }
0x1ca: {  	v63 =	vld [tilespmem:s21+$0x0];
	v20 =	vmul.f32 $1.442695020e+00, v20;
	v28 =	vmul.f32 v28, v57;
	v26 =	vadd.f32 v26, v59  }
0x1cb: {  	v32 =	vadd.f32 v58, v56;
	v56 =	vld [tilespmem:s21+$0x10];
	v31 =	vmul.f32 $1.442695020e+00, v31;
	v27 =	vsub.f32 $0.0e+00, v27  }
0x1cc: {  	v26 =	vsub.f32 $0.0e+00, v26;
	v41 =	vmul.f32 v23, v28;
	v23 =	vld [tilespmem:s21+$0xFFFFFFF0];
	v28 =	vsub.f32 $0.0e+00, v39  }
0x1cd: {  	v58 =	vld [tilespmem:s18+$0x10];
	v39 =	vpop (erf);
	v43 =	vmul.f32 $1.442695020e+00, v27;
	v27 =	vsub.f32 $0.0e+00, v32;
	v30 =	vadd.f32 v61, v30  }
0x1ce: {  	v29 =	vadd.f32 $1.000000000e+00, v29;
	v54 =	vld [tilespmem:s18+$0x0];
	v50 =	vmul.f32 $1.442695020e+00, v26;
	v25 =	vmul.f32 $1.442695020e+00, v25;
	v53 =	vpop (erf)  }
0x1cf: {  	(erf) = vpow2.f32 v20;
	v55 =	vpop (erf);
	v49 =	vmul.f32 $1.442695020e+00, v27;
	v27 =	vsub.f32 $0.0e+00, v30;
	v30 =	vld [tilespmem:s21+$0x20]  }
0x1d0: {  	v52 =	vld [tilespmem:s18+$0x50];
	v28 =	vmul.f32 $1.442695020e+00, v28;
	v42 =	vadd.f32 $1.000000000e+00, v53;
	v57 =	vadd.f32 $1.000000000e+00, v55;
	v20 =	vpop (erf)  }
0x1d1: {  	v59 =	vld [tilespmem:s21+$0x30];
	(erf) = vpow2.f32 v25;
	v26 =	vadd.f32 $1.000000000e+00, v20;
	v20 =	vpop (erf);
	v23 =	vadd.f32 v62, v23  }
0x1d2: {  	v61 =	vld [tilespmem:s18+$0x30];
	(erf) = vpow2.f32 v31;
	v31 =	vadd.f32 v58, v56;
	v60 =	vadd.f32 $1.000000000e+00, v20  }
0x1d3: {  	v62 =	vld [tilespmem:s21+$0x40];
	v32 =	vmul.f32 $1.442695020e+00, v27;
	v23 =	vsub.f32 $0.0e+00, v23;
	v27 =	vadd.f32 v54, v63  }
0x1d4: {  	v25 =	vmul.f32 v57, v42;
	(erf) = vpow2.f32 v43;
	v57 =	vld [tilespmem:s21+$0x50];
	v56 =	vadd.f32 v51, v30  }
0x1d5: {  	v31 =	vsub.f32 $0.0e+00, v31;
	v63 =	vld [tilespmem:s18+$0x40];
	v33 =	vmul.f32 $1.442695020e+00, v23;
	v23 =	vsub.f32 $0.0e+00, v27  }
0x1d6: {  	v27 =	vmul.f32 v60, v26;
	v26 =	vmul.f32 v38, v29;
	v29 =	vsub.f32 $0.0e+00, v56  }
0x1d7: {  	s20 =	sadd.s32 $0x44, s17;
	v37 =	vld [tilespmem:s21+$0x60];
	v40 =	vadd.f32 $1.000000000e+00, v40;
	(erf) = vpow2.f32 v28;
	v58 =	vadd.f32 v61, v59  }
0x1d8: {  	[tilespmem:s20+$0x11] =	vst v41;
	v41 =	vld [tilespmem:s21+$0xFFFFFF00];
	v20 =	vadd.f32 $1.000000000e+00, v39;
	v30 =	vmul.f32 $1.442695020e+00, v31;
	v28 =	vpop (erf);
	(erf) = vpow2.f32 v35  }
0x1d9: {  	v39 =	vld [tilespmem:s18+$0x60];
	v60 =	vsub.f32 $0.0e+00, v58;
	v42 =	vadd.f32 v52, v57;
	v34 =	vmul.f32 $1.442695020e+00, v23  }
0x1da: {  	v38 =	vld [tilespmem:s21+$0x70];
	v59 =	vadd.f32 $1.000000000e+00, v28;
	v61 =	vadd.f32 v63, v62;
	v31 =	vmul.f32 $1.442695020e+00, v29;
	v29 =	vpop (erf)  }
0x1db: {  	(erf) = vpow2.f32 v49;
	v62 =	vadd.f32 $1.000000000e+00, v29;
	v29 =	vmul.f32 v40, v46;
	v40 =	vld [tilespmem:s18+$0x70]  }
0x1dc: {  	s19 =	smul.u32 $0x110, s29;
	v23 =	vld [tilespmem:s18+$0xFFFFFF00];
	v28 =	vmul.f32 v36, v44;
	v36 =	vmul.f32 $1.442695020e+00, v60;
	v43 =	vsub.f32 $0.0e+00, v61;
	v63 =	vpop (erf)  }
0x1dd: {  	s23 =	simm.s32 $0x4;
	s24 =	sadd.s32 $0x200, s21;
	[tilespmem:s17+$0x11] =	vst v21;
	s21 =	smov.u32 s17;
	(erf) = vpow2.f32 v50;
	v35 =	vadd.f32 $1.000000000e+00, v63;
	v21 =	vmul.f32 v62, v59  }
.LBB2_7:
0x1de: {  	v44 =	vld [tilespmem:s24+$0x80];
	v43 =	vmul.f32 $1.442695020e+00, v43;
	v42 =	vsub.f32 $0.0e+00, v42;
	v37 =	vadd.f32 v39, v37;
	s18 =	sadd.s32 $0x200, s18;
	v39 =	vpop (erf)  }
0x1df: {  	v24 =	vmul.f32 v16, v24;
	v16 =	vmovc v25;
	v45 =	vld [tilespmem:s18+$0x80];
	v39 =	vadd.f32 $1.000000000e+00, v39;
	(erf) = vpow2.f32 v32  }
0x1e0: {  	v25 =	vld [tilespmem:s24+$0x90];
	v32 =	vmul.f32 $1.442695020e+00, v42;
	v37 =	vsub.f32 $0.0e+00, v37;
	v38 =	vadd.f32 v40, v38;
	v40 =	vpop (erf)  }
0x1e1: {  	v42 =	vld [tilespmem:s18+$0x90];
	v23 =	vadd.f32 v23, v41;
	v40 =	vadd.f32 $1.000000000e+00, v40;
	(erf) = vpow2.f32 v33  }
0x1e2: {  	v33 =	vld [tilespmem:s24+$0xA0];
	v37 =	vmul.f32 $1.442695020e+00, v37;
	v38 =	vsub.f32 $0.0e+00, v38;
	v41 =	vpop (erf);
	(erf) = vpow2.f32 v34  }
0x1e3: {  	v34 =	vld [tilespmem:s18+$0xA0];
	v23 =	vsub.f32 $0.0e+00, v23;
	v41 =	vadd.f32 $1.000000000e+00, v41;
	(erf) = vpow2.f32 v30  }
0x1e4: {  	v30 =	vld [tilespmem:s24+$0xB0];
	v38 =	vmul.f32 $1.442695020e+00, v38;
	v46 =	vpop (erf);
	(erf) = vpow2.f32 v31  }
0x1e5: {  	v31 =	vld [tilespmem:s18+$0xB0];
	v47 =	vmul.f32 $1.442695020e+00, v23;
	v46 =	vadd.f32 $1.000000000e+00, v46;
	(erf) = vpow2.f32 v36  }
0x1e6: {  	v35 =	vmul.f32 v39, v35;
	v36 =	vld [tilespmem:s24+$0xC0];
	v39 =	vpop (erf);
	(erf) = vpow2.f32 v43  }
0x1e7: {  	v40 =	vmul.f32 v41, v40;
	v43 =	vld [tilespmem:s18+$0xC0];
	v48 =	vadd.f32 $1.000000000e+00, v39;
	(erf) = vpow2.f32 v47  }
0x1e8: {  	v21 =	vmul.f32 v21, v27;
	v41 =	vld [tilespmem:s24+$0xD0];
	v23 =	vpop (erf);
	(erf) = vpow2.f32 v32  }
0x1e9: {  	v27 =	vld [tilespmem:s18+$0xD0];
	v23 =	vadd.f32 $1.000000000e+00, v23;
	v32 =	vmul.f32 v48, v46;
	(erf) = vpow2.f32 v37  }
0x1ea: {  	v35 =	vmul.f32 v40, v35;
	v37 =	vld [tilespmem:s24+$0xE0];
	v39 =	vpop (erf);
	(erf) = vpow2.f32 v38  }
0x1eb: {  	v26 =	vmul.f32 v26, v22;
	v28 =	vmul.f32 v29, v28;
	v38 =	vld [tilespmem:s18+$0xE0];
	v39 =	vadd.f32 $1.000000000e+00, v39;
	v40 =	vpop (erf)  }
0x1ec: {  	v19 =	vmul.f32 v18, v19;
	v17 =	vmul.f32 v17, v24;
	v29 =	vld [tilespmem:s24+$0xF0];
	v22 =	vadd.f32 $1.000000000e+00, v40;
	v40 =	vpop (erf)  }
0x1ed: {  	v18 =	vadd.f32 v45, v44;
	v24 =	vadd.f32 v42, v25;
	v25 =	vld [tilespmem:s18+$0xF0];
	v39 =	vmul.f32 v39, v23;
	v42 =	vpop (erf)  }
0x1ee: {  	v44 =	vmul.f32 v28, v26;
	v33 =	vadd.f32 v34, v33;
	v30 =	vadd.f32 v31, v30;
	v23 =	vld [tilespmem:s18+$0xFFFFFF00];
	v31 =	vpop (erf);
	[tilespmem:s21+$0xFFFFFFDE] =	vst v17  }
0x1ef: {  	s23 =	sadd.s32 $0x4, s23;
	v28 =	vsub.f32 $0.0e+00, v18;
	v34 =	vadd.f32 v43, v36;
	v26 =	vld [tilespmem:s24+$0xFFFFFF10];
	v18 =	vmul.f32 v39, v32;
	v32 =	vpop (erf);
	[tilespmem:s21+$0xFFFFFFEF] =	vst v19  }
0x1f0: {  	p0 =	slt.u32 s23, $0xC;
	v17 =	vmov v21;
	v19 =	vsub.f32 $0.0e+00, v24;
	v24 =	vadd.f32 v27, v41;
	v36 =	vld [tilespmem:s18+$0xFFFFFF10];
	v27 =	vpop (erf);
	[tilespmem:s21+$0x0] =	vst v44;
	s21 =	smov.u32 s20  }
0x1f1: {  	v43 =	vmul.f32 $1.442695020e+00, v28;
	v28 =	vsub.f32 $0.0e+00, v33;
	v33 =	vadd.f32 v38, v37;
	v39 =	vld [tilespmem:s24+$0xFFFFFF20];
	v37 =	vpop (erf)  }
0x1f2: {  	v30 =	vsub.f32 $0.0e+00, v30;
	v44 =	vmul.f32 $1.442695020e+00, v19;
	v38 =	vld [tilespmem:s18+$0xFFFFFF20];
	v25 =	vadd.f32 v25, v29;
	v29 =	vpop (erf)  }
0x1f3: {  	v28 =	vmul.f32 $1.442695020e+00, v28;
	v34 =	vsub.f32 $0.0e+00, v34;
	v41 =	vld [tilespmem:s24+$0xFFFFFF30];
	(erf) = vpow2.f32 v43;
	v21 =	vpop (erf)  }
0x1f4: {  	v30 =	vmul.f32 $1.442695020e+00, v30;
	v24 =	vsub.f32 $0.0e+00, v24;
	v19 =	vmovc v35;
	v43 =	vld [tilespmem:s18+$0xFFFFFF30];
	(erf) = vpow2.f32 v44  }
0x1f5: {  	v34 =	vmul.f32 $1.442695020e+00, v34;
	v33 =	vsub.f32 $0.0e+00, v33;
	v35 =	vld [tilespmem:s24+$0xFFFFFF40];
	(erf) = vpow2.f32 v28  }
0x1f6: {  	v24 =	vmul.f32 $1.442695020e+00, v24;
	v25 =	vsub.f32 $0.0e+00, v25;
	v28 =	vld [tilespmem:s18+$0xFFFFFF40];
	(erf) = vpow2.f32 v30  }
0x1f7: {  	v33 =	vmul.f32 $1.442695020e+00, v33;
	v26 =	vadd.f32 v36, v26;
	v30 =	vld [tilespmem:s24+$0xFFFFFF50];
	(erf) = vpow2.f32 v34  }
0x1f8: {  	v25 =	vmul.f32 $1.442695020e+00, v25;
	v34 =	vadd.f32 v38, v39;
	v36 =	vld [tilespmem:s18+$0xFFFFFF50];
	(erf) = vpow2.f32 v24  }
0x1f9: {  	v24 =	vsub.f32 $0.0e+00, v26;
	v26 =	vadd.f32 v43, v41;
	v38 =	vld [tilespmem:s24+$0xFFFFFF60];
	(erf) = vpow2.f32 v33  }
0x1fa: {  	v33 =	vsub.f32 $0.0e+00, v34;
	v34 =	vld [tilespmem:s18+$0xFFFFFF60];
	(erf) = vpow2.f32 v25;
	v25 =	vadd.f32 $1.000000000e+00, v27  }
0x1fb: {  	v46 =	vmul.f32 $1.442695020e+00, v24;
	v27 =	vsub.f32 $0.0e+00, v26;
	v28 =	vadd.f32 v28, v35;
	v35 =	vld [tilespmem:s24+$0xFFFFFF70]  }
0x1fc: {  	v40 =	vadd.f32 $1.000000000e+00, v40;
	v33 =	vmul.f32 $1.442695020e+00, v33;
	v26 =	vadd.f32 $1.000000000e+00, v42;
	v39 =	vld [tilespmem:s18+$0xFFFFFF70];
	v41 =	vpop (erf)  }
0x1fd: {  	v27 =	vmul.f32 $1.442695020e+00, v27;
	v47 =	vsub.f32 $0.0e+00, v28;
	v36 =	vadd.f32 v36, v30;
	v43 =	vld [tilespmem:s24+$0xFFFFFF80];
	v44 =	vpop (erf)  }
0x1fe: {  	v30 =	vadd.f32 $1.000000000e+00, v31;
	v28 =	vadd.f32 $1.000000000e+00, v32;
	v45 =	vld [tilespmem:s18+$0xFFFFFF80];
	(erf) = vpow2.f32 v46;
	v24 =	vpop (erf)  }
0x1ff: {  	v32 =	vmul.f32 $1.442695020e+00, v47;
	v36 =	vsub.f32 $0.0e+00, v36;
	v34 =	vadd.f32 v34, v38;
	v38 =	vld [tilespmem:s24+$0xFFFFFF90];
	v42 =	vpop (erf)  }
0x200: {  	v29 =	vadd.f32 $1.000000000e+00, v29;
	v31 =	vadd.f32 $1.000000000e+00, v37;
	v46 =	vld [tilespmem:s18+$0xFFFFFF90];
	(erf) = vpow2.f32 v33;
	v33 =	vpop (erf)  }
0x201: {  	v41 =	vadd.f32 $1.000000000e+00, v41;
	v44 =	vadd.f32 $1.000000000e+00, v44;
	v36 =	vmul.f32 $1.442695020e+00, v36;
	v37 =	vld [tilespmem:s24+$0xFFFFFFA0];
	v47 =	vpop (erf)  }
0x202: {  	v24 =	vadd.f32 $1.000000000e+00, v24;
	v42 =	vadd.f32 $1.000000000e+00, v42;
	v48 =	vld [tilespmem:s18+$0xFFFFFFA0];
	(erf) = vpow2.f32 v27;
	v27 =	vpop (erf)  }
0x203: {  	v33 =	vadd.f32 $1.000000000e+00, v33;
	v47 =	vadd.f32 $1.000000000e+00, v47;
	v49 =	vld [tilespmem:s24+$0xFFFFFFB0];
	(erf) = vpow2.f32 v32;
	v32 =	vpop (erf)  }
0x204: {  	v27 =	vadd.f32 $1.000000000e+00, v27;
	v50 =	vld [tilespmem:s18+$0xFFFFFFB0];
	v32 =	vadd.f32 $1.000000000e+00, v32;
	(erf) = vpow2.f32 v36  }
0x205: {  	v35 =	vadd.f32 v39, v35;
	v39 =	vmul.f32 v44, v41;
	v41 =	vmul.f32 v42, v24;
	v36 =	vld [tilespmem:s24+$0xFFFFFFC0]  }
0x206: {  	v42 =	vadd.f32 v45, v43;
	v33 =	vmul.f32 v47, v33;
	v43 =	vld [tilespmem:s18+$0xFFFFFFC0];
	v27 =	vmul.f32 v32, v27  }
0x207: {  	v24 =	vmul.f32 v20, v25;
	v32 =	vadd.f32 v46, v38;
	v37 =	vadd.f32 v48, v37;
	v38 =	vld [tilespmem:s24+$0xFFFFFFD0];
	v44 =	vpop (erf)  }
0x208: {  	v20 =	vsub.f32 $0.0e+00, v34;
	v34 =	vmul.f32 v41, v39;
	v25 =	vld [tilespmem:s18+$0xFFFFFFD0];
	v27 =	vmul.f32 v27, v33  }
0x209: {  	v22 =	vmul.f32 v40, v22;
	v33 =	vsub.f32 $0.0e+00, v35;
	v35 =	vadd.f32 v50, v49;
	v39 =	vld [tilespmem:s24+$0xFFFFFFE0];
	v41 =	vpop (erf)  }
0x20a: {  	v40 =	vsub.f32 $0.0e+00, v42;
	v32 =	vsub.f32 $0.0e+00, v32;
	v42 =	vld [tilespmem:s18+$0xFFFFFFE0];
	v46 =	vmul.f32 v27, v34  }
0x20b: {  	s20 =	sadd.s32 $0x44, s20;
	v37 =	vsub.f32 $0.0e+00, v37;
	v34 =	vmul.f32 $1.442695020e+00, v20;
	v20 =	vadd.f32 v43, v36;
	v36 =	vld [tilespmem:s24+$0xFFFFFFF0];
	v43 =	vpop (erf)  }
0x20c: {  	v40 =	vmul.f32 $1.442695020e+00, v40;
	v33 =	vmul.f32 $1.442695020e+00, v33;
	v35 =	vsub.f32 $0.0e+00, v35;
	v45 =	vld [tilespmem:s18+$0xFFFFFFF0];
	[tilespmem:s20+$0x11] =	vst v46;
	v27 =	vpop (erf)  }
0x20d: {  	v46 =	vmul.f32 $1.442695020e+00, v32;
	v32 =	vsub.f32 $0.0e+00, v20;
	v25 =	vadd.f32 v25, v38;
	v38 =	vld [tilespmem:s24+$0x0];
	v47 =	vpop (erf)  }
0x20e: {  	v37 =	vmul.f32 $1.442695020e+00, v37;
	v20 =	vadd.f32 $1.000000000e+00, v44;
	v35 =	vmul.f32 $1.442695020e+00, v35;
	v44 =	vld [tilespmem:s18+$0x0]  }
0x20f: {  	v48 =	vmul.f32 $1.442695020e+00, v32;
	v25 =	vsub.f32 $0.0e+00, v25;
	v32 =	vadd.f32 v42, v39;
	v39 =	vld [tilespmem:s24+$0x10]  }
0x210: {  	v41 =	vadd.f32 $1.000000000e+00, v41;
	v42 =	vadd.f32 $1.000000000e+00, v43;
	v43 =	vld [tilespmem:s18+$0x10];
	(erf) = vpow2.f32 v34  }
0x211: {  	v49 =	vmul.f32 $1.442695020e+00, v25;
	v25 =	vsub.f32 $0.0e+00, v32;
	v34 =	vadd.f32 v45, v36;
	v36 =	vld [tilespmem:s24+$0x20]  }
0x212: {  	v27 =	vadd.f32 $1.000000000e+00, v27;
	v45 =	vadd.f32 $1.000000000e+00, v47;
	v47 =	vld [tilespmem:s18+$0x20];
	(erf) = vpow2.f32 v33  }
0x213: {  	v32 =	vmul.f32 $1.442695020e+00, v25;
	v33 =	vsub.f32 $0.0e+00, v34;
	v34 =	vadd.f32 v44, v38;
	v38 =	vld [tilespmem:s24+$0x30]  }
0x214: {  	v21 =	vadd.f32 $1.000000000e+00, v21;
	v25 =	vmul.f32 v42, v41;
	v41 =	vld [tilespmem:s18+$0x30];
	(erf) = vpow2.f32 v40  }
0x215: {  	v33 =	vmul.f32 $1.442695020e+00, v33;
	v34 =	vsub.f32 $0.0e+00, v34;
	v39 =	vadd.f32 v43, v39;
	v40 =	vld [tilespmem:s24+$0x40]  }
0x216: {  	v27 =	vmul.f32 v45, v27;
	v42 =	vld [tilespmem:s18+$0x40];
	(erf) = vpow2.f32 v46  }
0x217: {  	v34 =	vmul.f32 $1.442695020e+00, v34;
	v43 =	vsub.f32 $0.0e+00, v39;
	v36 =	vadd.f32 v47, v36;
	v44 =	vld [tilespmem:s24+$0x50]  }
0x218: {  	v26 =	vmul.f32 v30, v26;
	v45 =	vld [tilespmem:s18+$0x50];
	(erf) = vpow2.f32 v37  }
0x219: {  	v30 =	vmul.f32 $1.442695020e+00, v43;
	v43 =	vsub.f32 $0.0e+00, v36;
	v38 =	vadd.f32 v41, v38;
	v37 =	vld [tilespmem:s24+$0x60];
	v39 =	vpop (erf)  }
.Ltmp2:
0x21a: {  	v28 =	vmul.f32 v31, v28;
	v46 =	vadd.f32 $1.000000000e+00, v39;
	v39 =	vld [tilespmem:s18+$0x60];
	(erf) = vpow2.f32 v35;
	(pc) =	sbr.rel @p0 .LBB2_7-.Ltmp2, $4  }
0x21b: {  	v31 =	vmul.f32 $1.442695020e+00, v43;
	v50 =	vsub.f32 $0.0e+00, v38;
	v42 =	vadd.f32 v42, v40;
	v38 =	vld [tilespmem:s24+$0x70];
	v36 =	vpop (erf)  }
0x21c: {  	v29 =	vmul.f32 v21, v29;
	v47 =	vadd.f32 $1.000000000e+00, v36;
	v40 =	vld [tilespmem:s18+$0x70];
	(erf) = vpow2.f32 v48  }
0x21d: {  	v41 =	vld [tilespmem:s24+$0xFFFFFF00];
	v36 =	vmul.f32 $1.442695020e+00, v50;
	v43 =	vsub.f32 $0.0e+00, v42;
	v42 =	vadd.f32 v45, v44;
	v35 =	vpop (erf)  }
0x21e: {  	s24 =	sadd.s32 $0x200, s24;
	v21 =	vmul.f32 v47, v46;
	v35 =	vadd.f32 $1.000000000e+00, v35;
	(erf) = vpow2.f32 v49  }
0x21f: {  	_ =	sdelay $0x1  }
0x220: {  	(erf) = vpow2.f32 v32  }
0x221: {  	(erf) = vpow2.f32 v33;
	v23 =	vadd.f32 v23, v41  }
0x222: {  	v46 =	vmul.f32 $1.442695020e+00, v43;
	(erf) = vpow2.f32 v34  }
0x223: {  	v48 =	vadd.f32 v39, v37;
	(erf) = vpow2.f32 v30;
	v23 =	vsub.f32 $0.0e+00, v23  }
0x224: {  	v47 =	vsub.f32 $0.0e+00, v42;
	v49 =	vpop (erf);
	v50 =	vadd.f32 v40, v38;
	(erf) = vpow2.f32 v31  }
0x225: {  	v51 =	vpop (erf);
	v33 =	vsub.f32 $0.0e+00, v48;
	(erf) = vpow2.f32 v36;
	v23 =	vmul.f32 $1.442695020e+00, v23  }
0x226: {  	v30 =	vmul.f32 $1.442695020e+00, v47;
	v52 =	vpop (erf);
	v31 =	vsub.f32 $0.0e+00, v50;
	(erf) = vpow2.f32 v46  }
0x227: {  	v54 =	vmul.f32 $1.442695020e+00, v33;
	v53 =	vpop (erf);
	(erf) = vpow2.f32 v23  }
0x228: {  	v31 =	vmul.f32 $1.442695020e+00, v31;
	v55 =	vpop (erf);
	(erf) = vpow2.f32 v30  }
0x229: {  	v56 =	vpop (erf);
	(erf) = vpow2.f32 v54  }
0x22a: {  	v16 =	vmul.f32 v16, v24;
	v58 =	vpop (erf);
	(erf) = vpow2.f32 v31  }
0x22b: {  	v22 =	vmul.f32 v26, v22;
	v39 =	vmul.f32 v29, v28;
	v60 =	vpop (erf)  }
0x22c: {  	v18 =	vmul.f32 v18, v19;
	v57 =	vadd.f32 $1.000000000e+00, v49;
	v21 =	vmul.f32 v21, v27;
	v61 =	vpop (erf)  }
0x22d: {  	v16 =	vmul.f32 v17, v16;
	v59 =	vadd.f32 $1.000000000e+00, v51;
	v36 =	vadd.f32 $1.000000000e+00, v52;
	v62 =	vpop (erf)  }
0x22e: {  	v22 =	vmul.f32 v39, v22;
	v32 =	vadd.f32 $1.000000000e+00, v53;
	v33 =	vadd.f32 $1.000000000e+00, v55;
	v63 =	vpop (erf)  }
0x22f: {  	v34 =	vmul.f32 v36, v59;
	v30 =	vmul.f32 v57, v35;
	v36 =	vadd.f32 $1.000000000e+00, v56;
	v38 =	vpop (erf)  }
0x230: {  	v32 =	vmul.f32 v33, v32;
	v23 =	vadd.f32 $1.000000000e+00, v58;
	v41 =	vadd.f32 $1.000000000e+00, v60;
	v40 =	vpop (erf)  }
0x231: {  	v30 =	vmul.f32 v34, v30;
	v43 =	vadd.f32 $1.000000000e+00, v61;
	v44 =	vadd.f32 $1.000000000e+00, v62;
	v42 =	vpop (erf)  }
0x232: {  	v23 =	vmul.f32 v23, v36;
	v24 =	vadd.f32 $1.000000000e+00, v63;
	v17 =	vadd.f32 $1.000000000e+00, v40;
	v45 =	vpop (erf)  }
0x233: {  	v47 =	vmul.f32 v43, v41;
	v33 =	vadd.f32 $1.000000000e+00, v38;
	v19 =	vadd.f32 $1.000000000e+00, v42;
	v46 =	vpop (erf)  }
0x234: {  	v27 =	vadd.f32 $1.000000000e+00, v45;
	v17 =	vmul.f32 v20, v17;
	v26 =	vadd.f32 $1.000000000e+00, v46  }
0x235: {  	v24 =	vmul.f32 v24, v44;
	v19 =	vmul.f32 v19, v33  }
0x236: {  	v17 =	vmul.f32 v25, v17;
	v26 =	vmul.f32 v26, v27  }
0x237: {  	[tilespmem:s21+$0xFFFFFFDE] =	vst v16;
	v16 =	vmul.f32 v23, v32;
	v20 =	vmul.f32 v24, v47  }
0x238: {  	v49 =	vadd.s32 s19, v0;
	[tilespmem:s21+$0xFFFFFFEF] =	vst v18;
	v17 =	vmul.f32 v21, v17;
	v48 =	vmul.f32 v26, v19  }
0x239: {  	[tilespmem:s21+$0x0] =	vst v22;
	v50 =	vadd.s32 s19, v1;
	v16 =	vmul.f32 v16, v30  }
0x23a: {  	[tilespmem:s20+$0xFFFFFFDE] =	vst v17;
	v17 =	vmul.f32 v48, v20  }
0x23b: {  	[tilespmem:s20+$0xFFFFFFEF] =	vst v16;
	v16 =	vadd.s32 s19, v2  }
0x23c: {  	[tilespmem:s20+$0x0] =	vst v17  }
0x23d: {  	v51 =	vadd.s32 s19, v3;
	v17 =	vld.idx.msk [tilespmem:v49+s31+$0x0], $0xffff  }
0x23e: {  	v52 =	vld.idx.msk [tilespmem:v50+s31+$0x0], $0xffff  }
0x23f: {  	v53 =	vadd.s32 s19, v4  }
0x240: {  	v16 =	vld.idx.msk [tilespmem:v16+s31+$0x0], $0xffff  }
0x241: {  	v54 =	vadd.s32 s19, v5  }
0x242: {  	v18 =	vld.idx.msk [tilespmem:v51+s31+$0x0], $0xffff  }
0x243: {  	v55 =	vadd.s32 s19, v6;
	v17 =	vmul.f32 v52, v17  }
0x244: {  	v20 =	vld.idx.msk [tilespmem:v53+s31+$0x0], $0xffff  }
0x245: {  	v16 =	vmul.f32 v16, v17;
	v17 =	vadd.s32 s19, v7  }
0x246: {  	v21 =	vld.idx.msk [tilespmem:v54+s31+$0x0], $0xffff  }
0x247: {  	v56 =	vadd.s32 s19, v8;
	v16 =	vmul.f32 v18, v16  }
0x248: {  	v19 =	vld.idx.msk [tilespmem:v55+s31+$0x0], $0xffff  }
0x249: {  	v57 =	vadd.s32 s19, v9;
	v16 =	vmul.f32 v20, v16  }
0x24a: {  	v17 =	vld.idx.msk [tilespmem:v17+s31+$0x0], $0xffff  }
0x24b: {  	v58 =	vadd.s32 s19, v10;
	v16 =	vmul.f32 v21, v16  }
0x24c: {  	v18 =	vld.idx.msk [tilespmem:v56+s31+$0x0], $0xffff  }
0x24d: {  	v59 =	vadd.s32 s19, v11;
	v16 =	vmul.f32 v19, v16  }
0x24e: {  	v20 =	vld.idx.msk [tilespmem:v57+s31+$0x0], $0xffff  }
0x24f: {  	v16 =	vmul.f32 v17, v16;
	v17 =	vadd.s32 s19, v12  }
0x250: {  	v21 =	vld.idx.msk [tilespmem:v58+s31+$0x0], $0xffff  }
0x251: {  	v60 =	vadd.s32 s19, v13;
	v16 =	vmul.f32 v18, v16  }
0x252: {  	v19 =	vld.idx.msk [tilespmem:v59+s31+$0x0], $0xffff  }
0x253: {  	v61 =	vadd.s32 s19, v14;
	v16 =	vmul.f32 v20, v16  }
0x254: {  	v17 =	vld.idx.msk [tilespmem:v17+s31+$0x0], $0xffff  }
0x255: {  	v62 =	vadd.s32 s19, v15;
	v16 =	vmul.f32 v21, v16  }
0x256: {  	v18 =	vld.idx.msk [tilespmem:v60+s31+$0x0], $0xffff  }
0x257: {  	v16 =	vmul.f32 v19, v16  }
0x258: {  	v63 =	vld.idx.msk [tilespmem:v61+s31+$0x0], $0xffff  }
0x259: {  	v16 =	vmul.f32 v17, v16  }
0x25a: {  	v17 =	vld.idx.msk [tilespmem:v62+s31+$0x0], $0xffff  }
0x25b: {  	v16 =	vmul.f32 v18, v16;
	_ =	sdelay $0x1  }
0x25c: {  	v16 =	vmul.f32 v63, v16;
	_ =	sdelay $0x1  }
0x25d: {  	v16 =	vmul.f32 v17, v16;
	_ =	sdelay $0x1  }
0x25e: {  	(erf) = vrcp.f32 v16;
	_ =	sdelay $0x3  }
0x25f: {  	s18 =	sshll.u32 s29, $0x4;
	s29 =	sadd.s32 $0x1, s29  }
0x260: {  	p0 =	sne.s32 s29, $0x8  }
.Ltmp3:
0x261: {  	_ = 	snop;
	(pc) =	sbr.rel @p0 .LBB2_6-.Ltmp3, $3  }
0x262: {  	_ =	sdelay $0x1  }
0x263: {  	s18 =	sand.u32 $0x3FFFFFF0, s18;
	v16 =	vpop (erf)  }
0x264: {  	s25 =	sadd.s32 $0x800, s25;
	s15 =	sadd.s32 $0x800, s15;
	s17 =	sadd.s32 $0x110, s17;
	[tilespmem:s18+$0x18480] =	vst v16  }
0x265: {  	_ =	swait.ge [sflag:s3], $0x4000  }
0x266: {  	[sflag:s3] =	ssyncset.done $0x0  }
0x267: {  	[sflag:s3] =	ssyncadd.s32 $0xFFFFC000  }
0x268: {  	_ =	swait.ge [sflag:s3], $0x4000  }
0x269: {  	s29 =	simm.s32 $0x0;
	s25 =	simm.s32 $0x8500;
	[sflag:s3] =	ssyncset.done $0x0  }
0x26a: {  	s15 =	simm.s32 $0x14500;
	s17 =	simm.s32 $0x18622;
	[sflag:s3] =	ssyncadd.s32 $0xFFFFC000  }
.LBB2_10:
0x26b: {  	v16 =	vld [tilespmem:s25+$0x80]  }
0x26c: {  	v18 =	vld [tilespmem:s15+$0x80]  }
0x26d: {  	v19 =	vld [tilespmem:s25+$0x90]  }
0x26e: {  	v20 =	vld [tilespmem:s15+$0x90]  }
0x26f: {  	v21 =	vld [tilespmem:s25+$0xA0]  }
0x270: {  	v22 =	vld [tilespmem:s15+$0xA0]  }
0x271: {  	v23 =	vld [tilespmem:s25+$0xB0]  }
0x272: {  	v24 =	vld [tilespmem:s15+$0xB0]  }
0x273: {  	v25 =	vld [tilespmem:s25+$0xC0]  }
0x274: {  	v26 =	vld [tilespmem:s15+$0xC0]  }
0x275: {  	v27 =	vld [tilespmem:s25+$0xD0]  }
0x276: {  	v28 =	vld [tilespmem:s15+$0xD0]  }
0x277: {  	v29 =	vld [tilespmem:s25+$0xE0]  }
0x278: {  	v30 =	vld [tilespmem:s15+$0xE0]  }
0x279: {  	v31 =	vld [tilespmem:s25+$0xF0]  }
0x27a: {  	v32 =	vld [tilespmem:s15+$0xF0]  }
0x27b: {  	v17 =	vld [tilespmem:s15+$0xFFFFFF00]  }
0x27c: {  	v33 =	vld [tilespmem:s25+$0xFFFFFF10]  }
0x27d: {  	v34 =	vld [tilespmem:s15+$0xFFFFFF10]  }
0x27e: {  	v35 =	vld [tilespmem:s25+$0xFFFFFF20]  }
0x27f: {  	v59 =	vld [tilespmem:s25+$0xFFFFFFA0]  }
0x280: {  	v54 =	vld [tilespmem:s25+$0xFFFFFF00]  }
0x281: {  	v60 =	vld [tilespmem:s15+$0xFFFFFFA0];
	v16 =	vadd.f32 v18, v16;
	v18 =	vadd.f32 v20, v19  }
0x282: {  	v62 =	vld [tilespmem:s25+$0xFFFFFFB0];
	v20 =	vadd.f32 v22, v21;
	v21 =	vadd.f32 v24, v23  }
0x283: {  	v22 =	vld [tilespmem:s25+$0xFFFFFF30];
	v23 =	vadd.f32 v26, v25;
	v25 =	vadd.f32 v28, v27  }
0x284: {  	v24 =	vld [tilespmem:s15+$0xFFFFFF30];
	v27 =	vadd.f32 v30, v29;
	v29 =	vadd.f32 v32, v31  }
0x285: {  	v26 =	vld [tilespmem:s25+$0xFFFFFF40];
	v17 =	vadd.f32 v17, v54;
	v16 =	vsub.f32 $0.0e+00, v16  }
0x286: {  	v28 =	vld [tilespmem:s15+$0xFFFFFF40];
	v18 =	vsub.f32 $0.0e+00, v18;
	v20 =	vsub.f32 $0.0e+00, v20  }
0x287: {  	v39 =	vld [tilespmem:s25+$0xFFFFFFD0];
	v21 =	vsub.f32 $0.0e+00, v21;
	v23 =	vsub.f32 $0.0e+00, v23  }
0x288: {  	v19 =	vld [tilespmem:s15+$0xFFFFFF20];
	v25 =	vsub.f32 $0.0e+00, v25;
	v27 =	vsub.f32 $0.0e+00, v27;
	v16 =	vmul.f32 $1.442695020e+00, v16  }
0x289: {  	v30 =	vld [tilespmem:s25+$0xFFFFFF50];
	v29 =	vsub.f32 $0.0e+00, v29;
	v18 =	vmul.f32 $1.442695020e+00, v18;
	v20 =	vmul.f32 $1.442695020e+00, v20  }
0x28a: {  	v21 =	vmul.f32 $1.442695020e+00, v21;
	v23 =	vmul.f32 $1.442695020e+00, v23;
	v22 =	vadd.f32 v24, v22;
	v24 =	vld [tilespmem:s25+$0xFFFFFF90]  }
0x28b: {  	v25 =	vmul.f32 $1.442695020e+00, v25;
	v26 =	vadd.f32 v28, v26;
	v28 =	vld [tilespmem:s15+$0xFFFFFF90];
	(erf) = vpow2.f32 v16  }
0x28c: {  	v17 =	vsub.f32 $0.0e+00, v17;
	v27 =	vmul.f32 $1.442695020e+00, v27;
	v16 =	vld [tilespmem:s15+$0xFFFFFF50];
	(erf) = vpow2.f32 v18  }
0x28d: {  	v29 =	vmul.f32 $1.442695020e+00, v29;
	v19 =	vadd.f32 v19, v35;
	v18 =	vld [tilespmem:s25+$0xFFFFFF60];
	(erf) = vpow2.f32 v20  }
0x28e: {  	v31 =	vadd.f32 v34, v33;
	v17 =	vmul.f32 $1.442695020e+00, v17;
	v20 =	vld [tilespmem:s15+$0xFFFFFF60];
	(erf) = vpow2.f32 v21  }
0x28f: {  	v40 =	vld [tilespmem:s15+$0xFFFFFFD0];
	v19 =	vsub.f32 $0.0e+00, v19;
	v22 =	vsub.f32 $0.0e+00, v22;
	(erf) = vpow2.f32 v23  }
0x290: {  	v36 =	vld [tilespmem:s15+$0xFFFFFFB0];
	v26 =	vsub.f32 $0.0e+00, v26;
	v24 =	vadd.f32 v28, v24;
	(erf) = vpow2.f32 v25  }
0x291: {  	v19 =	vmul.f32 $1.442695020e+00, v19;
	v25 =	vld [tilespmem:s25+$0xFFFFFF80];
	v16 =	vadd.f32 v16, v30;
	(erf) = vpow2.f32 v27  }
0x292: {  	v27 =	vld [tilespmem:s15+$0xFFFFFF80];
	v24 =	vsub.f32 $0.0e+00, v24;
	(erf) = vpow2.f32 v29;
	v29 =	vsub.f32 $0.0e+00, v31  }
0x293: {  	v38 =	vld [tilespmem:s15+$0xFFFFFFC0];
	v22 =	vmul.f32 $1.442695020e+00, v22;
	v16 =	vsub.f32 $0.0e+00, v16;
	v18 =	vadd.f32 v20, v18  }
0x294: {  	v43 =	vadd.f32 v40, v39;
	v21 =	vld [tilespmem:s25+$0xFFFFFF70];
	v26 =	vmul.f32 $1.442695020e+00, v26;
	v31 =	vpop (erf);
	v29 =	vmul.f32 $1.442695020e+00, v29  }
0x295: {  	v23 =	vld [tilespmem:s15+$0xFFFFFF70];
	v24 =	vmul.f32 $1.442695020e+00, v24;
	v16 =	vmul.f32 $1.442695020e+00, v16;
	v18 =	vsub.f32 $0.0e+00, v18;
	v30 =	vpop (erf)  }
0x296: {  	v63 =	vld [tilespmem:s15+$0x0];
	v20 =	vadd.f32 $1.000000000e+00, v31;
	(erf) = vpow2.f32 v29;
	v30 =	vadd.f32 $1.000000000e+00, v30  }
0x297: {  	v44 =	vld [tilespmem:s25+$0x20];
	v61 =	vpop (erf);
	v25 =	vadd.f32 v27, v25;
	v18 =	vmul.f32 $1.442695020e+00, v18;
	(erf) = vpow2.f32 v19  }
0x298: {  	v48 =	vld [tilespmem:s15+$0x30];
	v34 =	vadd.f32 $1.000000000e+00, v61;
	v29 =	vpop (erf);
	(erf) = vpow2.f32 v22;
	v20 =	vmul.f32 v30, v20  }
0x299: {  	v30 =	vld [tilespmem:s25+$0x0];
	v25 =	vsub.f32 $0.0e+00, v25;
	v19 =	vpop (erf);
	v29 =	vadd.f32 $1.000000000e+00, v29;
	(erf) = vpow2.f32 v26  }
0x29a: {  	v27 =	vld [tilespmem:s15+$0xFFFFFFE0];
	v37 =	vpop (erf);
	v19 =	vadd.f32 $1.000000000e+00, v19;
	(erf) = vpow2.f32 v16;
	v16 =	vadd.f32 v23, v21  }
0x29b: {  	v23 =	vld [tilespmem:s25+$0xFFFFFFE0];
	v25 =	vmul.f32 $1.442695020e+00, v25;
	v22 =	vpop (erf);
	v37 =	vadd.f32 $1.000000000e+00, v37;
	v21 =	vmul.f32 v29, v34  }
0x29c: {  	(erf) = vpow2.f32 v18;
	v18 =	vld [tilespmem:s15+$0x20];
	v34 =	vsub.f32 $0.0e+00, v43;
	v26 =	vpop (erf);
	v16 =	vsub.f32 $0.0e+00, v16  }
0x29d: {  	v41 =	vld [tilespmem:s15+$0x40];
	v22 =	vadd.f32 $1.000000000e+00, v22;
	v26 =	vadd.f32 $1.000000000e+00, v26;
	v19 =	vmul.f32 v37, v19  }
0x29e: {  	v51 =	vld [tilespmem:s25+$0x60];
	v20 =	vmul.f32 v21, v20;
	v30 =	vadd.f32 v63, v30;
	v16 =	vmul.f32 $1.442695020e+00, v16  }
0x29f: {  	v28 =	vadd.f32 v60, v59;
	v31 =	vld [tilespmem:s25+$0xFFFFFFC0];
	v34 =	vmul.f32 $1.442695020e+00, v34;
	v22 =	vmul.f32 v26, v22  }
0x2a0: {  	v29 =	vld [tilespmem:s15+$0xFFFFFFF0];
	v33 =	vpop (erf);
	v23 =	vadd.f32 v27, v23;
	v30 =	vsub.f32 $0.0e+00, v30;
	(erf) = vpow2.f32 v16  }
0x2a1: {  	v26 =	vld [tilespmem:s25+$0xFFFFFFF0];
	v45 =	vpop (erf);
	v18 =	vadd.f32 v18, v44;
	v19 =	vmul.f32 v22, v19;
	v22 =	vadd.f32 v36, v62  }
0x2a2: {  	v52 =	vld [tilespmem:s25+$0x70];
	v46 =	vpop (erf);
	v36 =	vadd.f32 $1.000000000e+00, v45;
	v23 =	vsub.f32 $0.0e+00, v23;
	(erf) = vpow2.f32 v25  }
0x2a3: {  	v27 =	vld [tilespmem:s25+$0x30];
	v37 =	vadd.f32 $1.000000000e+00, v46;
	(erf) = vpow2.f32 v24;
	v18 =	vsub.f32 $0.0e+00, v18  }
0x2a4: {  	v47 =	vpop (erf);
	v24 =	vld [tilespmem:s15+$0x60];
	v21 =	vmul.f32 v19, v20;
	v19 =	vsub.f32 $0.0e+00, v28;
	v28 =	vadd.f32 v38, v31  }
0x2a5: {  	v30 =	vmul.f32 $1.442695020e+00, v30;
	v20 =	vld [tilespmem:s25+$0x10];
	v22 =	vsub.f32 $0.0e+00, v22;
	v16 =	vpop (erf);
	v38 =	vadd.f32 $1.000000000e+00, v47  }
0x2a6: {  	v31 =	vld [tilespmem:s15+$0x10];
	v23 =	vmul.f32 $1.442695020e+00, v23;
	v26 =	vadd.f32 v29, v26;
	v49 =	vadd.f32 $1.000000000e+00, v16  }
0x2a7: {  	v29 =	vld [tilespmem:s25+$0x40];
	v16 =	vmul.f32 v37, v36;
	v18 =	vmul.f32 $1.442695020e+00, v18;
	v28 =	vsub.f32 $0.0e+00, v28  }
0x2a8: {  	v53 =	vld [tilespmem:s15+$0x70];
	s18 =	sadd.s32 $0x200, s15;
	v19 =	vmul.f32 $1.442695020e+00, v19;
	v22 =	vmul.f32 $1.442695020e+00, v22  }
0x2a9: {  	s21 =	sadd.s32 $0x200, s25;
	v55 =	vld [tilespmem:s18+$0x80];
	v26 =	vsub.f32 $0.0e+00, v26;
	v50 =	vmul.f32 v49, v38;
	v28 =	vmul.f32 $1.442695020e+00, v28  }
0x2aa: {  	v56 =	vld [tilespmem:s21+$0xA0];
	(erf) = vpow2.f32 v19;
	v19 =	vadd.f32 v48, v27;
	v27 =	vpop (erf);
	v24 =	vadd.f32 v24, v51  }
0x2ab: {  	v25 =	vld [tilespmem:s25+$0x50];
	v20 =	vadd.f32 v31, v20;
	v26 =	vmul.f32 $1.442695020e+00, v26;
	v27 =	vadd.f32 $1.000000000e+00, v27  }
0x2ac: {  	v31 =	vld [tilespmem:s15+$0x50];
	(erf) = vpow2.f32 v22;
	v19 =	vsub.f32 $0.0e+00, v19;
	v22 =	vadd.f32 v41, v29  }
0x2ad: {  	v57 =	vld [tilespmem:s18+$0xA0];
	v29 =	vpop (erf);
	(erf) = vpow2.f32 v28;
	v24 =	vsub.f32 $0.0e+00, v24;
	v20 =	vsub.f32 $0.0e+00, v20  }
0x2ae: {  	v28 =	vld [tilespmem:s21+$0x80];
	v29 =	vadd.f32 $1.000000000e+00, v29;
	(erf) = vpow2.f32 v34;
	v19 =	vmul.f32 $1.442695020e+00, v19  }
0x2af: {  	v58 =	vld [tilespmem:s21+$0xB0];
	(erf) = vpow2.f32 v23;
	v24 =	vmul.f32 $1.442695020e+00, v24  }
0x2b0: {  	v42 =	vld [tilespmem:s18+$0xD0];
	v22 =	vsub.f32 $0.0e+00, v22;
	v20 =	vmul.f32 $1.442695020e+00, v20;
	v27 =	vmul.f32 v29, v27  }
0x2b1: {  	v54 =	vld [tilespmem:s21+$0xFFFFFF30];
	(erf) = vpow2.f32 v26;
	v26 =	vadd.f32 v53, v52;
	v25 =	vadd.f32 v31, v25;
	v31 =	vpop (erf)  }
0x2b2: {  	v23 =	vld [tilespmem:s21+$0x90];
	(erf) = vpow2.f32 v30;
	v22 =	vmul.f32 $1.442695020e+00, v22;
	v29 =	vadd.f32 $1.000000000e+00, v31  }
0x2b3: {  	v31 =	vld [tilespmem:s18+$0x90];
	v30 =	vpop (erf);
	v26 =	vsub.f32 $0.0e+00, v26;
	(erf) = vpow2.f32 v20;
	v28 =	vadd.f32 v55, v28  }
0x2b4: {  	v60 =	vld [tilespmem:s18+$0xB0];
	v25 =	vsub.f32 $0.0e+00, v25;
	v30 =	vadd.f32 $1.000000000e+00, v30;
	(erf) = vpow2.f32 v18  }
0x2b5: {  	v63 =	vld [tilespmem:s18+$0xC0];
	v59 =	vpop (erf);
	v26 =	vmul.f32 $1.442695020e+00, v26;
	(erf) = vpow2.f32 v19;
	v28 =	vsub.f32 $0.0e+00, v28  }
0x2b6: {  	v45 =	vld [tilespmem:s21+$0xD0];
	v25 =	vmul.f32 $1.442695020e+00, v25;
	v20 =	vadd.f32 $1.000000000e+00, v59;
	v61 =	vpop (erf);
	v29 =	vmul.f32 v30, v29  }
0x2b7: {  	v49 =	vld [tilespmem:s18+$0xE0];
	(erf) = vpow2.f32 v22;
	v38 =	vadd.f32 $1.000000000e+00, v61;
	v62 =	vpop (erf);
	v28 =	vmul.f32 $1.442695020e+00, v28  }
0x2b8: {  	v18 =	vld [tilespmem:s21+$0xC0];
	v19 =	vadd.f32 $1.000000000e+00, v62;
	v30 =	vpop (erf);
	(erf) = vpow2.f32 v17;
	v23 =	vadd.f32 v31, v23  }
0x2b9: {  	v51 =	vld [tilespmem:s18+$0xFFFFFF10];
	v17 =	vmul.f32 v27, v50;
	v31 =	vadd.f32 v60, v58;
	v22 =	vadd.f32 $1.000000000e+00, v30  }
0x2ba: {  	v30 =	vmul.f32 v38, v20;
	v46 =	vpop (erf);
	v20 =	vadd.f32 $1.000000000e+00, v33;
	(erf) = vpow2.f32 v25;
	v25 =	vld [tilespmem:s21+$0xE0]  }
0x2bb: {  	v52 =	vld [tilespmem:s21+$0xFFFFFF20];
	v27 =	vpop (erf);
	v47 =	vadd.f32 $1.000000000e+00, v46;
	(erf) = vpow2.f32 v24;
	v23 =	vsub.f32 $0.0e+00, v23  }
0x2bc: {  	v53 =	vld [tilespmem:s18+$0xFFFFFF20];
	v31 =	vsub.f32 $0.0e+00, v31;
	v48 =	vmul.f32 v22, v19;
	v27 =	vadd.f32 $1.000000000e+00, v27;
	v19 =	vpop (erf)  }
0x2bd: {  	v24 =	vld [tilespmem:s21+$0xF0];
	(erf) = vpow2.f32 v26;
	v26 =	vadd.f32 v63, v18;
	v22 =	vadd.f32 $1.000000000e+00, v19  }
0x2be: {  	v19 =	vmul.f32 v30, v29;
	v29 =	vld [tilespmem:s18+$0xF0];
	v30 =	vadd.f32 v57, v56;
	v27 =	vmul.f32 v27, v47  }
0x2bf: {  	v59 =	vld [tilespmem:s18+$0xFFFFFF50];
	v23 =	vmul.f32 $1.442695020e+00, v23;
	(erf) = vpow2.f32 v28;
	v25 =	vadd.f32 v49, v25  }
0x2c0: {  	v50 =	vld [tilespmem:s21+$0xFFFFFF10];
	v18 =	vmul.f32 v27, v48;
	v27 =	vadd.f32 v42, v45;
	v30 =	vsub.f32 $0.0e+00, v30  }
0x2c1: {  	v31 =	vmul.f32 $1.442695020e+00, v31;
	v26 =	vsub.f32 $0.0e+00, v26;
	v57 =	vld [tilespmem:s21+$0xFFFFFF50];
	v25 =	vsub.f32 $0.0e+00, v25  }
0x2c2: {  	v28 =	vld [tilespmem:s18+$0xFFFFFF30];
	v55 =	vpop (erf);
	(erf) = vpow2.f32 v23;
	v30 =	vmul.f32 $1.442695020e+00, v30;
	v27 =	vsub.f32 $0.0e+00, v27  }
0x2c3: {  	v23 =	vld [tilespmem:s21+$0xFFFFFF40];
	v26 =	vmul.f32 $1.442695020e+00, v26;
	v24 =	vadd.f32 v29, v24;
	v25 =	vmul.f32 $1.442695020e+00, v25  }
0x2c4: {  	v37 =	vadd.f32 $1.000000000e+00, v55;
	v55 =	vld [tilespmem:s21+$0xFFFFFFA0];
	v29 =	vpop (erf);
	(erf) = vpow2.f32 v30;
	v27 =	vmul.f32 $1.442695020e+00, v27  }
0x2c5: {  	v30 =	vld [tilespmem:s18+$0xFFFFFF40];
	v56 =	vpop (erf);
	v24 =	vsub.f32 $0.0e+00, v24;
	(erf) = vpow2.f32 v31;
	v31 =	vadd.f32 v51, v50  }
0x2c6: {  	v48 =	vld [tilespmem:s18+$0xFFFFFFA0];
	v32 =	vadd.f32 v59, v57;
	v58 =	vpop (erf);
	(erf) = vpow2.f32 v26;
	v26 =	vadd.f32 v53, v52  }
0x2c7: {  	v49 =	vld [tilespmem:s21+$0xFFFFFFB0];
	v60 =	vpop (erf);
	v24 =	vmul.f32 $1.442695020e+00, v24;
	(erf) = vpow2.f32 v27;
	v31 =	vsub.f32 $0.0e+00, v31  }
0x2c8: {  	v38 =	vadd.f32 $1.000000000e+00, v56;
	v27 =	vadd.f32 v28, v54;
	v28 =	vld [tilespmem:s21+$0xFFFFFF60];
	v61 =	vpop (erf);
	(erf) = vpow2.f32 v25  }
0x2c9: {  	v25 =	vsub.f32 $0.0e+00, v26;
	v26 =	vld [tilespmem:s18+$0xFFFFFF60];
	v62 =	vpop (erf);
	(erf) = vpow2.f32 v24;
	v31 =	vmul.f32 $1.442695020e+00, v31  }
0x2ca: {  	v32 =	vsub.f32 $0.0e+00, v32;
	v50 =	vld [tilespmem:s18+$0xFFFFFFB0];
	v40 =	vpop (erf);
	v23 =	vadd.f32 v30, v23  }
0x2cb: {  	v43 =	vld [tilespmem:s18+$0xFFFFFF80];
	v39 =	vadd.f32 v48, v55;
	v27 =	vsub.f32 $0.0e+00, v27;
	v25 =	vmul.f32 $1.442695020e+00, v25;
	v51 =	vpop (erf)  }
0x2cc: {  	v63 =	vld [tilespmem:s21+$0xFFFFFF70];
	v44 =	vadd.f32 $1.000000000e+00, v58;
	v23 =	vsub.f32 $0.0e+00, v23;
	v53 =	vpop (erf)  }
0x2cd: {  	v45 =	vld [tilespmem:s18+$0xFFFFFF90];
	v36 =	vadd.f32 $1.000000000e+00, v61;
	v27 =	vmul.f32 $1.442695020e+00, v27;
	(erf) = vpow2.f32 v31;
	v31 =	vpop (erf)  }
0x2ce: {  	v59 =	vld [tilespmem:s21+$0xFFFFFFD0];
	v24 =	vadd.f32 $1.000000000e+00, v60;
	v23 =	vmul.f32 $1.442695020e+00, v23;
	v26 =	vadd.f32 v26, v28;
	v28 =	vpop (erf)  }
0x2cf: {  	v56 =	vld [tilespmem:s21+$0xFFFFFFC0];
	v46 =	vadd.f32 $1.000000000e+00, v62;
	v60 =	vadd.f32 v50, v49;
	(erf) = vpow2.f32 v25;
	v25 =	vpop (erf)  }
0x2d0: {  	v22 =	vmul.f32 v37, v22;
	v30 =	vld [tilespmem:s18+$0xFFFFFF70];
	v41 =	vadd.f32 $1.000000000e+00, v51;
	v42 =	vadd.f32 $1.000000000e+00, v53;
	v47 =	vpop (erf)  }
0x2d1: {  	v52 =	vld [tilespmem:s21+$0xFFFFFF80];
	v35 =	vsub.f32 $0.0e+00, v60;
	v31 =	vadd.f32 $1.000000000e+00, v31;
	(erf) = vpow2.f32 v27;
	v27 =	vpop (erf)  }
0x2d2: {  	v58 =	vld [tilespmem:s18+$0xFFFFFFC0];
	(erf) = vpow2.f32 v23;
	v25 =	vadd.f32 $1.000000000e+00, v25;
	v47 =	vadd.f32 $1.000000000e+00, v47;
	v23 =	vpop (erf)  }
0x2d3: {  	v54 =	vld [tilespmem:s21+$0xFFFFFF90];
	v32 =	vmul.f32 $1.442695020e+00, v32;
	v27 =	vadd.f32 $1.000000000e+00, v27;
	v23 =	vadd.f32 $1.000000000e+00, v23  }
0x2d4: {  	v24 =	vmul.f32 v20, v24;
	v28 =	vadd.f32 $1.000000000e+00, v28;
	v20 =	vsub.f32 $0.0e+00, v26;
	v26 =	vld [tilespmem:s18+$0xFFFFFFD0]  }
0x2d5: {  	v61 =	vld [tilespmem:s18+$0xFFFFFFE0];
	v30 =	vadd.f32 v30, v63;
	v25 =	vmul.f32 v47, v25;
	v23 =	vmul.f32 v23, v27  }
0x2d6: {  	v62 =	vld [tilespmem:s18+$0xFFFFFFF0];
	v57 =	vmul.f32 v42, v41;
	v28 =	vmul.f32 v28, v31;
	v31 =	vadd.f32 v43, v52  }
0x2d7: {  	(erf) = vpow2.f32 v32;
	v23 =	vmul.f32 v23, v25;
	v25 =	vsub.f32 $0.0e+00, v30;
	v30 =	vld [tilespmem:s21+$0xFFFFFFE0]  }
0x2d8: {  	v51 =	vld [tilespmem:s18+$0x20];
	v35 =	vmul.f32 $1.442695020e+00, v35;
	v31 =	vsub.f32 $0.0e+00, v31;
	v27 =	vadd.f32 v45, v54  }
0x2d9: {  	v63 =	vld [tilespmem:s21+$0x0];
	v20 =	vmul.f32 $1.442695020e+00, v20;
	v28 =	vmul.f32 v28, v57;
	v26 =	vadd.f32 v26, v59  }
0x2da: {  	v32 =	vadd.f32 v58, v56;
	v56 =	vld [tilespmem:s21+$0x10];
	v31 =	vmul.f32 $1.442695020e+00, v31;
	v27 =	vsub.f32 $0.0e+00, v27  }
0x2db: {  	v26 =	vsub.f32 $0.0e+00, v26;
	v41 =	vmul.f32 v23, v28;
	v23 =	vld [tilespmem:s21+$0xFFFFFFF0];
	v28 =	vsub.f32 $0.0e+00, v39  }
0x2dc: {  	v58 =	vld [tilespmem:s18+$0x10];
	v39 =	vpop (erf);
	v43 =	vmul.f32 $1.442695020e+00, v27;
	v27 =	vsub.f32 $0.0e+00, v32;
	v30 =	vadd.f32 v61, v30  }
0x2dd: {  	v29 =	vadd.f32 $1.000000000e+00, v29;
	v54 =	vld [tilespmem:s18+$0x0];
	v50 =	vmul.f32 $1.442695020e+00, v26;
	v25 =	vmul.f32 $1.442695020e+00, v25;
	v53 =	vpop (erf)  }
0x2de: {  	(erf) = vpow2.f32 v20;
	v55 =	vpop (erf);
	v49 =	vmul.f32 $1.442695020e+00, v27;
	v27 =	vsub.f32 $0.0e+00, v30;
	v30 =	vld [tilespmem:s21+$0x20]  }
0x2df: {  	v52 =	vld [tilespmem:s18+$0x50];
	v28 =	vmul.f32 $1.442695020e+00, v28;
	v42 =	vadd.f32 $1.000000000e+00, v53;
	v57 =	vadd.f32 $1.000000000e+00, v55;
	v20 =	vpop (erf)  }
0x2e0: {  	v59 =	vld [tilespmem:s21+$0x30];
	(erf) = vpow2.f32 v25;
	v26 =	vadd.f32 $1.000000000e+00, v20;
	v20 =	vpop (erf);
	v23 =	vadd.f32 v62, v23  }
0x2e1: {  	v61 =	vld [tilespmem:s18+$0x30];
	(erf) = vpow2.f32 v31;
	v31 =	vadd.f32 v58, v56;
	v60 =	vadd.f32 $1.000000000e+00, v20  }
0x2e2: {  	v62 =	vld [tilespmem:s21+$0x40];
	v32 =	vmul.f32 $1.442695020e+00, v27;
	v23 =	vsub.f32 $0.0e+00, v23;
	v27 =	vadd.f32 v54, v63  }
0x2e3: {  	v25 =	vmul.f32 v57, v42;
	(erf) = vpow2.f32 v43;
	v57 =	vld [tilespmem:s21+$0x50];
	v56 =	vadd.f32 v51, v30  }
0x2e4: {  	v31 =	vsub.f32 $0.0e+00, v31;
	v63 =	vld [tilespmem:s18+$0x40];
	v33 =	vmul.f32 $1.442695020e+00, v23;
	v23 =	vsub.f32 $0.0e+00, v27  }
0x2e5: {  	v27 =	vmul.f32 v60, v26;
	v26 =	vmul.f32 v38, v29;
	v29 =	vsub.f32 $0.0e+00, v56  }
0x2e6: {  	s20 =	sadd.s32 $0x44, s17;
	v37 =	vld [tilespmem:s21+$0x60];
	v40 =	vadd.f32 $1.000000000e+00, v40;
	(erf) = vpow2.f32 v28;
	v58 =	vadd.f32 v61, v59  }
0x2e7: {  	[tilespmem:s20+$0x11] =	vst v41;
	v41 =	vld [tilespmem:s21+$0xFFFFFF00];
	v20 =	vadd.f32 $1.000000000e+00, v39;
	v30 =	vmul.f32 $1.442695020e+00, v31;
	v28 =	vpop (erf);
	(erf) = vpow2.f32 v35  }
0x2e8: {  	v39 =	vld [tilespmem:s18+$0x60];
	v60 =	vsub.f32 $0.0e+00, v58;
	v42 =	vadd.f32 v52, v57;
	v34 =	vmul.f32 $1.442695020e+00, v23  }
0x2e9: {  	v38 =	vld [tilespmem:s21+$0x70];
	v59 =	vadd.f32 $1.000000000e+00, v28;
	v61 =	vadd.f32 v63, v62;
	v31 =	vmul.f32 $1.442695020e+00, v29;
	v29 =	vpop (erf)  }
0x2ea: {  	(erf) = vpow2.f32 v49;
	v62 =	vadd.f32 $1.000000000e+00, v29;
	v29 =	vmul.f32 v40, v46;
	v40 =	vld [tilespmem:s18+$0x70]  }
0x2eb: {  	s19 =	smul.u32 $0x110, s29;
	v23 =	vld [tilespmem:s18+$0xFFFFFF00];
	v28 =	vmul.f32 v36, v44;
	v36 =	vmul.f32 $1.442695020e+00, v60;
	v43 =	vsub.f32 $0.0e+00, v61;
	v63 =	vpop (erf)  }
0x2ec: {  	s23 =	simm.s32 $0x4;
	s24 =	sadd.s32 $0x200, s21;
	[tilespmem:s17+$0x11] =	vst v21;
	s21 =	smov.u32 s17;
	(erf) = vpow2.f32 v50;
	v35 =	vadd.f32 $1.000000000e+00, v63;
	v21 =	vmul.f32 v62, v59  }
.LBB2_11:
0x2ed: {  	v44 =	vld [tilespmem:s24+$0x80];
	v43 =	vmul.f32 $1.442695020e+00, v43;
	v42 =	vsub.f32 $0.0e+00, v42;
	v37 =	vadd.f32 v39, v37;
	s18 =	sadd.s32 $0x200, s18;
	v39 =	vpop (erf)  }
0x2ee: {  	v24 =	vmul.f32 v16, v24;
	v16 =	vmovc v25;
	v45 =	vld [tilespmem:s18+$0x80];
	v39 =	vadd.f32 $1.000000000e+00, v39;
	(erf) = vpow2.f32 v32  }
0x2ef: {  	v25 =	vld [tilespmem:s24+$0x90];
	v32 =	vmul.f32 $1.442695020e+00, v42;
	v37 =	vsub.f32 $0.0e+00, v37;
	v38 =	vadd.f32 v40, v38;
	v40 =	vpop (erf)  }
0x2f0: {  	v42 =	vld [tilespmem:s18+$0x90];
	v23 =	vadd.f32 v23, v41;
	v40 =	vadd.f32 $1.000000000e+00, v40;
	(erf) = vpow2.f32 v33  }
0x2f1: {  	v33 =	vld [tilespmem:s24+$0xA0];
	v37 =	vmul.f32 $1.442695020e+00, v37;
	v38 =	vsub.f32 $0.0e+00, v38;
	v41 =	vpop (erf);
	(erf) = vpow2.f32 v34  }
0x2f2: {  	v34 =	vld [tilespmem:s18+$0xA0];
	v23 =	vsub.f32 $0.0e+00, v23;
	v41 =	vadd.f32 $1.000000000e+00, v41;
	(erf) = vpow2.f32 v30  }
0x2f3: {  	v30 =	vld [tilespmem:s24+$0xB0];
	v38 =	vmul.f32 $1.442695020e+00, v38;
	v46 =	vpop (erf);
	(erf) = vpow2.f32 v31  }
0x2f4: {  	v31 =	vld [tilespmem:s18+$0xB0];
	v47 =	vmul.f32 $1.442695020e+00, v23;
	v46 =	vadd.f32 $1.000000000e+00, v46;
	(erf) = vpow2.f32 v36  }
0x2f5: {  	v35 =	vmul.f32 v39, v35;
	v36 =	vld [tilespmem:s24+$0xC0];
	v39 =	vpop (erf);
	(erf) = vpow2.f32 v43  }
0x2f6: {  	v40 =	vmul.f32 v41, v40;
	v43 =	vld [tilespmem:s18+$0xC0];
	v48 =	vadd.f32 $1.000000000e+00, v39;
	(erf) = vpow2.f32 v47  }
0x2f7: {  	v21 =	vmul.f32 v21, v27;
	v41 =	vld [tilespmem:s24+$0xD0];
	v23 =	vpop (erf);
	(erf) = vpow2.f32 v32  }
0x2f8: {  	v27 =	vld [tilespmem:s18+$0xD0];
	v23 =	vadd.f32 $1.000000000e+00, v23;
	v32 =	vmul.f32 v48, v46;
	(erf) = vpow2.f32 v37  }
0x2f9: {  	v35 =	vmul.f32 v40, v35;
	v37 =	vld [tilespmem:s24+$0xE0];
	v39 =	vpop (erf);
	(erf) = vpow2.f32 v38  }
0x2fa: {  	v26 =	vmul.f32 v26, v22;
	v28 =	vmul.f32 v29, v28;
	v38 =	vld [tilespmem:s18+$0xE0];
	v39 =	vadd.f32 $1.000000000e+00, v39;
	v40 =	vpop (erf)  }
0x2fb: {  	v19 =	vmul.f32 v18, v19;
	v17 =	vmul.f32 v17, v24;
	v29 =	vld [tilespmem:s24+$0xF0];
	v22 =	vadd.f32 $1.000000000e+00, v40;
	v40 =	vpop (erf)  }
0x2fc: {  	v18 =	vadd.f32 v45, v44;
	v24 =	vadd.f32 v42, v25;
	v25 =	vld [tilespmem:s18+$0xF0];
	v39 =	vmul.f32 v39, v23;
	v42 =	vpop (erf)  }
0x2fd: {  	v44 =	vmul.f32 v28, v26;
	v33 =	vadd.f32 v34, v33;
	v30 =	vadd.f32 v31, v30;
	v23 =	vld [tilespmem:s18+$0xFFFFFF00];
	v31 =	vpop (erf);
	[tilespmem:s21+$0xFFFFFFDE] =	vst v17  }
0x2fe: {  	s23 =	sadd.s32 $0x4, s23;
	v28 =	vsub.f32 $0.0e+00, v18;
	v34 =	vadd.f32 v43, v36;
	v26 =	vld [tilespmem:s24+$0xFFFFFF10];
	v18 =	vmul.f32 v39, v32;
	v32 =	vpop (erf);
	[tilespmem:s21+$0xFFFFFFEF] =	vst v19  }
0x2ff: {  	p0 =	slt.u32 s23, $0xC;
	v17 =	vmov v21;
	v19 =	vsub.f32 $0.0e+00, v24;
	v24 =	vadd.f32 v27, v41;
	v36 =	vld [tilespmem:s18+$0xFFFFFF10];
	v27 =	vpop (erf);
	[tilespmem:s21+$0x0] =	vst v44;
	s21 =	smov.u32 s20  }
0x300: {  	v43 =	vmul.f32 $1.442695020e+00, v28;
	v28 =	vsub.f32 $0.0e+00, v33;
	v33 =	vadd.f32 v38, v37;
	v39 =	vld [tilespmem:s24+$0xFFFFFF20];
	v37 =	vpop (erf)  }
0x301: {  	v30 =	vsub.f32 $0.0e+00, v30;
	v44 =	vmul.f32 $1.442695020e+00, v19;
	v38 =	vld [tilespmem:s18+$0xFFFFFF20];
	v25 =	vadd.f32 v25, v29;
	v29 =	vpop (erf)  }
0x302: {  	v28 =	vmul.f32 $1.442695020e+00, v28;
	v34 =	vsub.f32 $0.0e+00, v34;
	v41 =	vld [tilespmem:s24+$0xFFFFFF30];
	(erf) = vpow2.f32 v43;
	v21 =	vpop (erf)  }
0x303: {  	v30 =	vmul.f32 $1.442695020e+00, v30;
	v24 =	vsub.f32 $0.0e+00, v24;
	v19 =	vmovc v35;
	v43 =	vld [tilespmem:s18+$0xFFFFFF30];
	(erf) = vpow2.f32 v44  }
0x304: {  	v34 =	vmul.f32 $1.442695020e+00, v34;
	v33 =	vsub.f32 $0.0e+00, v33;
	v35 =	vld [tilespmem:s24+$0xFFFFFF40];
	(erf) = vpow2.f32 v28  }
0x305: {  	v24 =	vmul.f32 $1.442695020e+00, v24;
	v25 =	vsub.f32 $0.0e+00, v25;
	v28 =	vld [tilespmem:s18+$0xFFFFFF40];
	(erf) = vpow2.f32 v30  }
0x306: {  	v33 =	vmul.f32 $1.442695020e+00, v33;
	v26 =	vadd.f32 v36, v26;
	v30 =	vld [tilespmem:s24+$0xFFFFFF50];
	(erf) = vpow2.f32 v34  }
0x307: {  	v25 =	vmul.f32 $1.442695020e+00, v25;
	v34 =	vadd.f32 v38, v39;
	v36 =	vld [tilespmem:s18+$0xFFFFFF50];
	(erf) = vpow2.f32 v24  }
0x308: {  	v24 =	vsub.f32 $0.0e+00, v26;
	v26 =	vadd.f32 v43, v41;
	v38 =	vld [tilespmem:s24+$0xFFFFFF60];
	(erf) = vpow2.f32 v33  }
0x309: {  	v33 =	vsub.f32 $0.0e+00, v34;
	v34 =	vld [tilespmem:s18+$0xFFFFFF60];
	(erf) = vpow2.f32 v25;
	v25 =	vadd.f32 $1.000000000e+00, v27  }
0x30a: {  	v46 =	vmul.f32 $1.442695020e+00, v24;
	v27 =	vsub.f32 $0.0e+00, v26;
	v28 =	vadd.f32 v28, v35;
	v35 =	vld [tilespmem:s24+$0xFFFFFF70]  }
0x30b: {  	v40 =	vadd.f32 $1.000000000e+00, v40;
	v33 =	vmul.f32 $1.442695020e+00, v33;
	v26 =	vadd.f32 $1.000000000e+00, v42;
	v39 =	vld [tilespmem:s18+$0xFFFFFF70];
	v41 =	vpop (erf)  }
0x30c: {  	v27 =	vmul.f32 $1.442695020e+00, v27;
	v47 =	vsub.f32 $0.0e+00, v28;
	v36 =	vadd.f32 v36, v30;
	v43 =	vld [tilespmem:s24+$0xFFFFFF80];
	v44 =	vpop (erf)  }
0x30d: {  	v30 =	vadd.f32 $1.000000000e+00, v31;
	v28 =	vadd.f32 $1.000000000e+00, v32;
	v45 =	vld [tilespmem:s18+$0xFFFFFF80];
	(erf) = vpow2.f32 v46;
	v24 =	vpop (erf)  }
0x30e: {  	v32 =	vmul.f32 $1.442695020e+00, v47;
	v36 =	vsub.f32 $0.0e+00, v36;
	v34 =	vadd.f32 v34, v38;
	v38 =	vld [tilespmem:s24+$0xFFFFFF90];
	v42 =	vpop (erf)  }
0x30f: {  	v29 =	vadd.f32 $1.000000000e+00, v29;
	v31 =	vadd.f32 $1.000000000e+00, v37;
	v46 =	vld [tilespmem:s18+$0xFFFFFF90];
	(erf) = vpow2.f32 v33;
	v33 =	vpop (erf)  }
0x310: {  	v41 =	vadd.f32 $1.000000000e+00, v41;
	v44 =	vadd.f32 $1.000000000e+00, v44;
	v36 =	vmul.f32 $1.442695020e+00, v36;
	v37 =	vld [tilespmem:s24+$0xFFFFFFA0];
	v47 =	vpop (erf)  }
0x311: {  	v24 =	vadd.f32 $1.000000000e+00, v24;
	v42 =	vadd.f32 $1.000000000e+00, v42;
	v48 =	vld [tilespmem:s18+$0xFFFFFFA0];
	(erf) = vpow2.f32 v27;
	v27 =	vpop (erf)  }
0x312: {  	v33 =	vadd.f32 $1.000000000e+00, v33;
	v47 =	vadd.f32 $1.000000000e+00, v47;
	v49 =	vld [tilespmem:s24+$0xFFFFFFB0];
	(erf) = vpow2.f32 v32;
	v32 =	vpop (erf)  }
0x313: {  	v27 =	vadd.f32 $1.000000000e+00, v27;
	v50 =	vld [tilespmem:s18+$0xFFFFFFB0];
	v32 =	vadd.f32 $1.000000000e+00, v32;
	(erf) = vpow2.f32 v36  }
0x314: {  	v35 =	vadd.f32 v39, v35;
	v39 =	vmul.f32 v44, v41;
	v41 =	vmul.f32 v42, v24;
	v36 =	vld [tilespmem:s24+$0xFFFFFFC0]  }
0x315: {  	v42 =	vadd.f32 v45, v43;
	v33 =	vmul.f32 v47, v33;
	v43 =	vld [tilespmem:s18+$0xFFFFFFC0];
	v27 =	vmul.f32 v32, v27  }
0x316: {  	v24 =	vmul.f32 v20, v25;
	v32 =	vadd.f32 v46, v38;
	v37 =	vadd.f32 v48, v37;
	v38 =	vld [tilespmem:s24+$0xFFFFFFD0];
	v44 =	vpop (erf)  }
0x317: {  	v20 =	vsub.f32 $0.0e+00, v34;
	v34 =	vmul.f32 v41, v39;
	v25 =	vld [tilespmem:s18+$0xFFFFFFD0];
	v27 =	vmul.f32 v27, v33  }
0x318: {  	v22 =	vmul.f32 v40, v22;
	v33 =	vsub.f32 $0.0e+00, v35;
	v35 =	vadd.f32 v50, v49;
	v39 =	vld [tilespmem:s24+$0xFFFFFFE0];
	v41 =	vpop (erf)  }
0x319: {  	v40 =	vsub.f32 $0.0e+00, v42;
	v32 =	vsub.f32 $0.0e+00, v32;
	v42 =	vld [tilespmem:s18+$0xFFFFFFE0];
	v46 =	vmul.f32 v27, v34  }
0x31a: {  	s20 =	sadd.s32 $0x44, s20;
	v37 =	vsub.f32 $0.0e+00, v37;
	v34 =	vmul.f32 $1.442695020e+00, v20;
	v20 =	vadd.f32 v43, v36;
	v36 =	vld [tilespmem:s24+$0xFFFFFFF0];
	v43 =	vpop (erf)  }
0x31b: {  	v40 =	vmul.f32 $1.442695020e+00, v40;
	v33 =	vmul.f32 $1.442695020e+00, v33;
	v35 =	vsub.f32 $0.0e+00, v35;
	v45 =	vld [tilespmem:s18+$0xFFFFFFF0];
	[tilespmem:s20+$0x11] =	vst v46;
	v27 =	vpop (erf)  }
0x31c: {  	v46 =	vmul.f32 $1.442695020e+00, v32;
	v32 =	vsub.f32 $0.0e+00, v20;
	v25 =	vadd.f32 v25, v38;
	v38 =	vld [tilespmem:s24+$0x0];
	v47 =	vpop (erf)  }
0x31d: {  	v37 =	vmul.f32 $1.442695020e+00, v37;
	v20 =	vadd.f32 $1.000000000e+00, v44;
	v35 =	vmul.f32 $1.442695020e+00, v35;
	v44 =	vld [tilespmem:s18+$0x0]  }
0x31e: {  	v48 =	vmul.f32 $1.442695020e+00, v32;
	v25 =	vsub.f32 $0.0e+00, v25;
	v32 =	vadd.f32 v42, v39;
	v39 =	vld [tilespmem:s24+$0x10]  }
0x31f: {  	v41 =	vadd.f32 $1.000000000e+00, v41;
	v42 =	vadd.f32 $1.000000000e+00, v43;
	v43 =	vld [tilespmem:s18+$0x10];
	(erf) = vpow2.f32 v34  }
0x320: {  	v49 =	vmul.f32 $1.442695020e+00, v25;
	v25 =	vsub.f32 $0.0e+00, v32;
	v34 =	vadd.f32 v45, v36;
	v36 =	vld [tilespmem:s24+$0x20]  }
0x321: {  	v27 =	vadd.f32 $1.000000000e+00, v27;
	v45 =	vadd.f32 $1.000000000e+00, v47;
	v47 =	vld [tilespmem:s18+$0x20];
	(erf) = vpow2.f32 v33  }
0x322: {  	v32 =	vmul.f32 $1.442695020e+00, v25;
	v33 =	vsub.f32 $0.0e+00, v34;
	v34 =	vadd.f32 v44, v38;
	v38 =	vld [tilespmem:s24+$0x30]  }
0x323: {  	v21 =	vadd.f32 $1.000000000e+00, v21;
	v25 =	vmul.f32 v42, v41;
	v41 =	vld [tilespmem:s18+$0x30];
	(erf) = vpow2.f32 v40  }
0x324: {  	v33 =	vmul.f32 $1.442695020e+00, v33;
	v34 =	vsub.f32 $0.0e+00, v34;
	v39 =	vadd.f32 v43, v39;
	v40 =	vld [tilespmem:s24+$0x40]  }
0x325: {  	v27 =	vmul.f32 v45, v27;
	v42 =	vld [tilespmem:s18+$0x40];
	(erf) = vpow2.f32 v46  }
0x326: {  	v34 =	vmul.f32 $1.442695020e+00, v34;
	v43 =	vsub.f32 $0.0e+00, v39;
	v36 =	vadd.f32 v47, v36;
	v44 =	vld [tilespmem:s24+$0x50]  }
0x327: {  	v26 =	vmul.f32 v30, v26;
	v45 =	vld [tilespmem:s18+$0x50];
	(erf) = vpow2.f32 v37  }
0x328: {  	v30 =	vmul.f32 $1.442695020e+00, v43;
	v43 =	vsub.f32 $0.0e+00, v36;
	v38 =	vadd.f32 v41, v38;
	v37 =	vld [tilespmem:s24+$0x60];
	v39 =	vpop (erf)  }
.Ltmp4:
0x329: {  	v28 =	vmul.f32 v31, v28;
	v46 =	vadd.f32 $1.000000000e+00, v39;
	v39 =	vld [tilespmem:s18+$0x60];
	(erf) = vpow2.f32 v35;
	(pc) =	sbr.rel @p0 .LBB2_11-.Ltmp4, $4  }
0x32a: {  	v31 =	vmul.f32 $1.442695020e+00, v43;
	v50 =	vsub.f32 $0.0e+00, v38;
	v42 =	vadd.f32 v42, v40;
	v38 =	vld [tilespmem:s24+$0x70];
	v36 =	vpop (erf)  }
0x32b: {  	v29 =	vmul.f32 v21, v29;
	v47 =	vadd.f32 $1.000000000e+00, v36;
	v40 =	vld [tilespmem:s18+$0x70];
	(erf) = vpow2.f32 v48  }
0x32c: {  	v41 =	vld [tilespmem:s24+$0xFFFFFF00];
	v36 =	vmul.f32 $1.442695020e+00, v50;
	v43 =	vsub.f32 $0.0e+00, v42;
	v42 =	vadd.f32 v45, v44;
	v35 =	vpop (erf)  }
0x32d: {  	s24 =	sadd.s32 $0x200, s24;
	v21 =	vmul.f32 v47, v46;
	v35 =	vadd.f32 $1.000000000e+00, v35;
	(erf) = vpow2.f32 v49  }
0x32e: {  	_ =	sdelay $0x1  }
0x32f: {  	(erf) = vpow2.f32 v32  }
0x330: {  	(erf) = vpow2.f32 v33;
	v23 =	vadd.f32 v23, v41  }
0x331: {  	v46 =	vmul.f32 $1.442695020e+00, v43;
	(erf) = vpow2.f32 v34  }
0x332: {  	v48 =	vadd.f32 v39, v37;
	(erf) = vpow2.f32 v30;
	v23 =	vsub.f32 $0.0e+00, v23  }
0x333: {  	v47 =	vsub.f32 $0.0e+00, v42;
	v49 =	vpop (erf);
	v50 =	vadd.f32 v40, v38;
	(erf) = vpow2.f32 v31  }
0x334: {  	v51 =	vpop (erf);
	v33 =	vsub.f32 $0.0e+00, v48;
	(erf) = vpow2.f32 v36;
	v23 =	vmul.f32 $1.442695020e+00, v23  }
0x335: {  	v30 =	vmul.f32 $1.442695020e+00, v47;
	v52 =	vpop (erf);
	v31 =	vsub.f32 $0.0e+00, v50;
	(erf) = vpow2.f32 v46  }
0x336: {  	v54 =	vmul.f32 $1.442695020e+00, v33;
	v53 =	vpop (erf);
	(erf) = vpow2.f32 v23  }
0x337: {  	v31 =	vmul.f32 $1.442695020e+00, v31;
	v55 =	vpop (erf);
	(erf) = vpow2.f32 v30  }
0x338: {  	v56 =	vpop (erf);
	(erf) = vpow2.f32 v54  }
0x339: {  	v16 =	vmul.f32 v16, v24;
	v58 =	vpop (erf);
	(erf) = vpow2.f32 v31  }
0x33a: {  	v22 =	vmul.f32 v26, v22;
	v39 =	vmul.f32 v29, v28;
	v60 =	vpop (erf)  }
0x33b: {  	v18 =	vmul.f32 v18, v19;
	v57 =	vadd.f32 $1.000000000e+00, v49;
	v21 =	vmul.f32 v21, v27;
	v61 =	vpop (erf)  }
0x33c: {  	v16 =	vmul.f32 v17, v16;
	v59 =	vadd.f32 $1.000000000e+00, v51;
	v36 =	vadd.f32 $1.000000000e+00, v52;
	v62 =	vpop (erf)  }
0x33d: {  	v22 =	vmul.f32 v39, v22;
	v32 =	vadd.f32 $1.000000000e+00, v53;
	v33 =	vadd.f32 $1.000000000e+00, v55;
	v63 =	vpop (erf)  }
0x33e: {  	v34 =	vmul.f32 v36, v59;
	v30 =	vmul.f32 v57, v35;
	v36 =	vadd.f32 $1.000000000e+00, v56;
	v38 =	vpop (erf)  }
0x33f: {  	v32 =	vmul.f32 v33, v32;
	v23 =	vadd.f32 $1.000000000e+00, v58;
	v41 =	vadd.f32 $1.000000000e+00, v60;
	v40 =	vpop (erf)  }
0x340: {  	v30 =	vmul.f32 v34, v30;
	v43 =	vadd.f32 $1.000000000e+00, v61;
	v44 =	vadd.f32 $1.000000000e+00, v62;
	v42 =	vpop (erf)  }
0x341: {  	v23 =	vmul.f32 v23, v36;
	v24 =	vadd.f32 $1.000000000e+00, v63;
	v17 =	vadd.f32 $1.000000000e+00, v40;
	v45 =	vpop (erf)  }
0x342: {  	v47 =	vmul.f32 v43, v41;
	v33 =	vadd.f32 $1.000000000e+00, v38;
	v19 =	vadd.f32 $1.000000000e+00, v42;
	v46 =	vpop (erf)  }
0x343: {  	v27 =	vadd.f32 $1.000000000e+00, v45;
	v17 =	vmul.f32 v20, v17;
	v26 =	vadd.f32 $1.000000000e+00, v46  }
0x344: {  	v24 =	vmul.f32 v24, v44;
	v19 =	vmul.f32 v19, v33  }
0x345: {  	v17 =	vmul.f32 v25, v17;
	v26 =	vmul.f32 v26, v27  }
0x346: {  	[tilespmem:s21+$0xFFFFFFDE] =	vst v16;
	v16 =	vmul.f32 v23, v32;
	v20 =	vmul.f32 v24, v47  }
0x347: {  	v49 =	vadd.s32 s19, v0;
	[tilespmem:s21+$0xFFFFFFEF] =	vst v18;
	v17 =	vmul.f32 v21, v17;
	v48 =	vmul.f32 v26, v19  }
0x348: {  	[tilespmem:s21+$0x0] =	vst v22;
	v50 =	vadd.s32 s19, v1;
	v16 =	vmul.f32 v16, v30  }
0x349: {  	[tilespmem:s20+$0xFFFFFFDE] =	vst v17;
	v17 =	vmul.f32 v48, v20  }
0x34a: {  	[tilespmem:s20+$0xFFFFFFEF] =	vst v16;
	v16 =	vadd.s32 s19, v2  }
0x34b: {  	[tilespmem:s20+$0x0] =	vst v17  }
0x34c: {  	v51 =	vadd.s32 s19, v3;
	v17 =	vld.idx.msk [tilespmem:v49+s31+$0x0], $0xffff  }
0x34d: {  	v52 =	vld.idx.msk [tilespmem:v50+s31+$0x0], $0xffff  }
0x34e: {  	v53 =	vadd.s32 s19, v4  }
0x34f: {  	v16 =	vld.idx.msk [tilespmem:v16+s31+$0x0], $0xffff  }
0x350: {  	v54 =	vadd.s32 s19, v5  }
0x351: {  	v18 =	vld.idx.msk [tilespmem:v51+s31+$0x0], $0xffff  }
0x352: {  	v55 =	vadd.s32 s19, v6;
	v17 =	vmul.f32 v52, v17  }
0x353: {  	v20 =	vld.idx.msk [tilespmem:v53+s31+$0x0], $0xffff  }
0x354: {  	v16 =	vmul.f32 v16, v17;
	v17 =	vadd.s32 s19, v7  }
0x355: {  	v21 =	vld.idx.msk [tilespmem:v54+s31+$0x0], $0xffff  }
0x356: {  	v56 =	vadd.s32 s19, v8;
	v16 =	vmul.f32 v18, v16  }
0x357: {  	v19 =	vld.idx.msk [tilespmem:v55+s31+$0x0], $0xffff  }
0x358: {  	v57 =	vadd.s32 s19, v9;
	v16 =	vmul.f32 v20, v16  }
0x359: {  	v17 =	vld.idx.msk [tilespmem:v17+s31+$0x0], $0xffff  }
0x35a: {  	v58 =	vadd.s32 s19, v10;
	v16 =	vmul.f32 v21, v16  }
0x35b: {  	v18 =	vld.idx.msk [tilespmem:v56+s31+$0x0], $0xffff  }
0x35c: {  	v59 =	vadd.s32 s19, v11;
	v16 =	vmul.f32 v19, v16  }
0x35d: {  	v20 =	vld.idx.msk [tilespmem:v57+s31+$0x0], $0xffff  }
0x35e: {  	v16 =	vmul.f32 v17, v16;
	v17 =	vadd.s32 s19, v12  }
0x35f: {  	v21 =	vld.idx.msk [tilespmem:v58+s31+$0x0], $0xffff  }
0x360: {  	v60 =	vadd.s32 s19, v13;
	v16 =	vmul.f32 v18, v16  }
0x361: {  	v19 =	vld.idx.msk [tilespmem:v59+s31+$0x0], $0xffff  }
0x362: {  	v61 =	vadd.s32 s19, v14;
	v16 =	vmul.f32 v20, v16  }
0x363: {  	v17 =	vld.idx.msk [tilespmem:v17+s31+$0x0], $0xffff  }
0x364: {  	v62 =	vadd.s32 s19, v15;
	v16 =	vmul.f32 v21, v16  }
0x365: {  	v18 =	vld.idx.msk [tilespmem:v60+s31+$0x0], $0xffff  }
0x366: {  	v16 =	vmul.f32 v19, v16  }
0x367: {  	v63 =	vld.idx.msk [tilespmem:v61+s31+$0x0], $0xffff  }
0x368: {  	v16 =	vmul.f32 v17, v16  }
0x369: {  	v17 =	vld.idx.msk [tilespmem:v62+s31+$0x0], $0xffff  }
0x36a: {  	v16 =	vmul.f32 v18, v16;
	_ =	sdelay $0x1  }
0x36b: {  	v16 =	vmul.f32 v63, v16;
	_ =	sdelay $0x1  }
0x36c: {  	v16 =	vmul.f32 v17, v16;
	_ =	sdelay $0x1  }
0x36d: {  	(erf) = vrcp.f32 v16;
	_ =	sdelay $0x3  }
0x36e: {  	s18 =	sshll.u32 s29, $0x4;
	s29 =	sadd.s32 $0x1, s29  }
0x36f: {  	p0 =	sne.s32 s29, $0x8  }
.Ltmp5:
0x370: {  	_ = 	snop;
	(pc) =	sbr.rel @p0 .LBB2_10-.Ltmp5, $3  }
0x371: {  	_ =	sdelay $0x1  }
0x372: {  	s18 =	sand.u32 $0x3FFFFFF0, s18;
	v16 =	vpop (erf)  }
0x373: {  	s25 =	sadd.s32 $0x800, s25;
	s15 =	sadd.s32 $0x800, s15;
	s17 =	sadd.s32 $0x110, s17;
	[tilespmem:s18+$0x18500] =	vst v16  }
0x374: {  	_ =	swait.ge [sflag:s30], $0x4000  }
0x375: {  	[sflag:s30] =	ssyncset.done $0x0  }
0x376: {  	[sflag:s30] =	ssyncadd.s32 $0xFFFFC000  }
0x377: {  	_ =	swait.ge [sflag:s30], $0x4000  }
0x378: {  	s29 =	simm.s32 $0x0;
	s25 =	simm.s32 $0x500;
	[sflag:s30] =	ssyncset.done $0x0  }
0x379: {  	s15 =	simm.s32 $0xC500;
	s17 =	simm.s32 $0x18622;
	[sflag:s30] =	ssyncadd.s32 $0xFFFFC000  }
.LBB2_14:
0x37a: {  	v16 =	vld [tilespmem:s25+$0x80]  }
0x37b: {  	v18 =	vld [tilespmem:s15+$0x80]  }
0x37c: {  	v19 =	vld [tilespmem:s25+$0x90]  }
0x37d: {  	v20 =	vld [tilespmem:s15+$0x90]  }
0x37e: {  	v21 =	vld [tilespmem:s25+$0xA0]  }
0x37f: {  	v22 =	vld [tilespmem:s15+$0xA0]  }
0x380: {  	v23 =	vld [tilespmem:s25+$0xB0]  }
0x381: {  	v24 =	vld [tilespmem:s15+$0xB0]  }
0x382: {  	v25 =	vld [tilespmem:s25+$0xC0]  }
0x383: {  	v26 =	vld [tilespmem:s15+$0xC0]  }
0x384: {  	v27 =	vld [tilespmem:s25+$0xD0]  }
0x385: {  	v28 =	vld [tilespmem:s15+$0xD0]  }
0x386: {  	v29 =	vld [tilespmem:s25+$0xE0]  }
0x387: {  	v30 =	vld [tilespmem:s15+$0xE0]  }
0x388: {  	v31 =	vld [tilespmem:s25+$0xF0]  }
0x389: {  	v32 =	vld [tilespmem:s15+$0xF0]  }
0x38a: {  	v17 =	vld [tilespmem:s15+$0xFFFFFF00]  }
0x38b: {  	v33 =	vld [tilespmem:s25+$0xFFFFFF10]  }
0x38c: {  	v34 =	vld [tilespmem:s15+$0xFFFFFF10]  }
0x38d: {  	v35 =	vld [tilespmem:s25+$0xFFFFFF20]  }
0x38e: {  	v59 =	vld [tilespmem:s25+$0xFFFFFFA0]  }
0x38f: {  	v54 =	vld [tilespmem:s25+$0xFFFFFF00]  }
0x390: {  	v60 =	vld [tilespmem:s15+$0xFFFFFFA0];
	v16 =	vadd.f32 v18, v16;
	v18 =	vadd.f32 v20, v19  }
0x391: {  	v62 =	vld [tilespmem:s25+$0xFFFFFFB0];
	v20 =	vadd.f32 v22, v21;
	v21 =	vadd.f32 v24, v23  }
0x392: {  	v22 =	vld [tilespmem:s25+$0xFFFFFF30];
	v23 =	vadd.f32 v26, v25;
	v25 =	vadd.f32 v28, v27  }
0x393: {  	v24 =	vld [tilespmem:s15+$0xFFFFFF30];
	v27 =	vadd.f32 v30, v29;
	v29 =	vadd.f32 v32, v31  }
0x394: {  	v26 =	vld [tilespmem:s25+$0xFFFFFF40];
	v17 =	vadd.f32 v17, v54;
	v16 =	vsub.f32 $0.0e+00, v16  }
0x395: {  	v28 =	vld [tilespmem:s15+$0xFFFFFF40];
	v18 =	vsub.f32 $0.0e+00, v18;
	v20 =	vsub.f32 $0.0e+00, v20  }
0x396: {  	v39 =	vld [tilespmem:s25+$0xFFFFFFD0];
	v21 =	vsub.f32 $0.0e+00, v21;
	v23 =	vsub.f32 $0.0e+00, v23  }
0x397: {  	v19 =	vld [tilespmem:s15+$0xFFFFFF20];
	v25 =	vsub.f32 $0.0e+00, v25;
	v27 =	vsub.f32 $0.0e+00, v27;
	v16 =	vmul.f32 $1.442695020e+00, v16  }
0x398: {  	v30 =	vld [tilespmem:s25+$0xFFFFFF50];
	v29 =	vsub.f32 $0.0e+00, v29;
	v18 =	vmul.f32 $1.442695020e+00, v18;
	v20 =	vmul.f32 $1.442695020e+00, v20  }
0x399: {  	v21 =	vmul.f32 $1.442695020e+00, v21;
	v23 =	vmul.f32 $1.442695020e+00, v23;
	v22 =	vadd.f32 v24, v22;
	v24 =	vld [tilespmem:s25+$0xFFFFFF90]  }
0x39a: {  	v25 =	vmul.f32 $1.442695020e+00, v25;
	v26 =	vadd.f32 v28, v26;
	v28 =	vld [tilespmem:s15+$0xFFFFFF90];
	(erf) = vpow2.f32 v16  }
0x39b: {  	v17 =	vsub.f32 $0.0e+00, v17;
	v27 =	vmul.f32 $1.442695020e+00, v27;
	v16 =	vld [tilespmem:s15+$0xFFFFFF50];
	(erf) = vpow2.f32 v18  }
0x39c: {  	v29 =	vmul.f32 $1.442695020e+00, v29;
	v19 =	vadd.f32 v19, v35;
	v18 =	vld [tilespmem:s25+$0xFFFFFF60];
	(erf) = vpow2.f32 v20  }
0x39d: {  	v31 =	vadd.f32 v34, v33;
	v17 =	vmul.f32 $1.442695020e+00, v17;
	v20 =	vld [tilespmem:s15+$0xFFFFFF60];
	(erf) = vpow2.f32 v21  }
0x39e: {  	v40 =	vld [tilespmem:s15+$0xFFFFFFD0];
	v19 =	vsub.f32 $0.0e+00, v19;
	v22 =	vsub.f32 $0.0e+00, v22;
	(erf) = vpow2.f32 v23  }
0x39f: {  	v36 =	vld [tilespmem:s15+$0xFFFFFFB0];
	v26 =	vsub.f32 $0.0e+00, v26;
	v24 =	vadd.f32 v28, v24;
	(erf) = vpow2.f32 v25  }
0x3a0: {  	v19 =	vmul.f32 $1.442695020e+00, v19;
	v25 =	vld [tilespmem:s25+$0xFFFFFF80];
	v16 =	vadd.f32 v16, v30;
	(erf) = vpow2.f32 v27  }
0x3a1: {  	v27 =	vld [tilespmem:s15+$0xFFFFFF80];
	v24 =	vsub.f32 $0.0e+00, v24;
	(erf) = vpow2.f32 v29;
	v29 =	vsub.f32 $0.0e+00, v31  }
0x3a2: {  	v38 =	vld [tilespmem:s15+$0xFFFFFFC0];
	v22 =	vmul.f32 $1.442695020e+00, v22;
	v16 =	vsub.f32 $0.0e+00, v16;
	v18 =	vadd.f32 v20, v18  }
0x3a3: {  	v43 =	vadd.f32 v40, v39;
	v21 =	vld [tilespmem:s25+$0xFFFFFF70];
	v26 =	vmul.f32 $1.442695020e+00, v26;
	v31 =	vpop (erf);
	v29 =	vmul.f32 $1.442695020e+00, v29  }
0x3a4: {  	v23 =	vld [tilespmem:s15+$0xFFFFFF70];
	v24 =	vmul.f32 $1.442695020e+00, v24;
	v16 =	vmul.f32 $1.442695020e+00, v16;
	v18 =	vsub.f32 $0.0e+00, v18;
	v30 =	vpop (erf)  }
0x3a5: {  	v63 =	vld [tilespmem:s15+$0x0];
	v20 =	vadd.f32 $1.000000000e+00, v31;
	(erf) = vpow2.f32 v29;
	v30 =	vadd.f32 $1.000000000e+00, v30  }
0x3a6: {  	v44 =	vld [tilespmem:s25+$0x20];
	v61 =	vpop (erf);
	v25 =	vadd.f32 v27, v25;
	v18 =	vmul.f32 $1.442695020e+00, v18;
	(erf) = vpow2.f32 v19  }
0x3a7: {  	v48 =	vld [tilespmem:s15+$0x30];
	v34 =	vadd.f32 $1.000000000e+00, v61;
	v29 =	vpop (erf);
	(erf) = vpow2.f32 v22;
	v20 =	vmul.f32 v30, v20  }
0x3a8: {  	v30 =	vld [tilespmem:s25+$0x0];
	v25 =	vsub.f32 $0.0e+00, v25;
	v19 =	vpop (erf);
	v29 =	vadd.f32 $1.000000000e+00, v29;
	(erf) = vpow2.f32 v26  }
0x3a9: {  	v27 =	vld [tilespmem:s15+$0xFFFFFFE0];
	v37 =	vpop (erf);
	v19 =	vadd.f32 $1.000000000e+00, v19;
	(erf) = vpow2.f32 v16;
	v16 =	vadd.f32 v23, v21  }
0x3aa: {  	v23 =	vld [tilespmem:s25+$0xFFFFFFE0];
	v25 =	vmul.f32 $1.442695020e+00, v25;
	v22 =	vpop (erf);
	v37 =	vadd.f32 $1.000000000e+00, v37;
	v21 =	vmul.f32 v29, v34  }
0x3ab: {  	(erf) = vpow2.f32 v18;
	v18 =	vld [tilespmem:s15+$0x20];
	v34 =	vsub.f32 $0.0e+00, v43;
	v26 =	vpop (erf);
	v16 =	vsub.f32 $0.0e+00, v16  }
0x3ac: {  	v41 =	vld [tilespmem:s15+$0x40];
	v22 =	vadd.f32 $1.000000000e+00, v22;
	v26 =	vadd.f32 $1.000000000e+00, v26;
	v19 =	vmul.f32 v37, v19  }
0x3ad: {  	v51 =	vld [tilespmem:s25+$0x60];
	v20 =	vmul.f32 v21, v20;
	v30 =	vadd.f32 v63, v30;
	v16 =	vmul.f32 $1.442695020e+00, v16  }
0x3ae: {  	v28 =	vadd.f32 v60, v59;
	v31 =	vld [tilespmem:s25+$0xFFFFFFC0];
	v34 =	vmul.f32 $1.442695020e+00, v34;
	v22 =	vmul.f32 v26, v22  }
0x3af: {  	v29 =	vld [tilespmem:s15+$0xFFFFFFF0];
	v33 =	vpop (erf);
	v23 =	vadd.f32 v27, v23;
	v30 =	vsub.f32 $0.0e+00, v30;
	(erf) = vpow2.f32 v16  }
0x3b0: {  	v26 =	vld [tilespmem:s25+$0xFFFFFFF0];
	v45 =	vpop (erf);
	v18 =	vadd.f32 v18, v44;
	v19 =	vmul.f32 v22, v19;
	v22 =	vadd.f32 v36, v62  }
0x3b1: {  	v52 =	vld [tilespmem:s25+$0x70];
	v46 =	vpop (erf);
	v36 =	vadd.f32 $1.000000000e+00, v45;
	v23 =	vsub.f32 $0.0e+00, v23;
	(erf) = vpow2.f32 v25  }
0x3b2: {  	v27 =	vld [tilespmem:s25+$0x30];
	v37 =	vadd.f32 $1.000000000e+00, v46;
	(erf) = vpow2.f32 v24;
	v18 =	vsub.f32 $0.0e+00, v18  }
0x3b3: {  	v47 =	vpop (erf);
	v24 =	vld [tilespmem:s15+$0x60];
	v21 =	vmul.f32 v19, v20;
	v19 =	vsub.f32 $0.0e+00, v28;
	v28 =	vadd.f32 v38, v31  }
0x3b4: {  	v30 =	vmul.f32 $1.442695020e+00, v30;
	v20 =	vld [tilespmem:s25+$0x10];
	v22 =	vsub.f32 $0.0e+00, v22;
	v16 =	vpop (erf);
	v38 =	vadd.f32 $1.000000000e+00, v47  }
0x3b5: {  	v31 =	vld [tilespmem:s15+$0x10];
	v23 =	vmul.f32 $1.442695020e+00, v23;
	v26 =	vadd.f32 v29, v26;
	v49 =	vadd.f32 $1.000000000e+00, v16  }
0x3b6: {  	v29 =	vld [tilespmem:s25+$0x40];
	v16 =	vmul.f32 v37, v36;
	v18 =	vmul.f32 $1.442695020e+00, v18;
	v28 =	vsub.f32 $0.0e+00, v28  }
0x3b7: {  	v53 =	vld [tilespmem:s15+$0x70];
	s18 =	sadd.s32 $0x200, s15;
	v19 =	vmul.f32 $1.442695020e+00, v19;
	v22 =	vmul.f32 $1.442695020e+00, v22  }
0x3b8: {  	s21 =	sadd.s32 $0x200, s25;
	v55 =	vld [tilespmem:s18+$0x80];
	v26 =	vsub.f32 $0.0e+00, v26;
	v50 =	vmul.f32 v49, v38;
	v28 =	vmul.f32 $1.442695020e+00, v28  }
0x3b9: {  	v56 =	vld [tilespmem:s21+$0xA0];
	(erf) = vpow2.f32 v19;
	v19 =	vadd.f32 v48, v27;
	v27 =	vpop (erf);
	v24 =	vadd.f32 v24, v51  }
0x3ba: {  	v25 =	vld [tilespmem:s25+$0x50];
	v20 =	vadd.f32 v31, v20;
	v26 =	vmul.f32 $1.442695020e+00, v26;
	v27 =	vadd.f32 $1.000000000e+00, v27  }
0x3bb: {  	v31 =	vld [tilespmem:s15+$0x50];
	(erf) = vpow2.f32 v22;
	v19 =	vsub.f32 $0.0e+00, v19;
	v22 =	vadd.f32 v41, v29  }
0x3bc: {  	v57 =	vld [tilespmem:s18+$0xA0];
	v29 =	vpop (erf);
	(erf) = vpow2.f32 v28;
	v24 =	vsub.f32 $0.0e+00, v24;
	v20 =	vsub.f32 $0.0e+00, v20  }
0x3bd: {  	v28 =	vld [tilespmem:s21+$0x80];
	v29 =	vadd.f32 $1.000000000e+00, v29;
	(erf) = vpow2.f32 v34;
	v19 =	vmul.f32 $1.442695020e+00, v19  }
0x3be: {  	v58 =	vld [tilespmem:s21+$0xB0];
	(erf) = vpow2.f32 v23;
	v24 =	vmul.f32 $1.442695020e+00, v24  }
0x3bf: {  	v42 =	vld [tilespmem:s18+$0xD0];
	v22 =	vsub.f32 $0.0e+00, v22;
	v20 =	vmul.f32 $1.442695020e+00, v20;
	v27 =	vmul.f32 v29, v27  }
0x3c0: {  	v54 =	vld [tilespmem:s21+$0xFFFFFF30];
	(erf) = vpow2.f32 v26;
	v26 =	vadd.f32 v53, v52;
	v25 =	vadd.f32 v31, v25;
	v31 =	vpop (erf)  }
0x3c1: {  	v23 =	vld [tilespmem:s21+$0x90];
	(erf) = vpow2.f32 v30;
	v22 =	vmul.f32 $1.442695020e+00, v22;
	v29 =	vadd.f32 $1.000000000e+00, v31  }
0x3c2: {  	v31 =	vld [tilespmem:s18+$0x90];
	v30 =	vpop (erf);
	v26 =	vsub.f32 $0.0e+00, v26;
	(erf) = vpow2.f32 v20;
	v28 =	vadd.f32 v55, v28  }
0x3c3: {  	v60 =	vld [tilespmem:s18+$0xB0];
	v25 =	vsub.f32 $0.0e+00, v25;
	v30 =	vadd.f32 $1.000000000e+00, v30;
	(erf) = vpow2.f32 v18  }
0x3c4: {  	v63 =	vld [tilespmem:s18+$0xC0];
	v59 =	vpop (erf);
	v26 =	vmul.f32 $1.442695020e+00, v26;
	(erf) = vpow2.f32 v19;
	v28 =	vsub.f32 $0.0e+00, v28  }
0x3c5: {  	v45 =	vld [tilespmem:s21+$0xD0];
	v25 =	vmul.f32 $1.442695020e+00, v25;
	v20 =	vadd.f32 $1.000000000e+00, v59;
	v61 =	vpop (erf);
	v29 =	vmul.f32 v30, v29  }
0x3c6: {  	v49 =	vld [tilespmem:s18+$0xE0];
	(erf) = vpow2.f32 v22;
	v38 =	vadd.f32 $1.000000000e+00, v61;
	v62 =	vpop (erf);
	v28 =	vmul.f32 $1.442695020e+00, v28  }
0x3c7: {  	v18 =	vld [tilespmem:s21+$0xC0];
	v19 =	vadd.f32 $1.000000000e+00, v62;
	v30 =	vpop (erf);
	(erf) = vpow2.f32 v17;
	v23 =	vadd.f32 v31, v23  }
0x3c8: {  	v51 =	vld [tilespmem:s18+$0xFFFFFF10];
	v17 =	vmul.f32 v27, v50;
	v31 =	vadd.f32 v60, v58;
	v22 =	vadd.f32 $1.000000000e+00, v30  }
0x3c9: {  	v30 =	vmul.f32 v38, v20;
	v46 =	vpop (erf);
	v20 =	vadd.f32 $1.000000000e+00, v33;
	(erf) = vpow2.f32 v25;
	v25 =	vld [tilespmem:s21+$0xE0]  }
0x3ca: {  	v52 =	vld [tilespmem:s21+$0xFFFFFF20];
	v27 =	vpop (erf);
	v47 =	vadd.f32 $1.000000000e+00, v46;
	(erf) = vpow2.f32 v24;
	v23 =	vsub.f32 $0.0e+00, v23  }
0x3cb: {  	v53 =	vld [tilespmem:s18+$0xFFFFFF20];
	v31 =	vsub.f32 $0.0e+00, v31;
	v48 =	vmul.f32 v22, v19;
	v27 =	vadd.f32 $1.000000000e+00, v27;
	v19 =	vpop (erf)  }
0x3cc: {  	v24 =	vld [tilespmem:s21+$0xF0];
	(erf) = vpow2.f32 v26;
	v26 =	vadd.f32 v63, v18;
	v22 =	vadd.f32 $1.000000000e+00, v19  }
0x3cd: {  	v19 =	vmul.f32 v30, v29;
	v29 =	vld [tilespmem:s18+$0xF0];
	v30 =	vadd.f32 v57, v56;
	v27 =	vmul.f32 v27, v47  }
0x3ce: {  	v59 =	vld [tilespmem:s18+$0xFFFFFF50];
	v23 =	vmul.f32 $1.442695020e+00, v23;
	(erf) = vpow2.f32 v28;
	v25 =	vadd.f32 v49, v25  }
0x3cf: {  	v50 =	vld [tilespmem:s21+$0xFFFFFF10];
	v18 =	vmul.f32 v27, v48;
	v27 =	vadd.f32 v42, v45;
	v30 =	vsub.f32 $0.0e+00, v30  }
0x3d0: {  	v31 =	vmul.f32 $1.442695020e+00, v31;
	v26 =	vsub.f32 $0.0e+00, v26;
	v57 =	vld [tilespmem:s21+$0xFFFFFF50];
	v25 =	vsub.f32 $0.0e+00, v25  }
0x3d1: {  	v28 =	vld [tilespmem:s18+$0xFFFFFF30];
	v55 =	vpop (erf);
	(erf) = vpow2.f32 v23;
	v30 =	vmul.f32 $1.442695020e+00, v30;
	v27 =	vsub.f32 $0.0e+00, v27  }
0x3d2: {  	v23 =	vld [tilespmem:s21+$0xFFFFFF40];
	v26 =	vmul.f32 $1.442695020e+00, v26;
	v24 =	vadd.f32 v29, v24;
	v25 =	vmul.f32 $1.442695020e+00, v25  }
0x3d3: {  	v37 =	vadd.f32 $1.000000000e+00, v55;
	v55 =	vld [tilespmem:s21+$0xFFFFFFA0];
	v29 =	vpop (erf);
	(erf) = vpow2.f32 v30;
	v27 =	vmul.f32 $1.442695020e+00, v27  }
0x3d4: {  	v30 =	vld [tilespmem:s18+$0xFFFFFF40];
	v56 =	vpop (erf);
	v24 =	vsub.f32 $0.0e+00, v24;
	(erf) = vpow2.f32 v31;
	v31 =	vadd.f32 v51, v50  }
0x3d5: {  	v48 =	vld [tilespmem:s18+$0xFFFFFFA0];
	v32 =	vadd.f32 v59, v57;
	v58 =	vpop (erf);
	(erf) = vpow2.f32 v26;
	v26 =	vadd.f32 v53, v52  }
0x3d6: {  	v49 =	vld [tilespmem:s21+$0xFFFFFFB0];
	v60 =	vpop (erf);
	v24 =	vmul.f32 $1.442695020e+00, v24;
	(erf) = vpow2.f32 v27;
	v31 =	vsub.f32 $0.0e+00, v31  }
0x3d7: {  	v38 =	vadd.f32 $1.000000000e+00, v56;
	v27 =	vadd.f32 v28, v54;
	v28 =	vld [tilespmem:s21+$0xFFFFFF60];
	v61 =	vpop (erf);
	(erf) = vpow2.f32 v25  }
0x3d8: {  	v25 =	vsub.f32 $0.0e+00, v26;
	v26 =	vld [tilespmem:s18+$0xFFFFFF60];
	v62 =	vpop (erf);
	(erf) = vpow2.f32 v24;
	v31 =	vmul.f32 $1.442695020e+00, v31  }
0x3d9: {  	v32 =	vsub.f32 $0.0e+00, v32;
	v50 =	vld [tilespmem:s18+$0xFFFFFFB0];
	v40 =	vpop (erf);
	v23 =	vadd.f32 v30, v23  }
0x3da: {  	v43 =	vld [tilespmem:s18+$0xFFFFFF80];
	v39 =	vadd.f32 v48, v55;
	v27 =	vsub.f32 $0.0e+00, v27;
	v25 =	vmul.f32 $1.442695020e+00, v25;
	v51 =	vpop (erf)  }
0x3db: {  	v63 =	vld [tilespmem:s21+$0xFFFFFF70];
	v44 =	vadd.f32 $1.000000000e+00, v58;
	v23 =	vsub.f32 $0.0e+00, v23;
	v53 =	vpop (erf)  }
0x3dc: {  	v45 =	vld [tilespmem:s18+$0xFFFFFF90];
	v36 =	vadd.f32 $1.000000000e+00, v61;
	v27 =	vmul.f32 $1.442695020e+00, v27;
	(erf) = vpow2.f32 v31;
	v31 =	vpop (erf)  }
0x3dd: {  	v59 =	vld [tilespmem:s21+$0xFFFFFFD0];
	v24 =	vadd.f32 $1.000000000e+00, v60;
	v23 =	vmul.f32 $1.442695020e+00, v23;
	v26 =	vadd.f32 v26, v28;
	v28 =	vpop (erf)  }
0x3de: {  	v56 =	vld [tilespmem:s21+$0xFFFFFFC0];
	v46 =	vadd.f32 $1.000000000e+00, v62;
	v60 =	vadd.f32 v50, v49;
	(erf) = vpow2.f32 v25;
	v25 =	vpop (erf)  }
0x3df: {  	v22 =	vmul.f32 v37, v22;
	v30 =	vld [tilespmem:s18+$0xFFFFFF70];
	v41 =	vadd.f32 $1.000000000e+00, v51;
	v42 =	vadd.f32 $1.000000000e+00, v53;
	v47 =	vpop (erf)  }
0x3e0: {  	v52 =	vld [tilespmem:s21+$0xFFFFFF80];
	v35 =	vsub.f32 $0.0e+00, v60;
	v31 =	vadd.f32 $1.000000000e+00, v31;
	(erf) = vpow2.f32 v27;
	v27 =	vpop (erf)  }
0x3e1: {  	v58 =	vld [tilespmem:s18+$0xFFFFFFC0];
	(erf) = vpow2.f32 v23;
	v25 =	vadd.f32 $1.000000000e+00, v25;
	v47 =	vadd.f32 $1.000000000e+00, v47;
	v23 =	vpop (erf)  }
0x3e2: {  	v54 =	vld [tilespmem:s21+$0xFFFFFF90];
	v32 =	vmul.f32 $1.442695020e+00, v32;
	v27 =	vadd.f32 $1.000000000e+00, v27;
	v23 =	vadd.f32 $1.000000000e+00, v23  }
0x3e3: {  	v24 =	vmul.f32 v20, v24;
	v28 =	vadd.f32 $1.000000000e+00, v28;
	v20 =	vsub.f32 $0.0e+00, v26;
	v26 =	vld [tilespmem:s18+$0xFFFFFFD0]  }
0x3e4: {  	v61 =	vld [tilespmem:s18+$0xFFFFFFE0];
	v30 =	vadd.f32 v30, v63;
	v25 =	vmul.f32 v47, v25;
	v23 =	vmul.f32 v23, v27  }
0x3e5: {  	v62 =	vld [tilespmem:s18+$0xFFFFFFF0];
	v57 =	vmul.f32 v42, v41;
	v28 =	vmul.f32 v28, v31;
	v31 =	vadd.f32 v43, v52  }
0x3e6: {  	(erf) = vpow2.f32 v32;
	v23 =	vmul.f32 v23, v25;
	v25 =	vsub.f32 $0.0e+00, v30;
	v30 =	vld [tilespmem:s21+$0xFFFFFFE0]  }
0x3e7: {  	v51 =	vld [tilespmem:s18+$0x20];
	v35 =	vmul.f32 $1.442695020e+00, v35;
	v31 =	vsub.f32 $0.0e+00, v31;
	v27 =	vadd.f32 v45, v54  }
0x3e8: {  	v63 =	vld [tilespmem:s21+$0x0];
	v20 =	vmul.f32 $1.442695020e+00, v20;
	v28 =	vmul.f32 v28, v57;
	v26 =	vadd.f32 v26, v59  }
0x3e9: {  	v32 =	vadd.f32 v58, v56;
	v56 =	vld [tilespmem:s21+$0x10];
	v31 =	vmul.f32 $1.442695020e+00, v31;
	v27 =	vsub.f32 $0.0e+00, v27  }
0x3ea: {  	v26 =	vsub.f32 $0.0e+00, v26;
	v41 =	vmul.f32 v23, v28;
	v23 =	vld [tilespmem:s21+$0xFFFFFFF0];
	v28 =	vsub.f32 $0.0e+00, v39  }
0x3eb: {  	v58 =	vld [tilespmem:s18+$0x10];
	v39 =	vpop (erf);
	v43 =	vmul.f32 $1.442695020e+00, v27;
	v27 =	vsub.f32 $0.0e+00, v32;
	v30 =	vadd.f32 v61, v30  }
0x3ec: {  	v29 =	vadd.f32 $1.000000000e+00, v29;
	v54 =	vld [tilespmem:s18+$0x0];
	v50 =	vmul.f32 $1.442695020e+00, v26;
	v25 =	vmul.f32 $1.442695020e+00, v25;
	v53 =	vpop (erf)  }
0x3ed: {  	(erf) = vpow2.f32 v20;
	v55 =	vpop (erf);
	v49 =	vmul.f32 $1.442695020e+00, v27;
	v27 =	vsub.f32 $0.0e+00, v30;
	v30 =	vld [tilespmem:s21+$0x20]  }
0x3ee: {  	v52 =	vld [tilespmem:s18+$0x50];
	v28 =	vmul.f32 $1.442695020e+00, v28;
	v42 =	vadd.f32 $1.000000000e+00, v53;
	v57 =	vadd.f32 $1.000000000e+00, v55;
	v20 =	vpop (erf)  }
0x3ef: {  	v59 =	vld [tilespmem:s21+$0x30];
	(erf) = vpow2.f32 v25;
	v26 =	vadd.f32 $1.000000000e+00, v20;
	v20 =	vpop (erf);
	v23 =	vadd.f32 v62, v23  }
0x3f0: {  	v61 =	vld [tilespmem:s18+$0x30];
	(erf) = vpow2.f32 v31;
	v31 =	vadd.f32 v58, v56;
	v60 =	vadd.f32 $1.000000000e+00, v20  }
0x3f1: {  	v62 =	vld [tilespmem:s21+$0x40];
	v32 =	vmul.f32 $1.442695020e+00, v27;
	v23 =	vsub.f32 $0.0e+00, v23;
	v27 =	vadd.f32 v54, v63  }
0x3f2: {  	v25 =	vmul.f32 v57, v42;
	(erf) = vpow2.f32 v43;
	v57 =	vld [tilespmem:s21+$0x50];
	v56 =	vadd.f32 v51, v30  }
0x3f3: {  	v31 =	vsub.f32 $0.0e+00, v31;
	v63 =	vld [tilespmem:s18+$0x40];
	v33 =	vmul.f32 $1.442695020e+00, v23;
	v23 =	vsub.f32 $0.0e+00, v27  }
0x3f4: {  	v27 =	vmul.f32 v60, v26;
	v26 =	vmul.f32 v38, v29;
	v29 =	vsub.f32 $0.0e+00, v56  }
0x3f5: {  	s20 =	sadd.s32 $0x44, s17;
	v37 =	vld [tilespmem:s21+$0x60];
	v40 =	vadd.f32 $1.000000000e+00, v40;
	(erf) = vpow2.f32 v28;
	v58 =	vadd.f32 v61, v59  }
0x3f6: {  	[tilespmem:s20+$0x11] =	vst v41;
	v41 =	vld [tilespmem:s21+$0xFFFFFF00];
	v20 =	vadd.f32 $1.000000000e+00, v39;
	v30 =	vmul.f32 $1.442695020e+00, v31;
	v28 =	vpop (erf);
	(erf) = vpow2.f32 v35  }
0x3f7: {  	v39 =	vld [tilespmem:s18+$0x60];
	v60 =	vsub.f32 $0.0e+00, v58;
	v42 =	vadd.f32 v52, v57;
	v34 =	vmul.f32 $1.442695020e+00, v23  }
0x3f8: {  	v38 =	vld [tilespmem:s21+$0x70];
	v59 =	vadd.f32 $1.000000000e+00, v28;
	v61 =	vadd.f32 v63, v62;
	v31 =	vmul.f32 $1.442695020e+00, v29;
	v29 =	vpop (erf)  }
0x3f9: {  	(erf) = vpow2.f32 v49;
	v62 =	vadd.f32 $1.000000000e+00, v29;
	v29 =	vmul.f32 v40, v46;
	v40 =	vld [tilespmem:s18+$0x70]  }
0x3fa: {  	s19 =	smul.u32 $0x110, s29;
	v23 =	vld [tilespmem:s18+$0xFFFFFF00];
	v28 =	vmul.f32 v36, v44;
	v36 =	vmul.f32 $1.442695020e+00, v60;
	v43 =	vsub.f32 $0.0e+00, v61;
	v63 =	vpop (erf)  }
0x3fb: {  	s23 =	simm.s32 $0x4;
	s24 =	sadd.s32 $0x200, s21;
	[tilespmem:s17+$0x11] =	vst v21;
	s21 =	smov.u32 s17;
	(erf) = vpow2.f32 v50;
	v35 =	vadd.f32 $1.000000000e+00, v63;
	v21 =	vmul.f32 v62, v59  }
.LBB2_15:
0x3fc: {  	v44 =	vld [tilespmem:s24+$0x80];
	v43 =	vmul.f32 $1.442695020e+00, v43;
	v42 =	vsub.f32 $0.0e+00, v42;
	v37 =	vadd.f32 v39, v37;
	s18 =	sadd.s32 $0x200, s18;
	v39 =	vpop (erf)  }
0x3fd: {  	v24 =	vmul.f32 v16, v24;
	v16 =	vmovc v25;
	v45 =	vld [tilespmem:s18+$0x80];
	v39 =	vadd.f32 $1.000000000e+00, v39;
	(erf) = vpow2.f32 v32  }
0x3fe: {  	v25 =	vld [tilespmem:s24+$0x90];
	v32 =	vmul.f32 $1.442695020e+00, v42;
	v37 =	vsub.f32 $0.0e+00, v37;
	v38 =	vadd.f32 v40, v38;
	v40 =	vpop (erf)  }
0x3ff: {  	v42 =	vld [tilespmem:s18+$0x90];
	v23 =	vadd.f32 v23, v41;
	v40 =	vadd.f32 $1.000000000e+00, v40;
	(erf) = vpow2.f32 v33  }
0x400: {  	v33 =	vld [tilespmem:s24+$0xA0];
	v37 =	vmul.f32 $1.442695020e+00, v37;
	v38 =	vsub.f32 $0.0e+00, v38;
	v41 =	vpop (erf);
	(erf) = vpow2.f32 v34  }
0x401: {  	v34 =	vld [tilespmem:s18+$0xA0];
	v23 =	vsub.f32 $0.0e+00, v23;
	v41 =	vadd.f32 $1.000000000e+00, v41;
	(erf) = vpow2.f32 v30  }
0x402: {  	v30 =	vld [tilespmem:s24+$0xB0];
	v38 =	vmul.f32 $1.442695020e+00, v38;
	v46 =	vpop (erf);
	(erf) = vpow2.f32 v31  }
0x403: {  	v31 =	vld [tilespmem:s18+$0xB0];
	v47 =	vmul.f32 $1.442695020e+00, v23;
	v46 =	vadd.f32 $1.000000000e+00, v46;
	(erf) = vpow2.f32 v36  }
0x404: {  	v35 =	vmul.f32 v39, v35;
	v36 =	vld [tilespmem:s24+$0xC0];
	v39 =	vpop (erf);
	(erf) = vpow2.f32 v43  }
0x405: {  	v40 =	vmul.f32 v41, v40;
	v43 =	vld [tilespmem:s18+$0xC0];
	v48 =	vadd.f32 $1.000000000e+00, v39;
	(erf) = vpow2.f32 v47  }
0x406: {  	v21 =	vmul.f32 v21, v27;
	v41 =	vld [tilespmem:s24+$0xD0];
	v23 =	vpop (erf);
	(erf) = vpow2.f32 v32  }
0x407: {  	v27 =	vld [tilespmem:s18+$0xD0];
	v23 =	vadd.f32 $1.000000000e+00, v23;
	v32 =	vmul.f32 v48, v46;
	(erf) = vpow2.f32 v37  }
0x408: {  	v35 =	vmul.f32 v40, v35;
	v37 =	vld [tilespmem:s24+$0xE0];
	v39 =	vpop (erf);
	(erf) = vpow2.f32 v38  }
0x409: {  	v26 =	vmul.f32 v26, v22;
	v28 =	vmul.f32 v29, v28;
	v38 =	vld [tilespmem:s18+$0xE0];
	v39 =	vadd.f32 $1.000000000e+00, v39;
	v40 =	vpop (erf)  }
0x40a: {  	v19 =	vmul.f32 v18, v19;
	v17 =	vmul.f32 v17, v24;
	v29 =	vld [tilespmem:s24+$0xF0];
	v22 =	vadd.f32 $1.000000000e+00, v40;
	v40 =	vpop (erf)  }
0x40b: {  	v18 =	vadd.f32 v45, v44;
	v24 =	vadd.f32 v42, v25;
	v25 =	vld [tilespmem:s18+$0xF0];
	v39 =	vmul.f32 v39, v23;
	v42 =	vpop (erf)  }
0x40c: {  	v44 =	vmul.f32 v28, v26;
	v33 =	vadd.f32 v34, v33;
	v30 =	vadd.f32 v31, v30;
	v23 =	vld [tilespmem:s18+$0xFFFFFF00];
	v31 =	vpop (erf);
	[tilespmem:s21+$0xFFFFFFDE] =	vst v17  }
0x40d: {  	s23 =	sadd.s32 $0x4, s23;
	v28 =	vsub.f32 $0.0e+00, v18;
	v34 =	vadd.f32 v43, v36;
	v26 =	vld [tilespmem:s24+$0xFFFFFF10];
	v18 =	vmul.f32 v39, v32;
	v32 =	vpop (erf);
	[tilespmem:s21+$0xFFFFFFEF] =	vst v19  }
0x40e: {  	p0 =	slt.u32 s23, $0xC;
	v17 =	vmov v21;
	v19 =	vsub.f32 $0.0e+00, v24;
	v24 =	vadd.f32 v27, v41;
	v36 =	vld [tilespmem:s18+$0xFFFFFF10];
	v27 =	vpop (erf);
	[tilespmem:s21+$0x0] =	vst v44;
	s21 =	smov.u32 s20  }
0x40f: {  	v43 =	vmul.f32 $1.442695020e+00, v28;
	v28 =	vsub.f32 $0.0e+00, v33;
	v33 =	vadd.f32 v38, v37;
	v39 =	vld [tilespmem:s24+$0xFFFFFF20];
	v37 =	vpop (erf)  }
0x410: {  	v30 =	vsub.f32 $0.0e+00, v30;
	v44 =	vmul.f32 $1.442695020e+00, v19;
	v38 =	vld [tilespmem:s18+$0xFFFFFF20];
	v25 =	vadd.f32 v25, v29;
	v29 =	vpop (erf)  }
0x411: {  	v28 =	vmul.f32 $1.442695020e+00, v28;
	v34 =	vsub.f32 $0.0e+00, v34;
	v41 =	vld [tilespmem:s24+$0xFFFFFF30];
	(erf) = vpow2.f32 v43;
	v21 =	vpop (erf)  }
0x412: {  	v30 =	vmul.f32 $1.442695020e+00, v30;
	v24 =	vsub.f32 $0.0e+00, v24;
	v19 =	vmovc v35;
	v43 =	vld [tilespmem:s18+$0xFFFFFF30];
	(erf) = vpow2.f32 v44  }
0x413: {  	v34 =	vmul.f32 $1.442695020e+00, v34;
	v33 =	vsub.f32 $0.0e+00, v33;
	v35 =	vld [tilespmem:s24+$0xFFFFFF40];
	(erf) = vpow2.f32 v28  }
0x414: {  	v24 =	vmul.f32 $1.442695020e+00, v24;
	v25 =	vsub.f32 $0.0e+00, v25;
	v28 =	vld [tilespmem:s18+$0xFFFFFF40];
	(erf) = vpow2.f32 v30  }
0x415: {  	v33 =	vmul.f32 $1.442695020e+00, v33;
	v26 =	vadd.f32 v36, v26;
	v30 =	vld [tilespmem:s24+$0xFFFFFF50];
	(erf) = vpow2.f32 v34  }
0x416: {  	v25 =	vmul.f32 $1.442695020e+00, v25;
	v34 =	vadd.f32 v38, v39;
	v36 =	vld [tilespmem:s18+$0xFFFFFF50];
	(erf) = vpow2.f32 v24  }
0x417: {  	v24 =	vsub.f32 $0.0e+00, v26;
	v26 =	vadd.f32 v43, v41;
	v38 =	vld [tilespmem:s24+$0xFFFFFF60];
	(erf) = vpow2.f32 v33  }
0x418: {  	v33 =	vsub.f32 $0.0e+00, v34;
	v34 =	vld [tilespmem:s18+$0xFFFFFF60];
	(erf) = vpow2.f32 v25;
	v25 =	vadd.f32 $1.000000000e+00, v27  }
0x419: {  	v46 =	vmul.f32 $1.442695020e+00, v24;
	v27 =	vsub.f32 $0.0e+00, v26;
	v28 =	vadd.f32 v28, v35;
	v35 =	vld [tilespmem:s24+$0xFFFFFF70]  }
0x41a: {  	v40 =	vadd.f32 $1.000000000e+00, v40;
	v33 =	vmul.f32 $1.442695020e+00, v33;
	v26 =	vadd.f32 $1.000000000e+00, v42;
	v39 =	vld [tilespmem:s18+$0xFFFFFF70];
	v41 =	vpop (erf)  }
0x41b: {  	v27 =	vmul.f32 $1.442695020e+00, v27;
	v47 =	vsub.f32 $0.0e+00, v28;
	v36 =	vadd.f32 v36, v30;
	v43 =	vld [tilespmem:s24+$0xFFFFFF80];
	v44 =	vpop (erf)  }
0x41c: {  	v30 =	vadd.f32 $1.000000000e+00, v31;
	v28 =	vadd.f32 $1.000000000e+00, v32;
	v45 =	vld [tilespmem:s18+$0xFFFFFF80];
	(erf) = vpow2.f32 v46;
	v24 =	vpop (erf)  }
0x41d: {  	v32 =	vmul.f32 $1.442695020e+00, v47;
	v36 =	vsub.f32 $0.0e+00, v36;
	v34 =	vadd.f32 v34, v38;
	v38 =	vld [tilespmem:s24+$0xFFFFFF90];
	v42 =	vpop (erf)  }
0x41e: {  	v29 =	vadd.f32 $1.000000000e+00, v29;
	v31 =	vadd.f32 $1.000000000e+00, v37;
	v46 =	vld [tilespmem:s18+$0xFFFFFF90];
	(erf) = vpow2.f32 v33;
	v33 =	vpop (erf)  }
0x41f: {  	v41 =	vadd.f32 $1.000000000e+00, v41;
	v44 =	vadd.f32 $1.000000000e+00, v44;
	v36 =	vmul.f32 $1.442695020e+00, v36;
	v37 =	vld [tilespmem:s24+$0xFFFFFFA0];
	v47 =	vpop (erf)  }
0x420: {  	v24 =	vadd.f32 $1.000000000e+00, v24;
	v42 =	vadd.f32 $1.000000000e+00, v42;
	v48 =	vld [tilespmem:s18+$0xFFFFFFA0];
	(erf) = vpow2.f32 v27;
	v27 =	vpop (erf)  }
0x421: {  	v33 =	vadd.f32 $1.000000000e+00, v33;
	v47 =	vadd.f32 $1.000000000e+00, v47;
	v49 =	vld [tilespmem:s24+$0xFFFFFFB0];
	(erf) = vpow2.f32 v32;
	v32 =	vpop (erf)  }
0x422: {  	v27 =	vadd.f32 $1.000000000e+00, v27;
	v50 =	vld [tilespmem:s18+$0xFFFFFFB0];
	v32 =	vadd.f32 $1.000000000e+00, v32;
	(erf) = vpow2.f32 v36  }
0x423: {  	v35 =	vadd.f32 v39, v35;
	v39 =	vmul.f32 v44, v41;
	v41 =	vmul.f32 v42, v24;
	v36 =	vld [tilespmem:s24+$0xFFFFFFC0]  }
0x424: {  	v42 =	vadd.f32 v45, v43;
	v33 =	vmul.f32 v47, v33;
	v43 =	vld [tilespmem:s18+$0xFFFFFFC0];
	v27 =	vmul.f32 v32, v27  }
0x425: {  	v24 =	vmul.f32 v20, v25;
	v32 =	vadd.f32 v46, v38;
	v37 =	vadd.f32 v48, v37;
	v38 =	vld [tilespmem:s24+$0xFFFFFFD0];
	v44 =	vpop (erf)  }
0x426: {  	v20 =	vsub.f32 $0.0e+00, v34;
	v34 =	vmul.f32 v41, v39;
	v25 =	vld [tilespmem:s18+$0xFFFFFFD0];
	v27 =	vmul.f32 v27, v33  }
0x427: {  	v22 =	vmul.f32 v40, v22;
	v33 =	vsub.f32 $0.0e+00, v35;
	v35 =	vadd.f32 v50, v49;
	v39 =	vld [tilespmem:s24+$0xFFFFFFE0];
	v41 =	vpop (erf)  }
0x428: {  	v40 =	vsub.f32 $0.0e+00, v42;
	v32 =	vsub.f32 $0.0e+00, v32;
	v42 =	vld [tilespmem:s18+$0xFFFFFFE0];
	v46 =	vmul.f32 v27, v34  }
0x429: {  	s20 =	sadd.s32 $0x44, s20;
	v37 =	vsub.f32 $0.0e+00, v37;
	v34 =	vmul.f32 $1.442695020e+00, v20;
	v20 =	vadd.f32 v43, v36;
	v36 =	vld [tilespmem:s24+$0xFFFFFFF0];
	v43 =	vpop (erf)  }
0x42a: {  	v40 =	vmul.f32 $1.442695020e+00, v40;
	v33 =	vmul.f32 $1.442695020e+00, v33;
	v35 =	vsub.f32 $0.0e+00, v35;
	v45 =	vld [tilespmem:s18+$0xFFFFFFF0];
	[tilespmem:s20+$0x11] =	vst v46;
	v27 =	vpop (erf)  }
0x42b: {  	v46 =	vmul.f32 $1.442695020e+00, v32;
	v32 =	vsub.f32 $0.0e+00, v20;
	v25 =	vadd.f32 v25, v38;
	v38 =	vld [tilespmem:s24+$0x0];
	v47 =	vpop (erf)  }
0x42c: {  	v37 =	vmul.f32 $1.442695020e+00, v37;
	v20 =	vadd.f32 $1.000000000e+00, v44;
	v35 =	vmul.f32 $1.442695020e+00, v35;
	v44 =	vld [tilespmem:s18+$0x0]  }
0x42d: {  	v48 =	vmul.f32 $1.442695020e+00, v32;
	v25 =	vsub.f32 $0.0e+00, v25;
	v32 =	vadd.f32 v42, v39;
	v39 =	vld [tilespmem:s24+$0x10]  }
0x42e: {  	v41 =	vadd.f32 $1.000000000e+00, v41;
	v42 =	vadd.f32 $1.000000000e+00, v43;
	v43 =	vld [tilespmem:s18+$0x10];
	(erf) = vpow2.f32 v34  }
0x42f: {  	v49 =	vmul.f32 $1.442695020e+00, v25;
	v25 =	vsub.f32 $0.0e+00, v32;
	v34 =	vadd.f32 v45, v36;
	v36 =	vld [tilespmem:s24+$0x20]  }
0x430: {  	v27 =	vadd.f32 $1.000000000e+00, v27;
	v45 =	vadd.f32 $1.000000000e+00, v47;
	v47 =	vld [tilespmem:s18+$0x20];
	(erf) = vpow2.f32 v33  }
0x431: {  	v32 =	vmul.f32 $1.442695020e+00, v25;
	v33 =	vsub.f32 $0.0e+00, v34;
	v34 =	vadd.f32 v44, v38;
	v38 =	vld [tilespmem:s24+$0x30]  }
0x432: {  	v21 =	vadd.f32 $1.000000000e+00, v21;
	v25 =	vmul.f32 v42, v41;
	v41 =	vld [tilespmem:s18+$0x30];
	(erf) = vpow2.f32 v40  }
0x433: {  	v33 =	vmul.f32 $1.442695020e+00, v33;
	v34 =	vsub.f32 $0.0e+00, v34;
	v39 =	vadd.f32 v43, v39;
	v40 =	vld [tilespmem:s24+$0x40]  }
0x434: {  	v27 =	vmul.f32 v45, v27;
	v42 =	vld [tilespmem:s18+$0x40];
	(erf) = vpow2.f32 v46  }
0x435: {  	v34 =	vmul.f32 $1.442695020e+00, v34;
	v43 =	vsub.f32 $0.0e+00, v39;
	v36 =	vadd.f32 v47, v36;
	v44 =	vld [tilespmem:s24+$0x50]  }
0x436: {  	v26 =	vmul.f32 v30, v26;
	v45 =	vld [tilespmem:s18+$0x50];
	(erf) = vpow2.f32 v37  }
0x437: {  	v30 =	vmul.f32 $1.442695020e+00, v43;
	v43 =	vsub.f32 $0.0e+00, v36;
	v38 =	vadd.f32 v41, v38;
	v37 =	vld [tilespmem:s24+$0x60];
	v39 =	vpop (erf)  }
.Ltmp6:
0x438: {  	v28 =	vmul.f32 v31, v28;
	v46 =	vadd.f32 $1.000000000e+00, v39;
	v39 =	vld [tilespmem:s18+$0x60];
	(erf) = vpow2.f32 v35;
	(pc) =	sbr.rel @p0 .LBB2_15-.Ltmp6, $4  }
0x439: {  	v31 =	vmul.f32 $1.442695020e+00, v43;
	v50 =	vsub.f32 $0.0e+00, v38;
	v42 =	vadd.f32 v42, v40;
	v38 =	vld [tilespmem:s24+$0x70];
	v36 =	vpop (erf)  }
0x43a: {  	v29 =	vmul.f32 v21, v29;
	v47 =	vadd.f32 $1.000000000e+00, v36;
	v40 =	vld [tilespmem:s18+$0x70];
	(erf) = vpow2.f32 v48  }
0x43b: {  	v41 =	vld [tilespmem:s24+$0xFFFFFF00];
	v36 =	vmul.f32 $1.442695020e+00, v50;
	v43 =	vsub.f32 $0.0e+00, v42;
	v42 =	vadd.f32 v45, v44;
	v35 =	vpop (erf)  }
0x43c: {  	s24 =	sadd.s32 $0x200, s24;
	v21 =	vmul.f32 v47, v46;
	v35 =	vadd.f32 $1.000000000e+00, v35;
	(erf) = vpow2.f32 v49  }
0x43d: {  	_ =	sdelay $0x1  }
0x43e: {  	(erf) = vpow2.f32 v32  }
0x43f: {  	(erf) = vpow2.f32 v33;
	v23 =	vadd.f32 v23, v41  }
0x440: {  	v46 =	vmul.f32 $1.442695020e+00, v43;
	(erf) = vpow2.f32 v34  }
0x441: {  	v48 =	vadd.f32 v39, v37;
	(erf) = vpow2.f32 v30;
	v23 =	vsub.f32 $0.0e+00, v23  }
0x442: {  	v47 =	vsub.f32 $0.0e+00, v42;
	v49 =	vpop (erf);
	v50 =	vadd.f32 v40, v38;
	(erf) = vpow2.f32 v31  }
0x443: {  	v51 =	vpop (erf);
	v33 =	vsub.f32 $0.0e+00, v48;
	(erf) = vpow2.f32 v36;
	v23 =	vmul.f32 $1.442695020e+00, v23  }
0x444: {  	v30 =	vmul.f32 $1.442695020e+00, v47;
	v52 =	vpop (erf);
	v31 =	vsub.f32 $0.0e+00, v50;
	(erf) = vpow2.f32 v46  }
0x445: {  	v54 =	vmul.f32 $1.442695020e+00, v33;
	v53 =	vpop (erf);
	(erf) = vpow2.f32 v23  }
0x446: {  	v31 =	vmul.f32 $1.442695020e+00, v31;
	v55 =	vpop (erf);
	(erf) = vpow2.f32 v30  }
0x447: {  	v56 =	vpop (erf);
	(erf) = vpow2.f32 v54  }
0x448: {  	v16 =	vmul.f32 v16, v24;
	v58 =	vpop (erf);
	(erf) = vpow2.f32 v31  }
0x449: {  	v22 =	vmul.f32 v26, v22;
	v39 =	vmul.f32 v29, v28;
	v60 =	vpop (erf)  }
0x44a: {  	v18 =	vmul.f32 v18, v19;
	v57 =	vadd.f32 $1.000000000e+00, v49;
	v21 =	vmul.f32 v21, v27;
	v61 =	vpop (erf)  }
0x44b: {  	v16 =	vmul.f32 v17, v16;
	v59 =	vadd.f32 $1.000000000e+00, v51;
	v36 =	vadd.f32 $1.000000000e+00, v52;
	v62 =	vpop (erf)  }
0x44c: {  	v22 =	vmul.f32 v39, v22;
	v32 =	vadd.f32 $1.000000000e+00, v53;
	v33 =	vadd.f32 $1.000000000e+00, v55;
	v63 =	vpop (erf)  }
0x44d: {  	v34 =	vmul.f32 v36, v59;
	v30 =	vmul.f32 v57, v35;
	v36 =	vadd.f32 $1.000000000e+00, v56;
	v38 =	vpop (erf)  }
0x44e: {  	v32 =	vmul.f32 v33, v32;
	v23 =	vadd.f32 $1.000000000e+00, v58;
	v41 =	vadd.f32 $1.000000000e+00, v60;
	v40 =	vpop (erf)  }
0x44f: {  	v30 =	vmul.f32 v34, v30;
	v43 =	vadd.f32 $1.000000000e+00, v61;
	v44 =	vadd.f32 $1.000000000e+00, v62;
	v42 =	vpop (erf)  }
0x450: {  	v23 =	vmul.f32 v23, v36;
	v24 =	vadd.f32 $1.000000000e+00, v63;
	v17 =	vadd.f32 $1.000000000e+00, v40;
	v45 =	vpop (erf)  }
0x451: {  	v47 =	vmul.f32 v43, v41;
	v33 =	vadd.f32 $1.000000000e+00, v38;
	v19 =	vadd.f32 $1.000000000e+00, v42;
	v46 =	vpop (erf)  }
0x452: {  	v27 =	vadd.f32 $1.000000000e+00, v45;
	v17 =	vmul.f32 v20, v17;
	v26 =	vadd.f32 $1.000000000e+00, v46  }
0x453: {  	v24 =	vmul.f32 v24, v44;
	v19 =	vmul.f32 v19, v33  }
0x454: {  	v17 =	vmul.f32 v25, v17;
	v26 =	vmul.f32 v26, v27  }
0x455: {  	[tilespmem:s21+$0xFFFFFFDE] =	vst v16;
	v16 =	vmul.f32 v23, v32;
	v20 =	vmul.f32 v24, v47  }
0x456: {  	v49 =	vadd.s32 s19, v0;
	[tilespmem:s21+$0xFFFFFFEF] =	vst v18;
	v17 =	vmul.f32 v21, v17;
	v48 =	vmul.f32 v26, v19  }
0x457: {  	[tilespmem:s21+$0x0] =	vst v22;
	v50 =	vadd.s32 s19, v1;
	v16 =	vmul.f32 v16, v30  }
0x458: {  	[tilespmem:s20+$0xFFFFFFDE] =	vst v17;
	v17 =	vmul.f32 v48, v20  }
0x459: {  	[tilespmem:s20+$0xFFFFFFEF] =	vst v16;
	v16 =	vadd.s32 s19, v2  }
0x45a: {  	[tilespmem:s20+$0x0] =	vst v17  }
0x45b: {  	v51 =	vadd.s32 s19, v3;
	v17 =	vld.idx.msk [tilespmem:v49+s31+$0x0], $0xffff  }
0x45c: {  	v52 =	vld.idx.msk [tilespmem:v50+s31+$0x0], $0xffff  }
0x45d: {  	v53 =	vadd.s32 s19, v4  }
0x45e: {  	v16 =	vld.idx.msk [tilespmem:v16+s31+$0x0], $0xffff  }
0x45f: {  	v54 =	vadd.s32 s19, v5  }
0x460: {  	v18 =	vld.idx.msk [tilespmem:v51+s31+$0x0], $0xffff  }
0x461: {  	v55 =	vadd.s32 s19, v6;
	v17 =	vmul.f32 v52, v17  }
0x462: {  	v20 =	vld.idx.msk [tilespmem:v53+s31+$0x0], $0xffff  }
0x463: {  	v16 =	vmul.f32 v16, v17;
	v17 =	vadd.s32 s19, v7  }
0x464: {  	v21 =	vld.idx.msk [tilespmem:v54+s31+$0x0], $0xffff  }
0x465: {  	v56 =	vadd.s32 s19, v8;
	v16 =	vmul.f32 v18, v16  }
0x466: {  	v19 =	vld.idx.msk [tilespmem:v55+s31+$0x0], $0xffff  }
0x467: {  	v57 =	vadd.s32 s19, v9;
	v16 =	vmul.f32 v20, v16  }
0x468: {  	v17 =	vld.idx.msk [tilespmem:v17+s31+$0x0], $0xffff  }
0x469: {  	v58 =	vadd.s32 s19, v10;
	v16 =	vmul.f32 v21, v16  }
0x46a: {  	v18 =	vld.idx.msk [tilespmem:v56+s31+$0x0], $0xffff  }
0x46b: {  	v59 =	vadd.s32 s19, v11;
	v16 =	vmul.f32 v19, v16  }
0x46c: {  	v20 =	vld.idx.msk [tilespmem:v57+s31+$0x0], $0xffff  }
0x46d: {  	v16 =	vmul.f32 v17, v16;
	v17 =	vadd.s32 s19, v12  }
0x46e: {  	v21 =	vld.idx.msk [tilespmem:v58+s31+$0x0], $0xffff  }
0x46f: {  	v60 =	vadd.s32 s19, v13;
	v16 =	vmul.f32 v18, v16  }
0x470: {  	v19 =	vld.idx.msk [tilespmem:v59+s31+$0x0], $0xffff  }
0x471: {  	v61 =	vadd.s32 s19, v14;
	v16 =	vmul.f32 v20, v16  }
0x472: {  	v17 =	vld.idx.msk [tilespmem:v17+s31+$0x0], $0xffff  }
0x473: {  	v62 =	vadd.s32 s19, v15;
	v16 =	vmul.f32 v21, v16  }
0x474: {  	v18 =	vld.idx.msk [tilespmem:v60+s31+$0x0], $0xffff  }
0x475: {  	v16 =	vmul.f32 v19, v16  }
0x476: {  	v63 =	vld.idx.msk [tilespmem:v61+s31+$0x0], $0xffff  }
0x477: {  	v16 =	vmul.f32 v17, v16  }
0x478: {  	v17 =	vld.idx.msk [tilespmem:v62+s31+$0x0], $0xffff  }
0x479: {  	v16 =	vmul.f32 v18, v16;
	_ =	sdelay $0x1  }
0x47a: {  	v16 =	vmul.f32 v63, v16;
	_ =	sdelay $0x1  }
0x47b: {  	v16 =	vmul.f32 v17, v16;
	_ =	sdelay $0x1  }
0x47c: {  	(erf) = vrcp.f32 v16;
	_ =	sdelay $0x3  }
0x47d: {  	s18 =	sshll.u32 s29, $0x4;
	s29 =	sadd.s32 $0x1, s29  }
0x47e: {  	p0 =	sne.s32 s29, $0x8  }
.Ltmp7:
0x47f: {  	_ = 	snop;
	(pc) =	sbr.rel @p0 .LBB2_14-.Ltmp7, $3  }
0x480: {  	_ =	sdelay $0x1  }
0x481: {  	s18 =	sand.u32 $0x3FFFFFF0, s18;
	v16 =	vpop (erf)  }
0x482: {  	s25 =	sadd.s32 $0x800, s25;
	s15 =	sadd.s32 $0x800, s15;
	s17 =	sadd.s32 $0x110, s17;
	[tilespmem:s18+$0x18580] =	vst v16  }
0x483: {  	s28 =	sadd.s32 $0x1, s28  }
0x484: {  	p0 =	sne.s32 s28, s14  }
.Ltmp8:
0x485: {  	s15 =	simm.s32 $0x18400;
	(pc) =	sbr.rel @p0 .LBB2_1-.Ltmp8, $4  }
0x486: {  	[hbm4b:s13+s4] =	stream.linear.scatter [tilespmem:s15], [sflag:$0x5], $0x200, $0x38;
	[tilespmem:$0x18E80] =	vst v63  }
0x487: {  	_ =	swait.ge [sflag:s26], $0x200  }
0x488: {  	[sflag:s26] =	ssyncset.done $0x0  }
0x489: {  	[sflag:s26] =	ssyncadd.s32 $0xFFFFFE00  }
0x48a: {  	_ =	sfence.sel $0x180000  }
0x48b: {  	[bflag:$0x0] =	sbarrier.arrive $0xFFFF  }
0x48c: {  	_ =	strace $0x90000047  }
0x48d: {  	s0 =	stileid.u32;
	[bflag:$0x2] =	sbarrier.arrive $0xFFFF  }
0x48e: {  	p0 =	sne.s32 s0, $0x0;
	s0 =	rddreg [dreg:$0x5]  }
0x48f: {  	s0 =	sadd.s32 @!p0 $0x100000, s0  }
0x490: {  	[sflag:s0] =	ssyncadd.tile.s32 @!p0 $0x1;
	_ =	shalt  }
.Lfunc_end2:
_tile_overlayer_lowered:
.L_overlay_start_2:
0x491: {  	(tag) =	ssettag $0x2  }
0x492: {  	s0 =	rddreg [dreg:$0x0];
	s2 =	stileid.u32  }
0x493: {  	s1 =	rddreg [dreg:$0x1];
	p0 =	sne.s32 s2, $0x0  }
0x494: {  	s3 =	rddreg [dreg:$0x2];
	[bflag:$0x3] =	sbarrier.arrive $0xFFFF;
	s2 =	simm.s32 @!p0 $0x1C05  }
0x495: {  	[timem:s3], [sflag:s2] =	dma.local @!p0 [hbm:s0], s1  }
0x496: {  	s0 =	simm.s32 @!p0 $0x5  }
0x497: {  	_ =	swait.ge @!p0 [sflag:s0], s1  }
0x498: {  	s1 =	ssub.s32 @!p0 $0x0, s1;
	[sflag:s0] =	ssyncset.done @!p0 $0x0  }
0x499: {  	[sflag:s0] =	ssyncadd.s32 @!p0 s1  }
0x49a: {  	[bflag:$0x3] =	sbarrier.arrive $0xFFFF  }
0x49b: {  	_ =	shalt  }

</sc_bundles>
